<compile_context>
chip_gen: v7x
topology: tpu7x:2x2x1
jax: 0.10.2.dev20260603
libtpu: 0.0.44.dev20260713+nightly
codegen_flags: <defaults>
</compile_context>

<pallas_src>
import jax
import jax.numpy as jnp
from jax import lax
from jax.experimental import pallas as pl
from jax.experimental.pallas import tpu as pltpu
from jax.experimental.pallas import tpu_sc as plsc

VOCAB = 1000
DIM = 128
SEQ = 50
SAMPLES = 4096
NC, NS = 2, 16
NW = NC * NS
SAMP_W = SAMPLES // NW
HALF = 64
N_ROUND = SEQ * 2
NBUF = 10
STAGE_PIECES = 8


def _gather_body(idx_hbm, table_hbm, out_hbm, table_sh, idx_v, *rest):
    c = lax.axis_index("c")
    s = lax.axis_index("s")
    wid = s * NC + c
    base = wid * SAMP_W

    bufs = rest[:NBUF]
    gsems = rest[NBUF : 2 * NBUF]
    ssems = rest[2 * NBUF :]

    idx_cp = pltpu.async_copy(idx_hbm.at[:, pl.ds(base, SAMP_W)], idx_v, ssems[0])
    for g in range(STAGE_PIECES):
        r0 = s * (STAGE_PIECES * 8) + g * 8

        @pl.when(r0 < VOCAB)
        def _():
            pltpu.async_copy(
                table_hbm.at[pl.ds(r0, 8)], table_sh.at[pl.ds(r0, 8)], gsems[0]
            )

    for g in range(STAGE_PIECES):
        r0 = s * (STAGE_PIECES * 8) + g * 8

        @pl.when(r0 < VOCAB)
        def _():
            pltpu.make_async_copy(
                table_hbm.at[pl.ds(r0, 8)], table_sh.at[pl.ds(r0, 8)], gsems[0]
            ).wait()

    idx_cp.wait()
    plsc.subcore_barrier()

    def gather_src(r):
        t, h = r // 2, r % 2
        return table_sh.at[idx_v.at[t, pl.ds(h * HALF, HALF)]]

    def out_dst(r):
        t, h = r // 2, r % 2
        return out_hbm.at[t, pl.ds(base + h * HALF, HALF)]

    for b in range(NBUF):
        pltpu.async_copy(gather_src(b), bufs[b], gsems[b])

    @pl.loop(0, N_ROUND, step=NBUF)
    def _(j):
        for b in range(NBUF):
            pltpu.make_async_copy(gather_src(j + b), bufs[b], gsems[b]).wait()
            pltpu.async_copy(bufs[b], out_dst(j + b), ssems[b])
        for b in range(NBUF):

            @pl.when(j + NBUF + b < N_ROUND)
            def _():
                pltpu.make_async_copy(bufs[b], out_dst(j + b), ssems[b]).wait()
                pltpu.async_copy(gather_src(j + NBUF + b), bufs[b], gsems[b])

    for b in range(NBUF):
        pltpu.make_async_copy(
            bufs[b], out_dst(N_ROUND - NBUF + b), ssems[b]
        ).wait()


@jax.jit
def _lookup(idx_t, table):
    mesh = plsc.VectorSubcoreMesh(
        core_axis_name="c", subcore_axis_name="s", num_cores=NC, num_subcores=NS
    )
    return pl.kernel(
        _gather_body,
        out_type=jax.ShapeDtypeStruct((SEQ, SAMPLES, DIM), jnp.float32),
        mesh=mesh,
        compiler_params=pltpu.CompilerParams(use_tc_tiling_on_sc=True),
        scratch_types=[
            pltpu.VMEM_SHARED((VOCAB, DIM), jnp.float32),
            pltpu.VMEM((SEQ, SAMP_W), jnp.int32),
        ]
        + [pltpu.VMEM((HALF, DIM), jnp.float32) for _ in range(NBUF)]
        + [pltpu.SemaphoreType.DMA for _ in range(2 * NBUF)],
    )(idx_t, table)


def kernel(indices, center_weight):
    idx_t = indices.astype(jnp.int32).T
    out_t = _lookup(idx_t, center_weight)
    return jnp.transpose(out_t, (1, 0, 2))

# --- scband reference (transcript-rebuilt; emitter-appended) ---
"""Pipeline reference for scband-random-initialized-embeddings-78623671321025 (READ-ONLY COPY).

The authoritative reference and input builder live on the scoring server;
editing this copy changes nothing except your own understanding.
"""

import jax, jax.numpy as jnp
import numpy as np

VOCAB = 1000
DIM = 128

def setup_inputs(seed: int = 0) -> dict:
    key = jax.random.key(seed)
    k1, k2 = jax.random.split(key, 2)
    indices = jax.random.randint(k1, (4096, 50), 0, VOCAB)
    # xavier_normal_ on an (VOCAB, DIM) weight: std = sqrt(2 / (fan_in + fan_out))
    std = float(np.sqrt(2.0 / (VOCAB + DIM)))
    center_weight = jax.random.normal(k2, (VOCAB, DIM), dtype=jnp.float32) * std
    return {"indices": indices, "center_weight": center_weight}

def reference(indices, center_weight):
    # Embedding lookup (gather) into the center embedding table,
    # equivalent to nn.Embedding(...)(indices).
    return jnp.take(center_weight, indices, axis=0)

if __name__ == "__main__":
    import jax
    _d = setup_inputs()
    print(jax.jit(kernel)(*tuple(_d.values())))

</pallas_src>

<mosaic_0001>
#map = affine_map<(d0, d1) -> (0, 0)>
#map1 = affine_map<(d0, d1) -> (0, 0, 0)>
module attributes {stable_mosaic.version = 14 : i64} {
  func.func @_gather_body(%arg0: i32, %arg1: i32, %arg2: memref<50x4096xi32, #tpu.memory_space<hbm>>, %arg3: memref<1000x128xf32, #tpu.memory_space<hbm>>, %arg4: memref<50x4096x128xf32, #tpu.memory_space<hbm>>, %arg5: memref<1000x128xf32, #tpu.memory_space<vmem_shared>>, %arg6: memref<50x128xi32, #tpu.memory_space<vmem>>, %arg7: memref<64x128xf32, #tpu.memory_space<vmem>>, %arg8: memref<64x128xf32, #tpu.memory_space<vmem>>, %arg9: memref<64x128xf32, #tpu.memory_space<vmem>>, %arg10: memref<64x128xf32, #tpu.memory_space<vmem>>, %arg11: memref<64x128xf32, #tpu.memory_space<vmem>>, %arg12: memref<64x128xf32, #tpu.memory_space<vmem>>, %arg13: memref<64x128xf32, #tpu.memory_space<vmem>>, %arg14: memref<64x128xf32, #tpu.memory_space<vmem>>, %arg15: memref<64x128xf32, #tpu.memory_space<vmem>>, %arg16: memref<64x128xf32, #tpu.memory_space<vmem>>, %arg17: memref<!tpu.dma_semaphore, #tpu.memory_space<semaphore_mem>>, %arg18: memref<!tpu.dma_semaphore, #tpu.memory_space<semaphore_mem>>, %arg19: memref<!tpu.dma_semaphore, #tpu.memory_space<semaphore_mem>>, %arg20: memref<!tpu.dma_semaphore, #tpu.memory_space<semaphore_mem>>, %arg21: memref<!tpu.dma_semaphore, #tpu.memory_space<semaphore_mem>>, %arg22: memref<!tpu.dma_semaphore, #tpu.memory_space<semaphore_mem>>, %arg23: memref<!tpu.dma_semaphore, #tpu.memory_space<semaphore_mem>>, %arg24: memref<!tpu.dma_semaphore, #tpu.memory_space<semaphore_mem>>, %arg25: memref<!tpu.dma_semaphore, #tpu.memory_space<semaphore_mem>>, %arg26: memref<!tpu.dma_semaphore, #tpu.memory_space<semaphore_mem>>, %arg27: memref<!tpu.dma_semaphore, #tpu.memory_space<semaphore_mem>>, %arg28: memref<!tpu.dma_semaphore, #tpu.memory_space<semaphore_mem>>, %arg29: memref<!tpu.dma_semaphore, #tpu.memory_space<semaphore_mem>>, %arg30: memref<!tpu.dma_semaphore, #tpu.memory_space<semaphore_mem>>, %arg31: memref<!tpu.dma_semaphore, #tpu.memory_space<semaphore_mem>>, %arg32: memref<!tpu.dma_semaphore, #tpu.memory_space<semaphore_mem>>, %arg33: memref<!tpu.dma_semaphore, #tpu.memory_space<semaphore_mem>>, %arg34: memref<!tpu.dma_semaphore, #tpu.memory_space<semaphore_mem>>, %arg35: memref<!tpu.dma_semaphore, #tpu.memory_space<semaphore_mem>>, %arg36: memref<!tpu.dma_semaphore, #tpu.memory_space<semaphore_mem>>) attributes {dimension_semantics = [#tpu.dimension_semantics<core_parallel>, #tpu.dimension_semantics<subcore_parallel>], iteration_bounds = array<i64: 2, 16>, scalar_prefetch = 0 : i64, scratch_operands = 32 : i64, tpu.core_type = #tpu.core_type<sc_vector_subcore>, window_params = [{transform_indices = #map}, {transform_indices = #map}, {transform_indices = #map1}]} {
    %mul3A = arith.constant 2 : i32
    %mul3A_0 = arith.muli %arg1, %mul3A : i32
    %add3A = arith.addi %mul3A_0, %arg0 : i32
    %mul3A_1 = arith.constant 128 : i32
    %mul3A_2 = arith.muli %add3A, %mul3A_1 : i32
    %dma_start3A = arith.constant 0 : i32
    %dma_start3A_3 = tpu.memref_slice %arg2[%dma_start3A, %mul3A_2] : memref<50x4096xi32, #tpu.memory_space<hbm>> -> memref<50x128xi32, #tpu.memory_space<hbm>>
    %dma_start3A_4 = arith.constant 0 : i32
    %dma_start3A_5 = tpu.memref_slice %arg2[%dma_start3A_4, %mul3A_2] : memref<50x4096xi32, #tpu.memory_space<hbm>> -> memref<50x128xi32, #tpu.memory_space<hbm>>
    tpu.enqueue_dma source(%dma_start3A_5 : memref<50x128xi32, #tpu.memory_space<hbm>>) target(%arg6 : memref<50x128xi32, #tpu.memory_space<vmem>>) target_semaphore(%arg27 : memref<!tpu.dma_semaphore, #tpu.memory_space<semaphore_mem>>)
    %mul3A_6 = arith.constant 64 : i32
    %mul3A_7 = arith.muli %arg1, %mul3A_6 : i32
    %add3A_8 = arith.constant 0 : i32
    %add3A_9 = arith.addi %mul3A_7, %add3A_8 : i32
    %lt3A = arith.constant 1000 : i32
    %lt3A_10 = arith.cmpi slt, %add3A_9, %lt3A : i32
    %convert_element_type3A = arith.extui %lt3A_10 : i1 to i32
    %cond3A = arith.constant 0 : i32
    %cond3A_11 = arith.cmpi ne, %convert_element_type3A, %cond3A : i32
    scf.if %cond3A_11 {
      %dma_start3A_314 = arith.constant 0 : i32
      %dma_start3A_315 = tpu.memref_slice %arg5[%add3A_9, %dma_start3A_314] : memref<1000x128xf32, #tpu.memory_space<vmem_shared>> -> memref<8x128xf32, #tpu.memory_space<vmem_shared>>
      %dma_start3A_316 = arith.constant 0 : i32
      %dma_start3A_317 = tpu.memref_slice %arg3[%add3A_9, %dma_start3A_316] : memref<1000x128xf32, #tpu.memory_space<hbm>> -> memref<8x128xf32, #tpu.memory_space<hbm>>
      tpu.enqueue_dma source(%dma_start3A_317 : memref<8x128xf32, #tpu.memory_space<hbm>>) target(%dma_start3A_315 : memref<8x128xf32, #tpu.memory_space<vmem_shared>>) target_semaphore(%arg17 : memref<!tpu.dma_semaphore, #tpu.memory_space<semaphore_mem>>)
    } else {
    }
    %mul3A_12 = arith.constant 64 : i32
    %mul3A_13 = arith.muli %arg1, %mul3A_12 : i32
    %add3A_14 = arith.constant 8 : i32
    %add3A_15 = arith.addi %mul3A_13, %add3A_14 : i32
    %lt3A_16 = arith.constant 1000 : i32
    %lt3A_17 = arith.cmpi slt, %add3A_15, %lt3A_16 : i32
    %convert_element_type3A_18 = arith.extui %lt3A_17 : i1 to i32
    %cond3A_19 = arith.constant 0 : i32
    %cond3A_20 = arith.cmpi ne, %convert_element_type3A_18, %cond3A_19 : i32
    scf.if %cond3A_20 {
      %dma_start3A_314 = arith.constant 0 : i32
      %dma_start3A_315 = tpu.memref_slice %arg5[%add3A_15, %dma_start3A_314] : memref<1000x128xf32, #tpu.memory_space<vmem_shared>> -> memref<8x128xf32, #tpu.memory_space<vmem_shared>>
      %dma_start3A_316 = arith.constant 0 : i32
      %dma_start3A_317 = tpu.memref_slice %arg3[%add3A_15, %dma_start3A_316] : memref<1000x128xf32, #tpu.memory_space<hbm>> -> memref<8x128xf32, #tpu.memory_space<hbm>>
      tpu.enqueue_dma source(%dma_start3A_317 : memref<8x128xf32, #tpu.memory_space<hbm>>) target(%dma_start3A_315 : memref<8x128xf32, #tpu.memory_space<vmem_shared>>) target_semaphore(%arg17 : memref<!tpu.dma_semaphore, #tpu.memory_space<semaphore_mem>>)
    } else {
    }
    %mul3A_21 = arith.constant 64 : i32
    %mul3A_22 = arith.muli %arg1, %mul3A_21 : i32
    %add3A_23 = arith.constant 16 : i32
    %add3A_24 = arith.addi %mul3A_22, %add3A_23 : i32
    %lt3A_25 = arith.constant 1000 : i32
    %lt3A_26 = arith.cmpi slt, %add3A_24, %lt3A_25 : i32
    %convert_element_type3A_27 = arith.extui %lt3A_26 : i1 to i32
    %cond3A_28 = arith.constant 0 : i32
    %cond3A_29 = arith.cmpi ne, %convert_element_type3A_27, %cond3A_28 : i32
    scf.if %cond3A_29 {
      %dma_start3A_314 = arith.constant 0 : i32
      %dma_start3A_315 = tpu.memref_slice %arg5[%add3A_24, %dma_start3A_314] : memref<1000x128xf32, #tpu.memory_space<vmem_shared>> -> memref<8x128xf32, #tpu.memory_space<vmem_shared>>
      %dma_start3A_316 = arith.constant 0 : i32
      %dma_start3A_317 = tpu.memref_slice %arg3[%add3A_24, %dma_start3A_316] : memref<1000x128xf32, #tpu.memory_space<hbm>> -> memref<8x128xf32, #tpu.memory_space<hbm>>
      tpu.enqueue_dma source(%dma_start3A_317 : memref<8x128xf32, #tpu.memory_space<hbm>>) target(%dma_start3A_315 : memref<8x128xf32, #tpu.memory_space<vmem_shared>>) target_semaphore(%arg17 : memref<!tpu.dma_semaphore, #tpu.memory_space<semaphore_mem>>)
    } else {
    }
    %mul3A_30 = arith.constant 64 : i32
    %mul3A_31 = arith.muli %arg1, %mul3A_30 : i32
    %add3A_32 = arith.constant 24 : i32
    %add3A_33 = arith.addi %mul3A_31, %add3A_32 : i32
    %lt3A_34 = arith.constant 1000 : i32
    %lt3A_35 = arith.cmpi slt, %add3A_33, %lt3A_34 : i32
    %convert_element_type3A_36 = arith.extui %lt3A_35 : i1 to i32
    %cond3A_37 = arith.constant 0 : i32
    %cond3A_38 = arith.cmpi ne, %convert_element_type3A_36, %cond3A_37 : i32
    scf.if %cond3A_38 {
      %dma_start3A_314 = arith.constant 0 : i32
      %dma_start3A_315 = tpu.memref_slice %arg5[%add3A_33, %dma_start3A_314] : memref<1000x128xf32, #tpu.memory_space<vmem_shared>> -> memref<8x128xf32, #tpu.memory_space<vmem_shared>>
      %dma_start3A_316 = arith.constant 0 : i32
      %dma_start3A_317 = tpu.memref_slice %arg3[%add3A_33, %dma_start3A_316] : memref<1000x128xf32, #tpu.memory_space<hbm>> -> memref<8x128xf32, #tpu.memory_space<hbm>>
      tpu.enqueue_dma source(%dma_start3A_317 : memref<8x128xf32, #tpu.memory_space<hbm>>) target(%dma_start3A_315 : memref<8x128xf32, #tpu.memory_space<vmem_shared>>) target_semaphore(%arg17 : memref<!tpu.dma_semaphore, #tpu.memory_space<semaphore_mem>>)
    } else {
    }
    %mul3A_39 = arith.constant 64 : i32
    %mul3A_40 = arith.muli %arg1, %mul3A_39 : i32
    %add3A_41 = arith.constant 32 : i32
    %add3A_42 = arith.addi %mul3A_40, %add3A_41 : i32
    %lt3A_43 = arith.constant 1000 : i32
    %lt3A_44 = arith.cmpi slt, %add3A_42, %lt3A_43 : i32
    %convert_element_type3A_45 = arith.extui %lt3A_44 : i1 to i32
    %cond3A_46 = arith.constant 0 : i32
    %cond3A_47 = arith.cmpi ne, %convert_element_type3A_45, %cond3A_46 : i32
    scf.if %cond3A_47 {
      %dma_start3A_314 = arith.constant 0 : i32
      %dma_start3A_315 = tpu.memref_slice %arg5[%add3A_42, %dma_start3A_314] : memref<1000x128xf32, #tpu.memory_space<vmem_shared>> -> memref<8x128xf32, #tpu.memory_space<vmem_shared>>
      %dma_start3A_316 = arith.constant 0 : i32
      %dma_start3A_317 = tpu.memref_slice %arg3[%add3A_42, %dma_start3A_316] : memref<1000x128xf32, #tpu.memory_space<hbm>> -> memref<8x128xf32, #tpu.memory_space<hbm>>
      tpu.enqueue_dma source(%dma_start3A_317 : memref<8x128xf32, #tpu.memory_space<hbm>>) target(%dma_start3A_315 : memref<8x128xf32, #tpu.memory_space<vmem_shared>>) target_semaphore(%arg17 : memref<!tpu.dma_semaphore, #tpu.memory_space<semaphore_mem>>)
    } else {
    }
    %mul3A_48 = arith.constant 64 : i32
    %mul3A_49 = arith.muli %arg1, %mul3A_48 : i32
    %add3A_50 = arith.constant 40 : i32
    %add3A_51 = arith.addi %mul3A_49, %add3A_50 : i32
    %lt3A_52 = arith.constant 1000 : i32
    %lt3A_53 = arith.cmpi slt, %add3A_51, %lt3A_52 : i32
    %convert_element_type3A_54 = arith.extui %lt3A_53 : i1 to i32
    %cond3A_55 = arith.constant 0 : i32
    %cond3A_56 = arith.cmpi ne, %convert_element_type3A_54, %cond3A_55 : i32
    scf.if %cond3A_56 {
      %dma_start3A_314 = arith.constant 0 : i32
      %dma_start3A_315 = tpu.memref_slice %arg5[%add3A_51, %dma_start3A_314] : memref<1000x128xf32, #tpu.memory_space<vmem_shared>> -> memref<8x128xf32, #tpu.memory_space<vmem_shared>>
      %dma_start3A_316 = arith.constant 0 : i32
      %dma_start3A_317 = tpu.memref_slice %arg3[%add3A_51, %dma_start3A_316] : memref<1000x128xf32, #tpu.memory_space<hbm>> -> memref<8x128xf32, #tpu.memory_space<hbm>>
      tpu.enqueue_dma source(%dma_start3A_317 : memref<8x128xf32, #tpu.memory_space<hbm>>) target(%dma_start3A_315 : memref<8x128xf32, #tpu.memory_space<vmem_shared>>) target_semaphore(%arg17 : memref<!tpu.dma_semaphore, #tpu.memory_space<semaphore_mem>>)
    } else {
    }
    %mul3A_57 = arith.constant 64 : i32
    %mul3A_58 = arith.muli %arg1, %mul3A_57 : i32
    %add3A_59 = arith.constant 48 : i32
    %add3A_60 = arith.addi %mul3A_58, %add3A_59 : i32
    %lt3A_61 = arith.constant 1000 : i32
    %lt3A_62 = arith.cmpi slt, %add3A_60, %lt3A_61 : i32
    %convert_element_type3A_63 = arith.extui %lt3A_62 : i1 to i32
    %cond3A_64 = arith.constant 0 : i32
    %cond3A_65 = arith.cmpi ne, %convert_element_type3A_63, %cond3A_64 : i32
    scf.if %cond3A_65 {
      %dma_start3A_314 = arith.constant 0 : i32
      %dma_start3A_315 = tpu.memref_slice %arg5[%add3A_60, %dma_start3A_314] : memref<1000x128xf32, #tpu.memory_space<vmem_shared>> -> memref<8x128xf32, #tpu.memory_space<vmem_shared>>
      %dma_start3A_316 = arith.constant 0 : i32
      %dma_start3A_317 = tpu.memref_slice %arg3[%add3A_60, %dma_start3A_316] : memref<1000x128xf32, #tpu.memory_space<hbm>> -> memref<8x128xf32, #tpu.memory_space<hbm>>
      tpu.enqueue_dma source(%dma_start3A_317 : memref<8x128xf32, #tpu.memory_space<hbm>>) target(%dma_start3A_315 : memref<8x128xf32, #tpu.memory_space<vmem_shared>>) target_semaphore(%arg17 : memref<!tpu.dma_semaphore, #tpu.memory_space<semaphore_mem>>)
    } else {
    }
    %mul3A_66 = arith.constant 64 : i32
    %mul3A_67 = arith.muli %arg1, %mul3A_66 : i32
    %add3A_68 = arith.constant 56 : i32
    %add3A_69 = arith.addi %mul3A_67, %add3A_68 : i32
    %lt3A_70 = arith.constant 1000 : i32
    %lt3A_71 = arith.cmpi slt, %add3A_69, %lt3A_70 : i32
    %convert_element_type3A_72 = arith.extui %lt3A_71 : i1 to i32
    %cond3A_73 = arith.constant 0 : i32
    %cond3A_74 = arith.cmpi ne, %convert_element_type3A_72, %cond3A_73 : i32
    scf.if %cond3A_74 {
      %dma_start3A_314 = arith.constant 0 : i32
      %dma_start3A_315 = tpu.memref_slice %arg5[%add3A_69, %dma_start3A_314] : memref<1000x128xf32, #tpu.memory_space<vmem_shared>> -> memref<8x128xf32, #tpu.memory_space<vmem_shared>>
      %dma_start3A_316 = arith.constant 0 : i32
      %dma_start3A_317 = tpu.memref_slice %arg3[%add3A_69, %dma_start3A_316] : memref<1000x128xf32, #tpu.memory_space<hbm>> -> memref<8x128xf32, #tpu.memory_space<hbm>>
      tpu.enqueue_dma source(%dma_start3A_317 : memref<8x128xf32, #tpu.memory_space<hbm>>) target(%dma_start3A_315 : memref<8x128xf32, #tpu.memory_space<vmem_shared>>) target_semaphore(%arg17 : memref<!tpu.dma_semaphore, #tpu.memory_space<semaphore_mem>>)
    } else {
    }
    %mul3A_75 = arith.constant 64 : i32
    %mul3A_76 = arith.muli %arg1, %mul3A_75 : i32
    %add3A_77 = arith.constant 0 : i32
    %add3A_78 = arith.addi %mul3A_76, %add3A_77 : i32
    %lt3A_79 = arith.constant 1000 : i32
    %lt3A_80 = arith.cmpi slt, %add3A_78, %lt3A_79 : i32
    %convert_element_type3A_81 = arith.extui %lt3A_80 : i1 to i32
    %cond3A_82 = arith.constant 0 : i32
    %cond3A_83 = arith.cmpi ne, %convert_element_type3A_81, %cond3A_82 : i32
    scf.if %cond3A_83 {
      %dma_wait3A_314 = arith.constant 0 : i32
      %dma_wait3A_315 = tpu.memref_slice %arg5[%add3A_78, %dma_wait3A_314] : memref<1000x128xf32, #tpu.memory_space<vmem_shared>> -> memref<8x128xf32, #tpu.memory_space<vmem_shared>>
      %dma_wait3A_316 = arith.constant 0 : i32
      %dma_wait3A_317 = tpu.memref_slice %arg3[%add3A_78, %dma_wait3A_316] : memref<1000x128xf32, #tpu.memory_space<hbm>> -> memref<8x128xf32, #tpu.memory_space<hbm>>
      tpu.wait_dma2 semaphore(%arg17 : memref<!tpu.dma_semaphore, #tpu.memory_space<semaphore_mem>>) src(%dma_wait3A_317 : memref<8x128xf32, #tpu.memory_space<hbm>>) dst(%dma_wait3A_315 : memref<8x128xf32, #tpu.memory_space<vmem_shared>>)
    } else {
    }
    %mul3A_84 = arith.constant 64 : i32
    %mul3A_85 = arith.muli %arg1, %mul3A_84 : i32
    %add3A_86 = arith.constant 8 : i32
    %add3A_87 = arith.addi %mul3A_85, %add3A_86 : i32
    %lt3A_88 = arith.constant 1000 : i32
    %lt3A_89 = arith.cmpi slt, %add3A_87, %lt3A_88 : i32
    %convert_element_type3A_90 = arith.extui %lt3A_89 : i1 to i32
    %cond3A_91 = arith.constant 0 : i32
    %cond3A_92 = arith.cmpi ne, %convert_element_type3A_90, %cond3A_91 : i32
    scf.if %cond3A_92 {
      %dma_wait3A_314 = arith.constant 0 : i32
      %dma_wait3A_315 = tpu.memref_slice %arg5[%add3A_87, %dma_wait3A_314] : memref<1000x128xf32, #tpu.memory_space<vmem_shared>> -> memref<8x128xf32, #tpu.memory_space<vmem_shared>>
      %dma_wait3A_316 = arith.constant 0 : i32
      %dma_wait3A_317 = tpu.memref_slice %arg3[%add3A_87, %dma_wait3A_316] : memref<1000x128xf32, #tpu.memory_space<hbm>> -> memref<8x128xf32, #tpu.memory_space<hbm>>
      tpu.wait_dma2 semaphore(%arg17 : memref<!tpu.dma_semaphore, #tpu.memory_space<semaphore_mem>>) src(%dma_wait3A_317 : memref<8x128xf32, #tpu.memory_space<hbm>>) dst(%dma_wait3A_315 : memref<8x128xf32, #tpu.memory_space<vmem_shared>>)
    } else {
    }
    %mul3A_93 = arith.constant 64 : i32
    %mul3A_94 = arith.muli %arg1, %mul3A_93 : i32
    %add3A_95 = arith.constant 16 : i32
    %add3A_96 = arith.addi %mul3A_94, %add3A_95 : i32
    %lt3A_97 = arith.constant 1000 : i32
    %lt3A_98 = arith.cmpi slt, %add3A_96, %lt3A_97 : i32
    %convert_element_type3A_99 = arith.extui %lt3A_98 : i1 to i32
    %cond3A_100 = arith.constant 0 : i32
    %cond3A_101 = arith.cmpi ne, %convert_element_type3A_99, %cond3A_100 : i32
    scf.if %cond3A_101 {
      %dma_wait3A_314 = arith.constant 0 : i32
      %dma_wait3A_315 = tpu.memref_slice %arg5[%add3A_96, %dma_wait3A_314] : memref<1000x128xf32, #tpu.memory_space<vmem_shared>> -> memref<8x128xf32, #tpu.memory_space<vmem_shared>>
      %dma_wait3A_316 = arith.constant 0 : i32
      %dma_wait3A_317 = tpu.memref_slice %arg3[%add3A_96, %dma_wait3A_316] : memref<1000x128xf32, #tpu.memory_space<hbm>> -> memref<8x128xf32, #tpu.memory_space<hbm>>
      tpu.wait_dma2 semaphore(%arg17 : memref<!tpu.dma_semaphore, #tpu.memory_space<semaphore_mem>>) src(%dma_wait3A_317 : memref<8x128xf32, #tpu.memory_space<hbm>>) dst(%dma_wait3A_315 : memref<8x128xf32, #tpu.memory_space<vmem_shared>>)
    } else {
    }
    %mul3A_102 = arith.constant 64 : i32
    %mul3A_103 = arith.muli %arg1, %mul3A_102 : i32
    %add3A_104 = arith.constant 24 : i32
    %add3A_105 = arith.addi %mul3A_103, %add3A_104 : i32
    %lt3A_106 = arith.constant 1000 : i32
    %lt3A_107 = arith.cmpi slt, %add3A_105, %lt3A_106 : i32
    %convert_element_type3A_108 = arith.extui %lt3A_107 : i1 to i32
    %cond3A_109 = arith.constant 0 : i32
    %cond3A_110 = arith.cmpi ne, %convert_element_type3A_108, %cond3A_109 : i32
    scf.if %cond3A_110 {
      %dma_wait3A_314 = arith.constant 0 : i32
      %dma_wait3A_315 = tpu.memref_slice %arg5[%add3A_105, %dma_wait3A_314] : memref<1000x128xf32, #tpu.memory_space<vmem_shared>> -> memref<8x128xf32, #tpu.memory_space<vmem_shared>>
      %dma_wait3A_316 = arith.constant 0 : i32
      %dma_wait3A_317 = tpu.memref_slice %arg3[%add3A_105, %dma_wait3A_316] : memref<1000x128xf32, #tpu.memory_space<hbm>> -> memref<8x128xf32, #tpu.memory_space<hbm>>
      tpu.wait_dma2 semaphore(%arg17 : memref<!tpu.dma_semaphore, #tpu.memory_space<semaphore_mem>>) src(%dma_wait3A_317 : memref<8x128xf32, #tpu.memory_space<hbm>>) dst(%dma_wait3A_315 : memref<8x128xf32, #tpu.memory_space<vmem_shared>>)
    } else {
    }
    %mul3A_111 = arith.constant 64 : i32
    %mul3A_112 = arith.muli %arg1, %mul3A_111 : i32
    %add3A_113 = arith.constant 32 : i32
    %add3A_114 = arith.addi %mul3A_112, %add3A_113 : i32
    %lt3A_115 = arith.constant 1000 : i32
    %lt3A_116 = arith.cmpi slt, %add3A_114, %lt3A_115 : i32
    %convert_element_type3A_117 = arith.extui %lt3A_116 : i1 to i32
    %cond3A_118 = arith.constant 0 : i32
    %cond3A_119 = arith.cmpi ne, %convert_element_type3A_117, %cond3A_118 : i32
    scf.if %cond3A_119 {
      %dma_wait3A_314 = arith.constant 0 : i32
      %dma_wait3A_315 = tpu.memref_slice %arg5[%add3A_114, %dma_wait3A_314] : memref<1000x128xf32, #tpu.memory_space<vmem_shared>> -> memref<8x128xf32, #tpu.memory_space<vmem_shared>>
      %dma_wait3A_316 = arith.constant 0 : i32
      %dma_wait3A_317 = tpu.memref_slice %arg3[%add3A_114, %dma_wait3A_316] : memref<1000x128xf32, #tpu.memory_space<hbm>> -> memref<8x128xf32, #tpu.memory_space<hbm>>
      tpu.wait_dma2 semaphore(%arg17 : memref<!tpu.dma_semaphore, #tpu.memory_space<semaphore_mem>>) src(%dma_wait3A_317 : memref<8x128xf32, #tpu.memory_space<hbm>>) dst(%dma_wait3A_315 : memref<8x128xf32, #tpu.memory_space<vmem_shared>>)
    } else {
    }
    %mul3A_120 = arith.constant 64 : i32
    %mul3A_121 = arith.muli %arg1, %mul3A_120 : i32
    %add3A_122 = arith.constant 40 : i32
    %add3A_123 = arith.addi %mul3A_121, %add3A_122 : i32
    %lt3A_124 = arith.constant 1000 : i32
    %lt3A_125 = arith.cmpi slt, %add3A_123, %lt3A_124 : i32
    %convert_element_type3A_126 = arith.extui %lt3A_125 : i1 to i32
    %cond3A_127 = arith.constant 0 : i32
    %cond3A_128 = arith.cmpi ne, %convert_element_type3A_126, %cond3A_127 : i32
    scf.if %cond3A_128 {
      %dma_wait3A_314 = arith.constant 0 : i32
      %dma_wait3A_315 = tpu.memref_slice %arg5[%add3A_123, %dma_wait3A_314] : memref<1000x128xf32, #tpu.memory_space<vmem_shared>> -> memref<8x128xf32, #tpu.memory_space<vmem_shared>>
      %dma_wait3A_316 = arith.constant 0 : i32
      %dma_wait3A_317 = tpu.memref_slice %arg3[%add3A_123, %dma_wait3A_316] : memref<1000x128xf32, #tpu.memory_space<hbm>> -> memref<8x128xf32, #tpu.memory_space<hbm>>
      tpu.wait_dma2 semaphore(%arg17 : memref<!tpu.dma_semaphore, #tpu.memory_space<semaphore_mem>>) src(%dma_wait3A_317 : memref<8x128xf32, #tpu.memory_space<hbm>>) dst(%dma_wait3A_315 : memref<8x128xf32, #tpu.memory_space<vmem_shared>>)
    } else {
    }
    %mul3A_129 = arith.constant 64 : i32
    %mul3A_130 = arith.muli %arg1, %mul3A_129 : i32
    %add3A_131 = arith.constant 48 : i32
    %add3A_132 = arith.addi %mul3A_130, %add3A_131 : i32
    %lt3A_133 = arith.constant 1000 : i32
    %lt3A_134 = arith.cmpi slt, %add3A_132, %lt3A_133 : i32
    %convert_element_type3A_135 = arith.extui %lt3A_134 : i1 to i32
    %cond3A_136 = arith.constant 0 : i32
    %cond3A_137 = arith.cmpi ne, %convert_element_type3A_135, %cond3A_136 : i32
    scf.if %cond3A_137 {
      %dma_wait3A_314 = arith.constant 0 : i32
      %dma_wait3A_315 = tpu.memref_slice %arg5[%add3A_132, %dma_wait3A_314] : memref<1000x128xf32, #tpu.memory_space<vmem_shared>> -> memref<8x128xf32, #tpu.memory_space<vmem_shared>>
      %dma_wait3A_316 = arith.constant 0 : i32
      %dma_wait3A_317 = tpu.memref_slice %arg3[%add3A_132, %dma_wait3A_316] : memref<1000x128xf32, #tpu.memory_space<hbm>> -> memref<8x128xf32, #tpu.memory_space<hbm>>
      tpu.wait_dma2 semaphore(%arg17 : memref<!tpu.dma_semaphore, #tpu.memory_space<semaphore_mem>>) src(%dma_wait3A_317 : memref<8x128xf32, #tpu.memory_space<hbm>>) dst(%dma_wait3A_315 : memref<8x128xf32, #tpu.memory_space<vmem_shared>>)
    } else {
    }
    %mul3A_138 = arith.constant 64 : i32
    %mul3A_139 = arith.muli %arg1, %mul3A_138 : i32
    %add3A_140 = arith.constant 56 : i32
    %add3A_141 = arith.addi %mul3A_139, %add3A_140 : i32
    %lt3A_142 = arith.constant 1000 : i32
    %lt3A_143 = arith.cmpi slt, %add3A_141, %lt3A_142 : i32
    %convert_element_type3A_144 = arith.extui %lt3A_143 : i1 to i32
    %cond3A_145 = arith.constant 0 : i32
    %cond3A_146 = arith.cmpi ne, %convert_element_type3A_144, %cond3A_145 : i32
    scf.if %cond3A_146 {
      %dma_wait3A_314 = arith.constant 0 : i32
      %dma_wait3A_315 = tpu.memref_slice %arg5[%add3A_141, %dma_wait3A_314] : memref<1000x128xf32, #tpu.memory_space<vmem_shared>> -> memref<8x128xf32, #tpu.memory_space<vmem_shared>>
      %dma_wait3A_316 = arith.constant 0 : i32
      %dma_wait3A_317 = tpu.memref_slice %arg3[%add3A_141, %dma_wait3A_316] : memref<1000x128xf32, #tpu.memory_space<hbm>> -> memref<8x128xf32, #tpu.memory_space<hbm>>
      tpu.wait_dma2 semaphore(%arg17 : memref<!tpu.dma_semaphore, #tpu.memory_space<semaphore_mem>>) src(%dma_wait3A_317 : memref<8x128xf32, #tpu.memory_space<hbm>>) dst(%dma_wait3A_315 : memref<8x128xf32, #tpu.memory_space<vmem_shared>>)
    } else {
    }
    %dma_wait3A = arith.constant 0 : i32
    %dma_wait3A_147 = tpu.memref_slice %arg2[%dma_wait3A, %mul3A_2] : memref<50x4096xi32, #tpu.memory_space<hbm>> -> memref<50x128xi32, #tpu.memory_space<hbm>>
    %dma_wait3A_148 = arith.constant 0 : i32
    %dma_wait3A_149 = tpu.memref_slice %arg2[%dma_wait3A_148, %mul3A_2] : memref<50x4096xi32, #tpu.memory_space<hbm>> -> memref<50x128xi32, #tpu.memory_space<hbm>>
    tpu.wait_dma2 semaphore(%arg27 : memref<!tpu.dma_semaphore, #tpu.memory_space<semaphore_mem>>) src(%dma_wait3A_149 : memref<50x128xi32, #tpu.memory_space<hbm>>) dst(%arg6 : memref<50x128xi32, #tpu.memory_space<vmem>>)
    %barrier3A = arith.constant 0 : index
    tpu.barrier barrier_id(%barrier3A)
    %dma_start3A_150 = arith.constant 0 : i32
    %dma_start3A_151 = arith.constant 0 : i32
    %dma_start3A_152 = tpu.memref_slice %arg6[%dma_start3A_150, %dma_start3A_151] : memref<50x128xi32, #tpu.memory_space<vmem>> -> memref<1x64xi32, #tpu.memory_space<vmem>>
    %dma_start3A_153 = tpu.memref_squeeze %dma_start3A_152 : memref<1x64xi32, #tpu.memory_space<vmem>> -> memref<64xi32, #tpu.memory_space<vmem>>
    %dma_start3A_154 = arith.constant 0 : i32
    %dma_start3A_155 = arith.constant 0 : i32
    %dma_start3A_156 = tpu.memref_slice %arg5[%dma_start3A_154, %dma_start3A_155] : memref<1000x128xf32, #tpu.memory_space<vmem_shared>> -> memref<1000x128xf32, #tpu.memory_space<vmem_shared>>
    tpu.enqueue_indirect_dma source(%dma_start3A_156 : memref<1000x128xf32, #tpu.memory_space<vmem_shared>>) target(%arg7 : memref<64x128xf32, #tpu.memory_space<vmem>>) offsets(%dma_start3A_153 : memref<64xi32, #tpu.memory_space<vmem>>) semaphore(%arg17 : memref<!tpu.dma_semaphore, #tpu.memory_space<semaphore_mem>>)
    %dma_start3A_157 = arith.constant 0 : i32
    %dma_start3A_158 = arith.constant 64 : i32
    %dma_start3A_159 = tpu.memref_slice %arg6[%dma_start3A_157, %dma_start3A_158] : memref<50x128xi32, #tpu.memory_space<vmem>> -> memref<1x64xi32, #tpu.memory_space<vmem>>
    %dma_start3A_160 = tpu.memref_squeeze %dma_start3A_159 : memref<1x64xi32, #tpu.memory_space<vmem>> -> memref<64xi32, #tpu.memory_space<vmem>>
    %dma_start3A_161 = arith.constant 0 : i32
    %dma_start3A_162 = arith.constant 0 : i32
    %dma_start3A_163 = tpu.memref_slice %arg5[%dma_start3A_161, %dma_start3A_162] : memref<1000x128xf32, #tpu.memory_space<vmem_shared>> -> memref<1000x128xf32, #tpu.memory_space<vmem_shared>>
    tpu.enqueue_indirect_dma source(%dma_start3A_163 : memref<1000x128xf32, #tpu.memory_space<vmem_shared>>) target(%arg8 : memref<64x128xf32, #tpu.memory_space<vmem>>) offsets(%dma_start3A_160 : memref<64xi32, #tpu.memory_space<vmem>>) semaphore(%arg18 : memref<!tpu.dma_semaphore, #tpu.memory_space<semaphore_mem>>)
    %dma_start3A_164 = arith.constant 1 : i32
    %dma_start3A_165 = arith.constant 0 : i32
    %dma_start3A_166 = tpu.memref_slice %arg6[%dma_start3A_164, %dma_start3A_165] : memref<50x128xi32, #tpu.memory_space<vmem>> -> memref<1x64xi32, #tpu.memory_space<vmem>>
    %dma_start3A_167 = tpu.memref_squeeze %dma_start3A_166 : memref<1x64xi32, #tpu.memory_space<vmem>> -> memref<64xi32, #tpu.memory_space<vmem>>
    %dma_start3A_168 = arith.constant 0 : i32
    %dma_start3A_169 = arith.constant 0 : i32
    %dma_start3A_170 = tpu.memref_slice %arg5[%dma_start3A_168, %dma_start3A_169] : memref<1000x128xf32, #tpu.memory_space<vmem_shared>> -> memref<1000x128xf32, #tpu.memory_space<vmem_shared>>
    tpu.enqueue_indirect_dma source(%dma_start3A_170 : memref<1000x128xf32, #tpu.memory_space<vmem_shared>>) target(%arg9 : memref<64x128xf32, #tpu.memory_space<vmem>>) offsets(%dma_start3A_167 : memref<64xi32, #tpu.memory_space<vmem>>) semaphore(%arg19 : memref<!tpu.dma_semaphore, #tpu.memory_space<semaphore_mem>>)
    %dma_start3A_171 = arith.constant 1 : i32
    %dma_start3A_172 = arith.constant 64 : i32
    %dma_start3A_173 = tpu.memref_slice %arg6[%dma_start3A_171, %dma_start3A_172] : memref<50x128xi32, #tpu.memory_space<vmem>> -> memref<1x64xi32, #tpu.memory_space<vmem>>
    %dma_start3A_174 = tpu.memref_squeeze %dma_start3A_173 : memref<1x64xi32, #tpu.memory_space<vmem>> -> memref<64xi32, #tpu.memory_space<vmem>>
    %dma_start3A_175 = arith.constant 0 : i32
    %dma_start3A_176 = arith.constant 0 : i32
    %dma_start3A_177 = tpu.memref_slice %arg5[%dma_start3A_175, %dma_start3A_176] : memref<1000x128xf32, #tpu.memory_space<vmem_shared>> -> memref<1000x128xf32, #tpu.memory_space<vmem_shared>>
    tpu.enqueue_indirect_dma source(%dma_start3A_177 : memref<1000x128xf32, #tpu.memory_space<vmem_shared>>) target(%arg10 : memref<64x128xf32, #tpu.memory_space<vmem>>) offsets(%dma_start3A_174 : memref<64xi32, #tpu.memory_space<vmem>>) semaphore(%arg20 : memref<!tpu.dma_semaphore, #tpu.memory_space<semaphore_mem>>)
    %dma_start3A_178 = arith.constant 2 : i32
    %dma_start3A_179 = arith.constant 0 : i32
    %dma_start3A_180 = tpu.memref_slice %arg6[%dma_start3A_178, %dma_start3A_179] : memref<50x128xi32, #tpu.memory_space<vmem>> -> memref<1x64xi32, #tpu.memory_space<vmem>>
    %dma_start3A_181 = tpu.memref_squeeze %dma_start3A_180 : memref<1x64xi32, #tpu.memory_space<vmem>> -> memref<64xi32, #tpu.memory_space<vmem>>
    %dma_start3A_182 = arith.constant 0 : i32
    %dma_start3A_183 = arith.constant 0 : i32
    %dma_start3A_184 = tpu.memref_slice %arg5[%dma_start3A_182, %dma_start3A_183] : memref<1000x128xf32, #tpu.memory_space<vmem_shared>> -> memref<1000x128xf32, #tpu.memory_space<vmem_shared>>
    tpu.enqueue_indirect_dma source(%dma_start3A_184 : memref<1000x128xf32, #tpu.memory_space<vmem_shared>>) target(%arg11 : memref<64x128xf32, #tpu.memory_space<vmem>>) offsets(%dma_start3A_181 : memref<64xi32, #tpu.memory_space<vmem>>) semaphore(%arg21 : memref<!tpu.dma_semaphore, #tpu.memory_space<semaphore_mem>>)
    %dma_start3A_185 = arith.constant 2 : i32
    %dma_start3A_186 = arith.constant 64 : i32
    %dma_start3A_187 = tpu.memref_slice %arg6[%dma_start3A_185, %dma_start3A_186] : memref<50x128xi32, #tpu.memory_space<vmem>> -> memref<1x64xi32, #tpu.memory_space<vmem>>
    %dma_start3A_188 = tpu.memref_squeeze %dma_start3A_187 : memref<1x64xi32, #tpu.memory_space<vmem>> -> memref<64xi32, #tpu.memory_space<vmem>>
    %dma_start3A_189 = arith.constant 0 : i32
    %dma_start3A_190 = arith.constant 0 : i32
    %dma_start3A_191 = tpu.memref_slice %arg5[%dma_start3A_189, %dma_start3A_190] : memref<1000x128xf32, #tpu.memory_space<vmem_shared>> -> memref<1000x128xf32, #tpu.memory_space<vmem_shared>>
    tpu.enqueue_indirect_dma source(%dma_start3A_191 : memref<1000x128xf32, #tpu.memory_space<vmem_shared>>) target(%arg12 : memref<64x128xf32, #tpu.memory_space<vmem>>) offsets(%dma_start3A_188 : memref<64xi32, #tpu.memory_space<vmem>>) semaphore(%arg22 : memref<!tpu.dma_semaphore, #tpu.memory_space<semaphore_mem>>)
    %dma_start3A_192 = arith.constant 3 : i32
    %dma_start3A_193 = arith.constant 0 : i32
    %dma_start3A_194 = tpu.memref_slice %arg6[%dma_start3A_192, %dma_start3A_193] : memref<50x128xi32, #tpu.memory_space<vmem>> -> memref<1x64xi32, #tpu.memory_space<vmem>>
    %dma_start3A_195 = tpu.memref_squeeze %dma_start3A_194 : memref<1x64xi32, #tpu.memory_space<vmem>> -> memref<64xi32, #tpu.memory_space<vmem>>
    %dma_start3A_196 = arith.constant 0 : i32
    %dma_start3A_197 = arith.constant 0 : i32
    %dma_start3A_198 = tpu.memref_slice %arg5[%dma_start3A_196, %dma_start3A_197] : memref<1000x128xf32, #tpu.memory_space<vmem_shared>> -> memref<1000x128xf32, #tpu.memory_space<vmem_shared>>
    tpu.enqueue_indirect_dma source(%dma_start3A_198 : memref<1000x128xf32, #tpu.memory_space<vmem_shared>>) target(%arg13 : memref<64x128xf32, #tpu.memory_space<vmem>>) offsets(%dma_start3A_195 : memref<64xi32, #tpu.memory_space<vmem>>) semaphore(%arg23 : memref<!tpu.dma_semaphore, #tpu.memory_space<semaphore_mem>>)
    %dma_start3A_199 = arith.constant 3 : i32
    %dma_start3A_200 = arith.constant 64 : i32
    %dma_start3A_201 = tpu.memref_slice %arg6[%dma_start3A_199, %dma_start3A_200] : memref<50x128xi32, #tpu.memory_space<vmem>> -> memref<1x64xi32, #tpu.memory_space<vmem>>
    %dma_start3A_202 = tpu.memref_squeeze %dma_start3A_201 : memref<1x64xi32, #tpu.memory_space<vmem>> -> memref<64xi32, #tpu.memory_space<vmem>>
    %dma_start3A_203 = arith.constant 0 : i32
    %dma_start3A_204 = arith.constant 0 : i32
    %dma_start3A_205 = tpu.memref_slice %arg5[%dma_start3A_203, %dma_start3A_204] : memref<1000x128xf32, #tpu.memory_space<vmem_shared>> -> memref<1000x128xf32, #tpu.memory_space<vmem_shared>>
    tpu.enqueue_indirect_dma source(%dma_start3A_205 : memref<1000x128xf32, #tpu.memory_space<vmem_shared>>) target(%arg14 : memref<64x128xf32, #tpu.memory_space<vmem>>) offsets(%dma_start3A_202 : memref<64xi32, #tpu.memory_space<vmem>>) semaphore(%arg24 : memref<!tpu.dma_semaphore, #tpu.memory_space<semaphore_mem>>)
    %dma_start3A_206 = arith.constant 4 : i32
    %dma_start3A_207 = arith.constant 0 : i32
    %dma_start3A_208 = tpu.memref_slice %arg6[%dma_start3A_206, %dma_start3A_207] : memref<50x128xi32, #tpu.memory_space<vmem>> -> memref<1x64xi32, #tpu.memory_space<vmem>>
    %dma_start3A_209 = tpu.memref_squeeze %dma_start3A_208 : memref<1x64xi32, #tpu.memory_space<vmem>> -> memref<64xi32, #tpu.memory_space<vmem>>
    %dma_start3A_210 = arith.constant 0 : i32
    %dma_start3A_211 = arith.constant 0 : i32
    %dma_start3A_212 = tpu.memref_slice %arg5[%dma_start3A_210, %dma_start3A_211] : memref<1000x128xf32, #tpu.memory_space<vmem_shared>> -> memref<1000x128xf32, #tpu.memory_space<vmem_shared>>
    tpu.enqueue_indirect_dma source(%dma_start3A_212 : memref<1000x128xf32, #tpu.memory_space<vmem_shared>>) target(%arg15 : memref<64x128xf32, #tpu.memory_space<vmem>>) offsets(%dma_start3A_209 : memref<64xi32, #tpu.memory_space<vmem>>) semaphore(%arg25 : memref<!tpu.dma_semaphore, #tpu.memory_space<semaphore_mem>>)
    %dma_start3A_213 = arith.constant 4 : i32
    %dma_start3A_214 = arith.constant 64 : i32
    %dma_start3A_215 = tpu.memref_slice %arg6[%dma_start3A_213, %dma_start3A_214] : memref<50x128xi32, #tpu.memory_space<vmem>> -> memref<1x64xi32, #tpu.memory_space<vmem>>
    %dma_start3A_216 = tpu.memref_squeeze %dma_start3A_215 : memref<1x64xi32, #tpu.memory_space<vmem>> -> memref<64xi32, #tpu.memory_space<vmem>>
    %dma_start3A_217 = arith.constant 0 : i32
    %dma_start3A_218 = arith.constant 0 : i32
    %dma_start3A_219 = tpu.memref_slice %arg5[%dma_start3A_217, %dma_start3A_218] : memref<1000x128xf32, #tpu.memory_space<vmem_shared>> -> memref<1000x128xf32, #tpu.memory_space<vmem_shared>>
    tpu.enqueue_indirect_dma source(%dma_start3A_219 : memref<1000x128xf32, #tpu.memory_space<vmem_shared>>) target(%arg16 : memref<64x128xf32, #tpu.memory_space<vmem>>) offsets(%dma_start3A_216 : memref<64xi32, #tpu.memory_space<vmem>>) semaphore(%arg26 : memref<!tpu.dma_semaphore, #tpu.memory_space<semaphore_mem>>)
    %scan3A = arith.constant 0 : i32
    %scan3A_220 = arith.constant 10 : i32
    %scan3A_221 = arith.addi %scan3A, %scan3A_220 : i32
    %scan3A_222 = arith.constant 1 : i32
    scf.for %scan3A_314 = %scan3A to %scan3A_221 step %scan3A_222  : i32 {
      %mul3A_315 = arith.constant 10 : i32
      %mul3A_316 = arith.muli %scan3A_314, %mul3A_315 : i32
      %add3A_317 = arith.constant 0 : i32
      %add3A_318 = arith.addi %add3A_317, %mul3A_316 : i32
      %add3A_319 = arith.constant 0 : i32
      %add3A_320 = arith.addi %add3A_318, %add3A_319 : i32
      %jit3A = arith.constant 2 : i32
      %div3A = arith.divsi %add3A_320, %jit3A : i32
      %sign3A = arith.constant 0 : i32
      %sign3A_321 = arith.cmpi sgt, %add3A_320, %sign3A : i32
      %sign3A_322 = arith.extui %sign3A_321 : i1 to i32
      %sign3A_323 = arith.constant 0 : i32
      %sign3A_324 = arith.cmpi slt, %add3A_320, %sign3A_323 : i32
      %sign3A_325 = arith.extui %sign3A_324 : i1 to i32
      %sign3A_326 = arith.subi %sign3A_322, %sign3A_325 : i32
      %sign3A_327 = arith.constant 0 : i32
      %sign3A_328 = arith.cmpi sgt, %jit3A, %sign3A_327 : i32
      %sign3A_329 = arith.extui %sign3A_328 : i1 to i32
      %sign3A_330 = arith.constant 0 : i32
      %sign3A_331 = arith.cmpi slt, %jit3A, %sign3A_330 : i32
      %sign3A_332 = arith.extui %sign3A_331 : i1 to i32
      %sign3A_333 = arith.subi %sign3A_329, %sign3A_332 : i32
      %ne3A = arith.cmpi ne, %sign3A_326, %sign3A_333 : i32
      %rem3A = arith.remsi %add3A_320, %jit3A : i32
      %ne3A_334 = arith.constant 0 : i32
      %ne3A_335 = arith.cmpi ne, %rem3A, %ne3A_334 : i32
      %and3A = arith.andi %ne3A, %ne3A_335 : i1
      %sub3A = arith.constant 1 : i32
      %sub3A_336 = arith.subi %div3A, %sub3A : i32
      %select_n3A = arith.select %and3A, %sub3A_336, %div3A : i32
      %jit3A_337 = arith.constant 2 : i32
      %eq3A = arith.constant 0 : i32
      %eq3A_338 = arith.cmpi eq, %jit3A_337, %eq3A : i32
      %jit3A_339 = arith.constant 1 : i32
      %select_n3A_340 = arith.select %eq3A_338, %jit3A_339, %jit3A_337 : i32
      %rem3A_341 = arith.remsi %add3A_320, %select_n3A_340 : i32
      %ne3A_342 = arith.constant 0 : i32
      %ne3A_343 = arith.cmpi ne, %rem3A_341, %ne3A_342 : i32
      %lt3A_344 = arith.constant 0 : i32
      %lt3A_345 = arith.cmpi slt, %rem3A_341, %lt3A_344 : i32
      %lt3A_346 = arith.constant 0 : i32
      %lt3A_347 = arith.cmpi slt, %select_n3A_340, %lt3A_346 : i32
      %ne3A_348 = arith.xori %lt3A_345, %lt3A_347 : i1
      %and3A_349 = arith.andi %ne3A_348, %ne3A_343 : i1
      %add3A_350 = arith.addi %rem3A_341, %select_n3A_340 : i32
      %select_n3A_351 = arith.select %and3A_349, %add3A_350, %rem3A_341 : i32
      %mul3A_352 = arith.constant 64 : i32
      %mul3A_353 = arith.muli %select_n3A_351, %mul3A_352 : i32
      %dma_wait3A_354 = tpu.memref_slice %arg6[%select_n3A, %mul3A_353] : memref<50x128xi32, #tpu.memory_space<vmem>> -> memref<1x64xi32, #tpu.memory_space<vmem>>
      %dma_wait3A_355 = tpu.memref_squeeze %dma_wait3A_354 : memref<1x64xi32, #tpu.memory_space<vmem>> -> memref<64xi32, #tpu.memory_space<vmem>>
      %dma_wait3A_356 = arith.constant 0 : i32
      %dma_wait3A_357 = arith.constant 0 : i32
      %dma_wait3A_358 = tpu.memref_slice %arg5[%dma_wait3A_356, %dma_wait3A_357] : memref<1000x128xf32, #tpu.memory_space<vmem_shared>> -> memref<1000x128xf32, #tpu.memory_space<vmem_shared>>
      tpu.wait_indirect_dma semaphore(%arg17 : memref<!tpu.dma_semaphore, #tpu.memory_space<semaphore_mem>>) src(%dma_wait3A_358 : memref<1000x128xf32, #tpu.memory_space<vmem_shared>>) dst(%arg7 : memref<64x128xf32, #tpu.memory_space<vmem>>)
      %add3A_359 = arith.constant 0 : i32
      %add3A_360 = arith.addi %add3A_318, %add3A_359 : i32
      %jit3A_361 = arith.constant 2 : i32
      %div3A_362 = arith.divsi %add3A_360, %jit3A_361 : i32
      %sign3A_363 = arith.constant 0 : i32
      %sign3A_364 = arith.cmpi sgt, %add3A_360, %sign3A_363 : i32
      %sign3A_365 = arith.extui %sign3A_364 : i1 to i32
      %sign3A_366 = arith.constant 0 : i32
      %sign3A_367 = arith.cmpi slt, %add3A_360, %sign3A_366 : i32
      %sign3A_368 = arith.extui %sign3A_367 : i1 to i32
      %sign3A_369 = arith.subi %sign3A_365, %sign3A_368 : i32
      %sign3A_370 = arith.constant 0 : i32
      %sign3A_371 = arith.cmpi sgt, %jit3A_361, %sign3A_370 : i32
      %sign3A_372 = arith.extui %sign3A_371 : i1 to i32
      %sign3A_373 = arith.constant 0 : i32
      %sign3A_374 = arith.cmpi slt, %jit3A_361, %sign3A_373 : i32
      %sign3A_375 = arith.extui %sign3A_374 : i1 to i32
      %sign3A_376 = arith.subi %sign3A_372, %sign3A_375 : i32
      %ne3A_377 = arith.cmpi ne, %sign3A_369, %sign3A_376 : i32
      %rem3A_378 = arith.remsi %add3A_360, %jit3A_361 : i32
      %ne3A_379 = arith.constant 0 : i32
      %ne3A_380 = arith.cmpi ne, %rem3A_378, %ne3A_379 : i32
      %and3A_381 = arith.andi %ne3A_377, %ne3A_380 : i1
      %sub3A_382 = arith.constant 1 : i32
      %sub3A_383 = arith.subi %div3A_362, %sub3A_382 : i32
      %select_n3A_384 = arith.select %and3A_381, %sub3A_383, %div3A_362 : i32
      %jit3A_385 = arith.constant 2 : i32
      %eq3A_386 = arith.constant 0 : i32
      %eq3A_387 = arith.cmpi eq, %jit3A_385, %eq3A_386 : i32
      %jit3A_388 = arith.constant 1 : i32
      %select_n3A_389 = arith.select %eq3A_387, %jit3A_388, %jit3A_385 : i32
      %rem3A_390 = arith.remsi %add3A_360, %select_n3A_389 : i32
      %ne3A_391 = arith.constant 0 : i32
      %ne3A_392 = arith.cmpi ne, %rem3A_390, %ne3A_391 : i32
      %lt3A_393 = arith.constant 0 : i32
      %lt3A_394 = arith.cmpi slt, %rem3A_390, %lt3A_393 : i32
      %lt3A_395 = arith.constant 0 : i32
      %lt3A_396 = arith.cmpi slt, %select_n3A_389, %lt3A_395 : i32
      %ne3A_397 = arith.xori %lt3A_394, %lt3A_396 : i1
      %and3A_398 = arith.andi %ne3A_397, %ne3A_392 : i1
      %add3A_399 = arith.addi %rem3A_390, %select_n3A_389 : i32
      %select_n3A_400 = arith.select %and3A_398, %add3A_399, %rem3A_390 : i32
      %mul3A_401 = arith.constant 64 : i32
      %mul3A_402 = arith.muli %select_n3A_400, %mul3A_401 : i32
      %add3A_403 = arith.addi %mul3A_2, %mul3A_402 : i32
      %dma_start3A_404 = arith.constant 0 : i32
      %dma_start3A_405 = tpu.memref_slice %arg4[%select_n3A_384, %add3A_403, %dma_start3A_404] : memref<50x4096x128xf32, #tpu.memory_space<hbm>> -> memref<1x64x128xf32, #tpu.memory_space<hbm>>
      %dma_start3A_406 = tpu.memref_squeeze %dma_start3A_405 : memref<1x64x128xf32, #tpu.memory_space<hbm>> -> memref<64x128xf32, #tpu.memory_space<hbm>>
      %dma_start3A_407 = arith.constant 0 : i32
      %dma_start3A_408 = tpu.memref_slice %arg4[%select_n3A_384, %add3A_403, %dma_start3A_407] : memref<50x4096x128xf32, #tpu.memory_space<hbm>> -> memref<1x64x128xf32, #tpu.memory_space<hbm>>
      %dma_start3A_409 = tpu.memref_squeeze %dma_start3A_408 : memref<1x64x128xf32, #tpu.memory_space<hbm>> -> memref<64x128xf32, #tpu.memory_space<hbm>>
      tpu.enqueue_dma source(%arg7 : memref<64x128xf32, #tpu.memory_space<vmem>>) target(%dma_start3A_409 : memref<64x128xf32, #tpu.memory_space<hbm>>) target_semaphore(%arg27 : memref<!tpu.dma_semaphore, #tpu.memory_space<semaphore_mem>>)
      %add3A_410 = arith.constant 1 : i32
      %add3A_411 = arith.addi %add3A_318, %add3A_410 : i32
      %jit3A_412 = arith.constant 2 : i32
      %div3A_413 = arith.divsi %add3A_411, %jit3A_412 : i32
      %sign3A_414 = arith.constant 0 : i32
      %sign3A_415 = arith.cmpi sgt, %add3A_411, %sign3A_414 : i32
      %sign3A_416 = arith.extui %sign3A_415 : i1 to i32
      %sign3A_417 = arith.constant 0 : i32
      %sign3A_418 = arith.cmpi slt, %add3A_411, %sign3A_417 : i32
      %sign3A_419 = arith.extui %sign3A_418 : i1 to i32
      %sign3A_420 = arith.subi %sign3A_416, %sign3A_419 : i32
      %sign3A_421 = arith.constant 0 : i32
      %sign3A_422 = arith.cmpi sgt, %jit3A_412, %sign3A_421 : i32
      %sign3A_423 = arith.extui %sign3A_422 : i1 to i32
      %sign3A_424 = arith.constant 0 : i32
      %sign3A_425 = arith.cmpi slt, %jit3A_412, %sign3A_424 : i32
      %sign3A_426 = arith.extui %sign3A_425 : i1 to i32
      %sign3A_427 = arith.subi %sign3A_423, %sign3A_426 : i32
      %ne3A_428 = arith.cmpi ne, %sign3A_420, %sign3A_427 : i32
      %rem3A_429 = arith.remsi %add3A_411, %jit3A_412 : i32
      %ne3A_430 = arith.constant 0 : i32
      %ne3A_431 = arith.cmpi ne, %rem3A_429, %ne3A_430 : i32
      %and3A_432 = arith.andi %ne3A_428, %ne3A_431 : i1
      %sub3A_433 = arith.constant 1 : i32
      %sub3A_434 = arith.subi %div3A_413, %sub3A_433 : i32
      %select_n3A_435 = arith.select %and3A_432, %sub3A_434, %div3A_413 : i32
      %jit3A_436 = arith.constant 2 : i32
      %eq3A_437 = arith.constant 0 : i32
      %eq3A_438 = arith.cmpi eq, %jit3A_436, %eq3A_437 : i32
      %jit3A_439 = arith.constant 1 : i32
      %select_n3A_440 = arith.select %eq3A_438, %jit3A_439, %jit3A_436 : i32
      %rem3A_441 = arith.remsi %add3A_411, %select_n3A_440 : i32
      %ne3A_442 = arith.constant 0 : i32
      %ne3A_443 = arith.cmpi ne, %rem3A_441, %ne3A_442 : i32
      %lt3A_444 = arith.constant 0 : i32
      %lt3A_445 = arith.cmpi slt, %rem3A_441, %lt3A_444 : i32
      %lt3A_446 = arith.constant 0 : i32
      %lt3A_447 = arith.cmpi slt, %select_n3A_440, %lt3A_446 : i32
      %ne3A_448 = arith.xori %lt3A_445, %lt3A_447 : i1
      %and3A_449 = arith.andi %ne3A_448, %ne3A_443 : i1
      %add3A_450 = arith.addi %rem3A_441, %select_n3A_440 : i32
      %select_n3A_451 = arith.select %and3A_449, %add3A_450, %rem3A_441 : i32
      %mul3A_452 = arith.constant 64 : i32
      %mul3A_453 = arith.muli %select_n3A_451, %mul3A_452 : i32
      %dma_wait3A_454 = tpu.memref_slice %arg6[%select_n3A_435, %mul3A_453] : memref<50x128xi32, #tpu.memory_space<vmem>> -> memref<1x64xi32, #tpu.memory_space<vmem>>
      %dma_wait3A_455 = tpu.memref_squeeze %dma_wait3A_454 : memref<1x64xi32, #tpu.memory_space<vmem>> -> memref<64xi32, #tpu.memory_space<vmem>>
      %dma_wait3A_456 = arith.constant 0 : i32
      %dma_wait3A_457 = arith.constant 0 : i32
      %dma_wait3A_458 = tpu.memref_slice %arg5[%dma_wait3A_456, %dma_wait3A_457] : memref<1000x128xf32, #tpu.memory_space<vmem_shared>> -> memref<1000x128xf32, #tpu.memory_space<vmem_shared>>
      tpu.wait_indirect_dma semaphore(%arg18 : memref<!tpu.dma_semaphore, #tpu.memory_space<semaphore_mem>>) src(%dma_wait3A_458 : memref<1000x128xf32, #tpu.memory_space<vmem_shared>>) dst(%arg8 : memref<64x128xf32, #tpu.memory_space<vmem>>)
      %add3A_459 = arith.constant 1 : i32
      %add3A_460 = arith.addi %add3A_318, %add3A_459 : i32
      %jit3A_461 = arith.constant 2 : i32
      %div3A_462 = arith.divsi %add3A_460, %jit3A_461 : i32
      %sign3A_463 = arith.constant 0 : i32
      %sign3A_464 = arith.cmpi sgt, %add3A_460, %sign3A_463 : i32
      %sign3A_465 = arith.extui %sign3A_464 : i1 to i32
      %sign3A_466 = arith.constant 0 : i32
      %sign3A_467 = arith.cmpi slt, %add3A_460, %sign3A_466 : i32
      %sign3A_468 = arith.extui %sign3A_467 : i1 to i32
      %sign3A_469 = arith.subi %sign3A_465, %sign3A_468 : i32
      %sign3A_470 = arith.constant 0 : i32
      %sign3A_471 = arith.cmpi sgt, %jit3A_461, %sign3A_470 : i32
      %sign3A_472 = arith.extui %sign3A_471 : i1 to i32
      %sign3A_473 = arith.constant 0 : i32
      %sign3A_474 = arith.cmpi slt, %jit3A_461, %sign3A_473 : i32
      %sign3A_475 = arith.extui %sign3A_474 : i1 to i32
      %sign3A_476 = arith.subi %sign3A_472, %sign3A_475 : i32
      %ne3A_477 = arith.cmpi ne, %sign3A_469, %sign3A_476 : i32
      %rem3A_478 = arith.remsi %add3A_460, %jit3A_461 : i32
      %ne3A_479 = arith.constant 0 : i32
      %ne3A_480 = arith.cmpi ne, %rem3A_478, %ne3A_479 : i32
      %and3A_481 = arith.andi %ne3A_477, %ne3A_480 : i1
      %sub3A_482 = arith.constant 1 : i32
      %sub3A_483 = arith.subi %div3A_462, %sub3A_482 : i32
      %select_n3A_484 = arith.select %and3A_481, %sub3A_483, %div3A_462 : i32
      %jit3A_485 = arith.constant 2 : i32
      %eq3A_486 = arith.constant 0 : i32
      %eq3A_487 = arith.cmpi eq, %jit3A_485, %eq3A_486 : i32
      %jit3A_488 = arith.constant 1 : i32
      %select_n3A_489 = arith.select %eq3A_487, %jit3A_488, %jit3A_485 : i32
      %rem3A_490 = arith.remsi %add3A_460, %select_n3A_489 : i32
      %ne3A_491 = arith.constant 0 : i32
      %ne3A_492 = arith.cmpi ne, %rem3A_490, %ne3A_491 : i32
      %lt3A_493 = arith.constant 0 : i32
      %lt3A_494 = arith.cmpi slt, %rem3A_490, %lt3A_493 : i32
      %lt3A_495 = arith.constant 0 : i32
      %lt3A_496 = arith.cmpi slt, %select_n3A_489, %lt3A_495 : i32
      %ne3A_497 = arith.xori %lt3A_494, %lt3A_496 : i1
      %and3A_498 = arith.andi %ne3A_497, %ne3A_492 : i1
      %add3A_499 = arith.addi %rem3A_490, %select_n3A_489 : i32
      %select_n3A_500 = arith.select %and3A_498, %add3A_499, %rem3A_490 : i32
      %mul3A_501 = arith.constant 64 : i32
      %mul3A_502 = arith.muli %select_n3A_500, %mul3A_501 : i32
      %add3A_503 = arith.addi %mul3A_2, %mul3A_502 : i32
      %dma_start3A_504 = arith.constant 0 : i32
      %dma_start3A_505 = tpu.memref_slice %arg4[%select_n3A_484, %add3A_503, %dma_start3A_504] : memref<50x4096x128xf32, #tpu.memory_space<hbm>> -> memref<1x64x128xf32, #tpu.memory_space<hbm>>
      %dma_start3A_506 = tpu.memref_squeeze %dma_start3A_505 : memref<1x64x128xf32, #tpu.memory_space<hbm>> -> memref<64x128xf32, #tpu.memory_space<hbm>>
      %dma_start3A_507 = arith.constant 0 : i32
      %dma_start3A_508 = tpu.memref_slice %arg4[%select_n3A_484, %add3A_503, %dma_start3A_507] : memref<50x4096x128xf32, #tpu.memory_space<hbm>> -> memref<1x64x128xf32, #tpu.memory_space<hbm>>
      %dma_start3A_509 = tpu.memref_squeeze %dma_start3A_508 : memref<1x64x128xf32, #tpu.memory_space<hbm>> -> memref<64x128xf32, #tpu.memory_space<hbm>>
      tpu.enqueue_dma source(%arg8 : memref<64x128xf32, #tpu.memory_space<vmem>>) target(%dma_start3A_509 : memref<64x128xf32, #tpu.memory_space<hbm>>) target_semaphore(%arg28 : memref<!tpu.dma_semaphore, #tpu.memory_space<semaphore_mem>>)
      %add3A_510 = arith.constant 2 : i32
      %add3A_511 = arith.addi %add3A_318, %add3A_510 : i32
      %jit3A_512 = arith.constant 2 : i32
      %div3A_513 = arith.divsi %add3A_511, %jit3A_512 : i32
      %sign3A_514 = arith.constant 0 : i32
      %sign3A_515 = arith.cmpi sgt, %add3A_511, %sign3A_514 : i32
      %sign3A_516 = arith.extui %sign3A_515 : i1 to i32
      %sign3A_517 = arith.constant 0 : i32
      %sign3A_518 = arith.cmpi slt, %add3A_511, %sign3A_517 : i32
      %sign3A_519 = arith.extui %sign3A_518 : i1 to i32
      %sign3A_520 = arith.subi %sign3A_516, %sign3A_519 : i32
      %sign3A_521 = arith.constant 0 : i32
      %sign3A_522 = arith.cmpi sgt, %jit3A_512, %sign3A_521 : i32
      %sign3A_523 = arith.extui %sign3A_522 : i1 to i32
      %sign3A_524 = arith.constant 0 : i32
      %sign3A_525 = arith.cmpi slt, %jit3A_512, %sign3A_524 : i32
      %sign3A_526 = arith.extui %sign3A_525 : i1 to i32
      %sign3A_527 = arith.subi %sign3A_523, %sign3A_526 : i32
      %ne3A_528 = arith.cmpi ne, %sign3A_520, %sign3A_527 : i32
      %rem3A_529 = arith.remsi %add3A_511, %jit3A_512 : i32
      %ne3A_530 = arith.constant 0 : i32
      %ne3A_531 = arith.cmpi ne, %rem3A_529, %ne3A_530 : i32
      %and3A_532 = arith.andi %ne3A_528, %ne3A_531 : i1
      %sub3A_533 = arith.constant 1 : i32
      %sub3A_534 = arith.subi %div3A_513, %sub3A_533 : i32
      %select_n3A_535 = arith.select %and3A_532, %sub3A_534, %div3A_513 : i32
      %jit3A_536 = arith.constant 2 : i32
      %eq3A_537 = arith.constant 0 : i32
      %eq3A_538 = arith.cmpi eq, %jit3A_536, %eq3A_537 : i32
      %jit3A_539 = arith.constant 1 : i32
      %select_n3A_540 = arith.select %eq3A_538, %jit3A_539, %jit3A_536 : i32
      %rem3A_541 = arith.remsi %add3A_511, %select_n3A_540 : i32
      %ne3A_542 = arith.constant 0 : i32
      %ne3A_543 = arith.cmpi ne, %rem3A_541, %ne3A_542 : i32
      %lt3A_544 = arith.constant 0 : i32
      %lt3A_545 = arith.cmpi slt, %rem3A_541, %lt3A_544 : i32
      %lt3A_546 = arith.constant 0 : i32
      %lt3A_547 = arith.cmpi slt, %select_n3A_540, %lt3A_546 : i32
      %ne3A_548 = arith.xori %lt3A_545, %lt3A_547 : i1
      %and3A_549 = arith.andi %ne3A_548, %ne3A_543 : i1
      %add3A_550 = arith.addi %rem3A_541, %select_n3A_540 : i32
      %select_n3A_551 = arith.select %and3A_549, %add3A_550, %rem3A_541 : i32
      %mul3A_552 = arith.constant 64 : i32
      %mul3A_553 = arith.muli %select_n3A_551, %mul3A_552 : i32
      %dma_wait3A_554 = tpu.memref_slice %arg6[%select_n3A_535, %mul3A_553] : memref<50x128xi32, #tpu.memory_space<vmem>> -> memref<1x64xi32, #tpu.memory_space<vmem>>
      %dma_wait3A_555 = tpu.memref_squeeze %dma_wait3A_554 : memref<1x64xi32, #tpu.memory_space<vmem>> -> memref<64xi32, #tpu.memory_space<vmem>>
      %dma_wait3A_556 = arith.constant 0 : i32
      %dma_wait3A_557 = arith.constant 0 : i32
      %dma_wait3A_558 = tpu.memref_slice %arg5[%dma_wait3A_556, %dma_wait3A_557] : memref<1000x128xf32, #tpu.memory_space<vmem_shared>> -> memref<1000x128xf32, #tpu.memory_space<vmem_shared>>
      tpu.wait_indirect_dma semaphore(%arg19 : memref<!tpu.dma_semaphore, #tpu.memory_space<semaphore_mem>>) src(%dma_wait3A_558 : memref<1000x128xf32, #tpu.memory_space<vmem_shared>>) dst(%arg9 : memref<64x128xf32, #tpu.memory_space<vmem>>)
      %add3A_559 = arith.constant 2 : i32
      %add3A_560 = arith.addi %add3A_318, %add3A_559 : i32
      %jit3A_561 = arith.constant 2 : i32
      %div3A_562 = arith.divsi %add3A_560, %jit3A_561 : i32
      %sign3A_563 = arith.constant 0 : i32
      %sign3A_564 = arith.cmpi sgt, %add3A_560, %sign3A_563 : i32
      %sign3A_565 = arith.extui %sign3A_564 : i1 to i32
      %sign3A_566 = arith.constant 0 : i32
      %sign3A_567 = arith.cmpi slt, %add3A_560, %sign3A_566 : i32
      %sign3A_568 = arith.extui %sign3A_567 : i1 to i32
      %sign3A_569 = arith.subi %sign3A_565, %sign3A_568 : i32
      %sign3A_570 = arith.constant 0 : i32
      %sign3A_571 = arith.cmpi sgt, %jit3A_561, %sign3A_570 : i32
      %sign3A_572 = arith.extui %sign3A_571 : i1 to i32
      %sign3A_573 = arith.constant 0 : i32
      %sign3A_574 = arith.cmpi slt, %jit3A_561, %sign3A_573 : i32
      %sign3A_575 = arith.extui %sign3A_574 : i1 to i32
      %sign3A_576 = arith.subi %sign3A_572, %sign3A_575 : i32
      %ne3A_577 = arith.cmpi ne, %sign3A_569, %sign3A_576 : i32
      %rem3A_578 = arith.remsi %add3A_560, %jit3A_561 : i32
      %ne3A_579 = arith.constant 0 : i32
      %ne3A_580 = arith.cmpi ne, %rem3A_578, %ne3A_579 : i32
      %and3A_581 = arith.andi %ne3A_577, %ne3A_580 : i1
      %sub3A_582 = arith.constant 1 : i32
      %sub3A_583 = arith.subi %div3A_562, %sub3A_582 : i32
      %select_n3A_584 = arith.select %and3A_581, %sub3A_583, %div3A_562 : i32
      %jit3A_585 = arith.constant 2 : i32
      %eq3A_586 = arith.constant 0 : i32
      %eq3A_587 = arith.cmpi eq, %jit3A_585, %eq3A_586 : i32
      %jit3A_588 = arith.constant 1 : i32
      %select_n3A_589 = arith.select %eq3A_587, %jit3A_588, %jit3A_585 : i32
      %rem3A_590 = arith.remsi %add3A_560, %select_n3A_589 : i32
      %ne3A_591 = arith.constant 0 : i32
      %ne3A_592 = arith.cmpi ne, %rem3A_590, %ne3A_591 : i32
      %lt3A_593 = arith.constant 0 : i32
      %lt3A_594 = arith.cmpi slt, %rem3A_590, %lt3A_593 : i32
      %lt3A_595 = arith.constant 0 : i32
      %lt3A_596 = arith.cmpi slt, %select_n3A_589, %lt3A_595 : i32
      %ne3A_597 = arith.xori %lt3A_594, %lt3A_596 : i1
      %and3A_598 = arith.andi %ne3A_597, %ne3A_592 : i1
      %add3A_599 = arith.addi %rem3A_590, %select_n3A_589 : i32
      %select_n3A_600 = arith.select %and3A_598, %add3A_599, %rem3A_590 : i32
      %mul3A_601 = arith.constant 64 : i32
      %mul3A_602 = arith.muli %select_n3A_600, %mul3A_601 : i32
      %add3A_603 = arith.addi %mul3A_2, %mul3A_602 : i32
      %dma_start3A_604 = arith.constant 0 : i32
      %dma_start3A_605 = tpu.memref_slice %arg4[%select_n3A_584, %add3A_603, %dma_start3A_604] : memref<50x4096x128xf32, #tpu.memory_space<hbm>> -> memref<1x64x128xf32, #tpu.memory_space<hbm>>
      %dma_start3A_606 = tpu.memref_squeeze %dma_start3A_605 : memref<1x64x128xf32, #tpu.memory_space<hbm>> -> memref<64x128xf32, #tpu.memory_space<hbm>>
      %dma_start3A_607 = arith.constant 0 : i32
      %dma_start3A_608 = tpu.memref_slice %arg4[%select_n3A_584, %add3A_603, %dma_start3A_607] : memref<50x4096x128xf32, #tpu.memory_space<hbm>> -> memref<1x64x128xf32, #tpu.memory_space<hbm>>
      %dma_start3A_609 = tpu.memref_squeeze %dma_start3A_608 : memref<1x64x128xf32, #tpu.memory_space<hbm>> -> memref<64x128xf32, #tpu.memory_space<hbm>>
      tpu.enqueue_dma source(%arg9 : memref<64x128xf32, #tpu.memory_space<vmem>>) target(%dma_start3A_609 : memref<64x128xf32, #tpu.memory_space<hbm>>) target_semaphore(%arg29 : memref<!tpu.dma_semaphore, #tpu.memory_space<semaphore_mem>>)
      %add3A_610 = arith.constant 3 : i32
      %add3A_611 = arith.addi %add3A_318, %add3A_610 : i32
      %jit3A_612 = arith.constant 2 : i32
      %div3A_613 = arith.divsi %add3A_611, %jit3A_612 : i32
      %sign3A_614 = arith.constant 0 : i32
      %sign3A_615 = arith.cmpi sgt, %add3A_611, %sign3A_614 : i32
      %sign3A_616 = arith.extui %sign3A_615 : i1 to i32
      %sign3A_617 = arith.constant 0 : i32
      %sign3A_618 = arith.cmpi slt, %add3A_611, %sign3A_617 : i32
      %sign3A_619 = arith.extui %sign3A_618 : i1 to i32
      %sign3A_620 = arith.subi %sign3A_616, %sign3A_619 : i32
      %sign3A_621 = arith.constant 0 : i32
      %sign3A_622 = arith.cmpi sgt, %jit3A_612, %sign3A_621 : i32
      %sign3A_623 = arith.extui %sign3A_622 : i1 to i32
      %sign3A_624 = arith.constant 0 : i32
      %sign3A_625 = arith.cmpi slt, %jit3A_612, %sign3A_624 : i32
      %sign3A_626 = arith.extui %sign3A_625 : i1 to i32
      %sign3A_627 = arith.subi %sign3A_623, %sign3A_626 : i32
      %ne3A_628 = arith.cmpi ne, %sign3A_620, %sign3A_627 : i32
      %rem3A_629 = arith.remsi %add3A_611, %jit3A_612 : i32
      %ne3A_630 = arith.constant 0 : i32
      %ne3A_631 = arith.cmpi ne, %rem3A_629, %ne3A_630 : i32
      %and3A_632 = arith.andi %ne3A_628, %ne3A_631 : i1
      %sub3A_633 = arith.constant 1 : i32
      %sub3A_634 = arith.subi %div3A_613, %sub3A_633 : i32
      %select_n3A_635 = arith.select %and3A_632, %sub3A_634, %div3A_613 : i32
      %jit3A_636 = arith.constant 2 : i32
      %eq3A_637 = arith.constant 0 : i32
      %eq3A_638 = arith.cmpi eq, %jit3A_636, %eq3A_637 : i32
      %jit3A_639 = arith.constant 1 : i32
      %select_n3A_640 = arith.select %eq3A_638, %jit3A_639, %jit3A_636 : i32
      %rem3A_641 = arith.remsi %add3A_611, %select_n3A_640 : i32
      %ne3A_642 = arith.constant 0 : i32
      %ne3A_643 = arith.cmpi ne, %rem3A_641, %ne3A_642 : i32
      %lt3A_644 = arith.constant 0 : i32
      %lt3A_645 = arith.cmpi slt, %rem3A_641, %lt3A_644 : i32
      %lt3A_646 = arith.constant 0 : i32
      %lt3A_647 = arith.cmpi slt, %select_n3A_640, %lt3A_646 : i32
      %ne3A_648 = arith.xori %lt3A_645, %lt3A_647 : i1
      %and3A_649 = arith.andi %ne3A_648, %ne3A_643 : i1
      %add3A_650 = arith.addi %rem3A_641, %select_n3A_640 : i32
      %select_n3A_651 = arith.select %and3A_649, %add3A_650, %rem3A_641 : i32
      %mul3A_652 = arith.constant 64 : i32
      %mul3A_653 = arith.muli %select_n3A_651, %mul3A_652 : i32
      %dma_wait3A_654 = tpu.memref_slice %arg6[%select_n3A_635, %mul3A_653] : memref<50x128xi32, #tpu.memory_space<vmem>> -> memref<1x64xi32, #tpu.memory_space<vmem>>
      %dma_wait3A_655 = tpu.memref_squeeze %dma_wait3A_654 : memref<1x64xi32, #tpu.memory_space<vmem>> -> memref<64xi32, #tpu.memory_space<vmem>>
      %dma_wait3A_656 = arith.constant 0 : i32
      %dma_wait3A_657 = arith.constant 0 : i32
      %dma_wait3A_658 = tpu.memref_slice %arg5[%dma_wait3A_656, %dma_wait3A_657] : memref<1000x128xf32, #tpu.memory_space<vmem_shared>> -> memref<1000x128xf32, #tpu.memory_space<vmem_shared>>
      tpu.wait_indirect_dma semaphore(%arg20 : memref<!tpu.dma_semaphore, #tpu.memory_space<semaphore_mem>>) src(%dma_wait3A_658 : memref<1000x128xf32, #tpu.memory_space<vmem_shared>>) dst(%arg10 : memref<64x128xf32, #tpu.memory_space<vmem>>)
      %add3A_659 = arith.constant 3 : i32
      %add3A_660 = arith.addi %add3A_318, %add3A_659 : i32
      %jit3A_661 = arith.constant 2 : i32
      %div3A_662 = arith.divsi %add3A_660, %jit3A_661 : i32
      %sign3A_663 = arith.constant 0 : i32
      %sign3A_664 = arith.cmpi sgt, %add3A_660, %sign3A_663 : i32
      %sign3A_665 = arith.extui %sign3A_664 : i1 to i32
      %sign3A_666 = arith.constant 0 : i32
      %sign3A_667 = arith.cmpi slt, %add3A_660, %sign3A_666 : i32
      %sign3A_668 = arith.extui %sign3A_667 : i1 to i32
      %sign3A_669 = arith.subi %sign3A_665, %sign3A_668 : i32
      %sign3A_670 = arith.constant 0 : i32
      %sign3A_671 = arith.cmpi sgt, %jit3A_661, %sign3A_670 : i32
      %sign3A_672 = arith.extui %sign3A_671 : i1 to i32
      %sign3A_673 = arith.constant 0 : i32
      %sign3A_674 = arith.cmpi slt, %jit3A_661, %sign3A_673 : i32
      %sign3A_675 = arith.extui %sign3A_674 : i1 to i32
      %sign3A_676 = arith.subi %sign3A_672, %sign3A_675 : i32
      %ne3A_677 = arith.cmpi ne, %sign3A_669, %sign3A_676 : i32
      %rem3A_678 = arith.remsi %add3A_660, %jit3A_661 : i32
      %ne3A_679 = arith.constant 0 : i32
      %ne3A_680 = arith.cmpi ne, %rem3A_678, %ne3A_679 : i32
      %and3A_681 = arith.andi %ne3A_677, %ne3A_680 : i1
      %sub3A_682 = arith.constant 1 : i32
      %sub3A_683 = arith.subi %div3A_662, %sub3A_682 : i32
      %select_n3A_684 = arith.select %and3A_681, %sub3A_683, %div3A_662 : i32
      %jit3A_685 = arith.constant 2 : i32
      %eq3A_686 = arith.constant 0 : i32
      %eq3A_687 = arith.cmpi eq, %jit3A_685, %eq3A_686 : i32
      %jit3A_688 = arith.constant 1 : i32
      %select_n3A_689 = arith.select %eq3A_687, %jit3A_688, %jit3A_685 : i32
      %rem3A_690 = arith.remsi %add3A_660, %select_n3A_689 : i32
      %ne3A_691 = arith.constant 0 : i32
      %ne3A_692 = arith.cmpi ne, %rem3A_690, %ne3A_691 : i32
      %lt3A_693 = arith.constant 0 : i32
      %lt3A_694 = arith.cmpi slt, %rem3A_690, %lt3A_693 : i32
      %lt3A_695 = arith.constant 0 : i32
      %lt3A_696 = arith.cmpi slt, %select_n3A_689, %lt3A_695 : i32
      %ne3A_697 = arith.xori %lt3A_694, %lt3A_696 : i1
      %and3A_698 = arith.andi %ne3A_697, %ne3A_692 : i1
      %add3A_699 = arith.addi %rem3A_690, %select_n3A_689 : i32
      %select_n3A_700 = arith.select %and3A_698, %add3A_699, %rem3A_690 : i32
      %mul3A_701 = arith.constant 64 : i32
      %mul3A_702 = arith.muli %select_n3A_700, %mul3A_701 : i32
      %add3A_703 = arith.addi %mul3A_2, %mul3A_702 : i32
      %dma_start3A_704 = arith.constant 0 : i32
      %dma_start3A_705 = tpu.memref_slice %arg4[%select_n3A_684, %add3A_703, %dma_start3A_704] : memref<50x4096x128xf32, #tpu.memory_space<hbm>> -> memref<1x64x128xf32, #tpu.memory_space<hbm>>
      %dma_start3A_706 = tpu.memref_squeeze %dma_start3A_705 : memref<1x64x128xf32, #tpu.memory_space<hbm>> -> memref<64x128xf32, #tpu.memory_space<hbm>>
      %dma_start3A_707 = arith.constant 0 : i32
      %dma_start3A_708 = tpu.memref_slice %arg4[%select_n3A_684, %add3A_703, %dma_start3A_707] : memref<50x4096x128xf32, #tpu.memory_space<hbm>> -> memref<1x64x128xf32, #tpu.memory_space<hbm>>
      %dma_start3A_709 = tpu.memref_squeeze %dma_start3A_708 : memref<1x64x128xf32, #tpu.memory_space<hbm>> -> memref<64x128xf32, #tpu.memory_space<hbm>>
      tpu.enqueue_dma source(%arg10 : memref<64x128xf32, #tpu.memory_space<vmem>>) target(%dma_start3A_709 : memref<64x128xf32, #tpu.memory_space<hbm>>) target_semaphore(%arg30 : memref<!tpu.dma_semaphore, #tpu.memory_space<semaphore_mem>>)
      %add3A_710 = arith.constant 4 : i32
      %add3A_711 = arith.addi %add3A_318, %add3A_710 : i32
      %jit3A_712 = arith.constant 2 : i32
      %div3A_713 = arith.divsi %add3A_711, %jit3A_712 : i32
      %sign3A_714 = arith.constant 0 : i32
      %sign3A_715 = arith.cmpi sgt, %add3A_711, %sign3A_714 : i32
      %sign3A_716 = arith.extui %sign3A_715 : i1 to i32
      %sign3A_717 = arith.constant 0 : i32
      %sign3A_718 = arith.cmpi slt, %add3A_711, %sign3A_717 : i32
      %sign3A_719 = arith.extui %sign3A_718 : i1 to i32
      %sign3A_720 = arith.subi %sign3A_716, %sign3A_719 : i32
      %sign3A_721 = arith.constant 0 : i32
      %sign3A_722 = arith.cmpi sgt, %jit3A_712, %sign3A_721 : i32
      %sign3A_723 = arith.extui %sign3A_722 : i1 to i32
      %sign3A_724 = arith.constant 0 : i32
      %sign3A_725 = arith.cmpi slt, %jit3A_712, %sign3A_724 : i32
      %sign3A_726 = arith.extui %sign3A_725 : i1 to i32
      %sign3A_727 = arith.subi %sign3A_723, %sign3A_726 : i32
      %ne3A_728 = arith.cmpi ne, %sign3A_720, %sign3A_727 : i32
      %rem3A_729 = arith.remsi %add3A_711, %jit3A_712 : i32
      %ne3A_730 = arith.constant 0 : i32
      %ne3A_731 = arith.cmpi ne, %rem3A_729, %ne3A_730 : i32
      %and3A_732 = arith.andi %ne3A_728, %ne3A_731 : i1
      %sub3A_733 = arith.constant 1 : i32
      %sub3A_734 = arith.subi %div3A_713, %sub3A_733 : i32
      %select_n3A_735 = arith.select %and3A_732, %sub3A_734, %div3A_713 : i32
      %jit3A_736 = arith.constant 2 : i32
      %eq3A_737 = arith.constant 0 : i32
      %eq3A_738 = arith.cmpi eq, %jit3A_736, %eq3A_737 : i32
      %jit3A_739 = arith.constant 1 : i32
      %select_n3A_740 = arith.select %eq3A_738, %jit3A_739, %jit3A_736 : i32
      %rem3A_741 = arith.remsi %add3A_711, %select_n3A_740 : i32
      %ne3A_742 = arith.constant 0 : i32
      %ne3A_743 = arith.cmpi ne, %rem3A_741, %ne3A_742 : i32
      %lt3A_744 = arith.constant 0 : i32
      %lt3A_745 = arith.cmpi slt, %rem3A_741, %lt3A_744 : i32
      %lt3A_746 = arith.constant 0 : i32
      %lt3A_747 = arith.cmpi slt, %select_n3A_740, %lt3A_746 : i32
      %ne3A_748 = arith.xori %lt3A_745, %lt3A_747 : i1
      %and3A_749 = arith.andi %ne3A_748, %ne3A_743 : i1
      %add3A_750 = arith.addi %rem3A_741, %select_n3A_740 : i32
      %select_n3A_751 = arith.select %and3A_749, %add3A_750, %rem3A_741 : i32
      %mul3A_752 = arith.constant 64 : i32
      %mul3A_753 = arith.muli %select_n3A_751, %mul3A_752 : i32
      %dma_wait3A_754 = tpu.memref_slice %arg6[%select_n3A_735, %mul3A_753] : memref<50x128xi32, #tpu.memory_space<vmem>> -> memref<1x64xi32, #tpu.memory_space<vmem>>
      %dma_wait3A_755 = tpu.memref_squeeze %dma_wait3A_754 : memref<1x64xi32, #tpu.memory_space<vmem>> -> memref<64xi32, #tpu.memory_space<vmem>>
      %dma_wait3A_756 = arith.constant 0 : i32
      %dma_wait3A_757 = arith.constant 0 : i32
      %dma_wait3A_758 = tpu.memref_slice %arg5[%dma_wait3A_756, %dma_wait3A_757] : memref<1000x128xf32, #tpu.memory_space<vmem_shared>> -> memref<1000x128xf32, #tpu.memory_space<vmem_shared>>
      tpu.wait_indirect_dma semaphore(%arg21 : memref<!tpu.dma_semaphore, #tpu.memory_space<semaphore_mem>>) src(%dma_wait3A_758 : memref<1000x128xf32, #tpu.memory_space<vmem_shared>>) dst(%arg11 : memref<64x128xf32, #tpu.memory_space<vmem>>)
      %add3A_759 = arith.constant 4 : i32
      %add3A_760 = arith.addi %add3A_318, %add3A_759 : i32
      %jit3A_761 = arith.constant 2 : i32
      %div3A_762 = arith.divsi %add3A_760, %jit3A_761 : i32
      %sign3A_763 = arith.constant 0 : i32
      %sign3A_764 = arith.cmpi sgt, %add3A_760, %sign3A_763 : i32
      %sign3A_765 = arith.extui %sign3A_764 : i1 to i32
      %sign3A_766 = arith.constant 0 : i32
      %sign3A_767 = arith.cmpi slt, %add3A_760, %sign3A_766 : i32
      %sign3A_768 = arith.extui %sign3A_767 : i1 to i32
      %sign3A_769 = arith.subi %sign3A_765, %sign3A_768 : i32
      %sign3A_770 = arith.constant 0 : i32
      %sign3A_771 = arith.cmpi sgt, %jit3A_761, %sign3A_770 : i32
      %sign3A_772 = arith.extui %sign3A_771 : i1 to i32
      %sign3A_773 = arith.constant 0 : i32
      %sign3A_774 = arith.cmpi slt, %jit3A_761, %sign3A_773 : i32
      %sign3A_775 = arith.extui %sign3A_774 : i1 to i32
      %sign3A_776 = arith.subi %sign3A_772, %sign3A_775 : i32
      %ne3A_777 = arith.cmpi ne, %sign3A_769, %sign3A_776 : i32
      %rem3A_778 = arith.remsi %add3A_760, %jit3A_761 : i32
      %ne3A_779 = arith.constant 0 : i32
      %ne3A_780 = arith.cmpi ne, %rem3A_778, %ne3A_779 : i32
      %and3A_781 = arith.andi %ne3A_777, %ne3A_780 : i1
      %sub3A_782 = arith.constant 1 : i32
      %sub3A_783 = arith.subi %div3A_762, %sub3A_782 : i32
      %select_n3A_784 = arith.select %and3A_781, %sub3A_783, %div3A_762 : i32
      %jit3A_785 = arith.constant 2 : i32
      %eq3A_786 = arith.constant 0 : i32
      %eq3A_787 = arith.cmpi eq, %jit3A_785, %eq3A_786 : i32
      %jit3A_788 = arith.constant 1 : i32
      %select_n3A_789 = arith.select %eq3A_787, %jit3A_788, %jit3A_785 : i32
      %rem3A_790 = arith.remsi %add3A_760, %select_n3A_789 : i32
      %ne3A_791 = arith.constant 0 : i32
      %ne3A_792 = arith.cmpi ne, %rem3A_790, %ne3A_791 : i32
      %lt3A_793 = arith.constant 0 : i32
      %lt3A_794 = arith.cmpi slt, %rem3A_790, %lt3A_793 : i32
      %lt3A_795 = arith.constant 0 : i32
      %lt3A_796 = arith.cmpi slt, %select_n3A_789, %lt3A_795 : i32
      %ne3A_797 = arith.xori %lt3A_794, %lt3A_796 : i1
      %and3A_798 = arith.andi %ne3A_797, %ne3A_792 : i1
      %add3A_799 = arith.addi %rem3A_790, %select_n3A_789 : i32
      %select_n3A_800 = arith.select %and3A_798, %add3A_799, %rem3A_790 : i32
      %mul3A_801 = arith.constant 64 : i32
      %mul3A_802 = arith.muli %select_n3A_800, %mul3A_801 : i32
      %add3A_803 = arith.addi %mul3A_2, %mul3A_802 : i32
      %dma_start3A_804 = arith.constant 0 : i32
      %dma_start3A_805 = tpu.memref_slice %arg4[%select_n3A_784, %add3A_803, %dma_start3A_804] : memref<50x4096x128xf32, #tpu.memory_space<hbm>> -> memref<1x64x128xf32, #tpu.memory_space<hbm>>
      %dma_start3A_806 = tpu.memref_squeeze %dma_start3A_805 : memref<1x64x128xf32, #tpu.memory_space<hbm>> -> memref<64x128xf32, #tpu.memory_space<hbm>>
      %dma_start3A_807 = arith.constant 0 : i32
      %dma_start3A_808 = tpu.memref_slice %arg4[%select_n3A_784, %add3A_803, %dma_start3A_807] : memref<50x4096x128xf32, #tpu.memory_space<hbm>> -> memref<1x64x128xf32, #tpu.memory_space<hbm>>
      %dma_start3A_809 = tpu.memref_squeeze %dma_start3A_808 : memref<1x64x128xf32, #tpu.memory_space<hbm>> -> memref<64x128xf32, #tpu.memory_space<hbm>>
      tpu.enqueue_dma source(%arg11 : memref<64x128xf32, #tpu.memory_space<vmem>>) target(%dma_start3A_809 : memref<64x128xf32, #tpu.memory_space<hbm>>) target_semaphore(%arg31 : memref<!tpu.dma_semaphore, #tpu.memory_space<semaphore_mem>>)
      %add3A_810 = arith.constant 5 : i32
      %add3A_811 = arith.addi %add3A_318, %add3A_810 : i32
      %jit3A_812 = arith.constant 2 : i32
      %div3A_813 = arith.divsi %add3A_811, %jit3A_812 : i32
      %sign3A_814 = arith.constant 0 : i32
      %sign3A_815 = arith.cmpi sgt, %add3A_811, %sign3A_814 : i32
      %sign3A_816 = arith.extui %sign3A_815 : i1 to i32
      %sign3A_817 = arith.constant 0 : i32
      %sign3A_818 = arith.cmpi slt, %add3A_811, %sign3A_817 : i32
      %sign3A_819 = arith.extui %sign3A_818 : i1 to i32
      %sign3A_820 = arith.subi %sign3A_816, %sign3A_819 : i32
      %sign3A_821 = arith.constant 0 : i32
      %sign3A_822 = arith.cmpi sgt, %jit3A_812, %sign3A_821 : i32
      %sign3A_823 = arith.extui %sign3A_822 : i1 to i32
      %sign3A_824 = arith.constant 0 : i32
      %sign3A_825 = arith.cmpi slt, %jit3A_812, %sign3A_824 : i32
      %sign3A_826 = arith.extui %sign3A_825 : i1 to i32
      %sign3A_827 = arith.subi %sign3A_823, %sign3A_826 : i32
      %ne3A_828 = arith.cmpi ne, %sign3A_820, %sign3A_827 : i32
      %rem3A_829 = arith.remsi %add3A_811, %jit3A_812 : i32
      %ne3A_830 = arith.constant 0 : i32
      %ne3A_831 = arith.cmpi ne, %rem3A_829, %ne3A_830 : i32
      %and3A_832 = arith.andi %ne3A_828, %ne3A_831 : i1
      %sub3A_833 = arith.constant 1 : i32
      %sub3A_834 = arith.subi %div3A_813, %sub3A_833 : i32
      %select_n3A_835 = arith.select %and3A_832, %sub3A_834, %div3A_813 : i32
      %jit3A_836 = arith.constant 2 : i32
      %eq3A_837 = arith.constant 0 : i32
      %eq3A_838 = arith.cmpi eq, %jit3A_836, %eq3A_837 : i32
      %jit3A_839 = arith.constant 1 : i32
      %select_n3A_840 = arith.select %eq3A_838, %jit3A_839, %jit3A_836 : i32
      %rem3A_841 = arith.remsi %add3A_811, %select_n3A_840 : i32
      %ne3A_842 = arith.constant 0 : i32
      %ne3A_843 = arith.cmpi ne, %rem3A_841, %ne3A_842 : i32
      %lt3A_844 = arith.constant 0 : i32
      %lt3A_845 = arith.cmpi slt, %rem3A_841, %lt3A_844 : i32
      %lt3A_846 = arith.constant 0 : i32
      %lt3A_847 = arith.cmpi slt, %select_n3A_840, %lt3A_846 : i32
      %ne3A_848 = arith.xori %lt3A_845, %lt3A_847 : i1
      %and3A_849 = arith.andi %ne3A_848, %ne3A_843 : i1
      %add3A_850 = arith.addi %rem3A_841, %select_n3A_840 : i32
      %select_n3A_851 = arith.select %and3A_849, %add3A_850, %rem3A_841 : i32
      %mul3A_852 = arith.constant 64 : i32
      %mul3A_853 = arith.muli %select_n3A_851, %mul3A_852 : i32
      %dma_wait3A_854 = tpu.memref_slice %arg6[%select_n3A_835, %mul3A_853] : memref<50x128xi32, #tpu.memory_space<vmem>> -> memref<1x64xi32, #tpu.memory_space<vmem>>
      %dma_wait3A_855 = tpu.memref_squeeze %dma_wait3A_854 : memref<1x64xi32, #tpu.memory_space<vmem>> -> memref<64xi32, #tpu.memory_space<vmem>>
      %dma_wait3A_856 = arith.constant 0 : i32
      %dma_wait3A_857 = arith.constant 0 : i32
      %dma_wait3A_858 = tpu.memref_slice %arg5[%dma_wait3A_856, %dma_wait3A_857] : memref<1000x128xf32, #tpu.memory_space<vmem_shared>> -> memref<1000x128xf32, #tpu.memory_space<vmem_shared>>
      tpu.wait_indirect_dma semaphore(%arg22 : memref<!tpu.dma_semaphore, #tpu.memory_space<semaphore_mem>>) src(%dma_wait3A_858 : memref<1000x128xf32, #tpu.memory_space<vmem_shared>>) dst(%arg12 : memref<64x128xf32, #tpu.memory_space<vmem>>)
      %add3A_859 = arith.constant 5 : i32
      %add3A_860 = arith.addi %add3A_318, %add3A_859 : i32
      %jit3A_861 = arith.constant 2 : i32
      %div3A_862 = arith.divsi %add3A_860, %jit3A_861 : i32
      %sign3A_863 = arith.constant 0 : i32
      %sign3A_864 = arith.cmpi sgt, %add3A_860, %sign3A_863 : i32
      %sign3A_865 = arith.extui %sign3A_864 : i1 to i32
      %sign3A_866 = arith.constant 0 : i32
      %sign3A_867 = arith.cmpi slt, %add3A_860, %sign3A_866 : i32
      %sign3A_868 = arith.extui %sign3A_867 : i1 to i32
      %sign3A_869 = arith.subi %sign3A_865, %sign3A_868 : i32
      %sign3A_870 = arith.constant 0 : i32
      %sign3A_871 = arith.cmpi sgt, %jit3A_861, %sign3A_870 : i32
      %sign3A_872 = arith.extui %sign3A_871 : i1 to i32
      %sign3A_873 = arith.constant 0 : i32
      %sign3A_874 = arith.cmpi slt, %jit3A_861, %sign3A_873 : i32
      %sign3A_875 = arith.extui %sign3A_874 : i1 to i32
      %sign3A_876 = arith.subi %sign3A_872, %sign3A_875 : i32
      %ne3A_877 = arith.cmpi ne, %sign3A_869, %sign3A_876 : i32
      %rem3A_878 = arith.remsi %add3A_860, %jit3A_861 : i32
      %ne3A_879 = arith.constant 0 : i32
      %ne3A_880 = arith.cmpi ne, %rem3A_878, %ne3A_879 : i32
      %and3A_881 = arith.andi %ne3A_877, %ne3A_880 : i1
      %sub3A_882 = arith.constant 1 : i32
      %sub3A_883 = arith.subi %div3A_862, %sub3A_882 : i32
      %select_n3A_884 = arith.select %and3A_881, %sub3A_883, %div3A_862 : i32
      %jit3A_885 = arith.constant 2 : i32
      %eq3A_886 = arith.constant 0 : i32
      %eq3A_887 = arith.cmpi eq, %jit3A_885, %eq3A_886 : i32
      %jit3A_888 = arith.constant 1 : i32
      %select_n3A_889 = arith.select %eq3A_887, %jit3A_888, %jit3A_885 : i32
      %rem3A_890 = arith.remsi %add3A_860, %select_n3A_889 : i32
      %ne3A_891 = arith.constant 0 : i32
      %ne3A_892 = arith.cmpi ne, %rem3A_890, %ne3A_891 : i32
      %lt3A_893 = arith.constant 0 : i32
      %lt3A_894 = arith.cmpi slt, %rem3A_890, %lt3A_893 : i32
      %lt3A_895 = arith.constant 0 : i32
      %lt3A_896 = arith.cmpi slt, %select_n3A_889, %lt3A_895 : i32
      %ne3A_897 = arith.xori %lt3A_894, %lt3A_896 : i1
      %and3A_898 = arith.andi %ne3A_897, %ne3A_892 : i1
      %add3A_899 = arith.addi %rem3A_890, %select_n3A_889 : i32
      %select_n3A_900 = arith.select %and3A_898, %add3A_899, %rem3A_890 : i32
      %mul3A_901 = arith.constant 64 : i32
      %mul3A_902 = arith.muli %select_n3A_900, %mul3A_901 : i32
      %add3A_903 = arith.addi %mul3A_2, %mul3A_902 : i32
      %dma_start3A_904 = arith.constant 0 : i32
      %dma_start3A_905 = tpu.memref_slice %arg4[%select_n3A_884, %add3A_903, %dma_start3A_904] : memref<50x4096x128xf32, #tpu.memory_space<hbm>> -> memref<1x64x128xf32, #tpu.memory_space<hbm>>
      %dma_start3A_906 = tpu.memref_squeeze %dma_start3A_905 : memref<1x64x128xf32, #tpu.memory_space<hbm>> -> memref<64x128xf32, #tpu.memory_space<hbm>>
      %dma_start3A_907 = arith.constant 0 : i32
      %dma_start3A_908 = tpu.memref_slice %arg4[%select_n3A_884, %add3A_903, %dma_start3A_907] : memref<50x4096x128xf32, #tpu.memory_space<hbm>> -> memref<1x64x128xf32, #tpu.memory_space<hbm>>
      %dma_start3A_909 = tpu.memref_squeeze %dma_start3A_908 : memref<1x64x128xf32, #tpu.memory_space<hbm>> -> memref<64x128xf32, #tpu.memory_space<hbm>>
      tpu.enqueue_dma source(%arg12 : memref<64x128xf32, #tpu.memory_space<vmem>>) target(%dma_start3A_909 : memref<64x128xf32, #tpu.memory_space<hbm>>) target_semaphore(%arg32 : memref<!tpu.dma_semaphore, #tpu.memory_space<semaphore_mem>>)
      %add3A_910 = arith.constant 6 : i32
      %add3A_911 = arith.addi %add3A_318, %add3A_910 : i32
      %jit3A_912 = arith.constant 2 : i32
      %div3A_913 = arith.divsi %add3A_911, %jit3A_912 : i32
      %sign3A_914 = arith.constant 0 : i32
      %sign3A_915 = arith.cmpi sgt, %add3A_911, %sign3A_914 : i32
      %sign3A_916 = arith.extui %sign3A_915 : i1 to i32
      %sign3A_917 = arith.constant 0 : i32
      %sign3A_918 = arith.cmpi slt, %add3A_911, %sign3A_917 : i32
      %sign3A_919 = arith.extui %sign3A_918 : i1 to i32
      %sign3A_920 = arith.subi %sign3A_916, %sign3A_919 : i32
      %sign3A_921 = arith.constant 0 : i32
      %sign3A_922 = arith.cmpi sgt, %jit3A_912, %sign3A_921 : i32
      %sign3A_923 = arith.extui %sign3A_922 : i1 to i32
      %sign3A_924 = arith.constant 0 : i32
      %sign3A_925 = arith.cmpi slt, %jit3A_912, %sign3A_924 : i32
      %sign3A_926 = arith.extui %sign3A_925 : i1 to i32
      %sign3A_927 = arith.subi %sign3A_923, %sign3A_926 : i32
      %ne3A_928 = arith.cmpi ne, %sign3A_920, %sign3A_927 : i32
      %rem3A_929 = arith.remsi %add3A_911, %jit3A_912 : i32
      %ne3A_930 = arith.constant 0 : i32
      %ne3A_931 = arith.cmpi ne, %rem3A_929, %ne3A_930 : i32
      %and3A_932 = arith.andi %ne3A_928, %ne3A_931 : i1
      %sub3A_933 = arith.constant 1 : i32
      %sub3A_934 = arith.subi %div3A_913, %sub3A_933 : i32
      %select_n3A_935 = arith.select %and3A_932, %sub3A_934, %div3A_913 : i32
      %jit3A_936 = arith.constant 2 : i32
      %eq3A_937 = arith.constant 0 : i32
      %eq3A_938 = arith.cmpi eq, %jit3A_936, %eq3A_937 : i32
      %jit3A_939 = arith.constant 1 : i32
      %select_n3A_940 = arith.select %eq3A_938, %jit3A_939, %jit3A_936 : i32
      %rem3A_941 = arith.remsi %add3A_911, %select_n3A_940 : i32
      %ne3A_942 = arith.constant 0 : i32
      %ne3A_943 = arith.cmpi ne, %rem3A_941, %ne3A_942 : i32
      %lt3A_944 = arith.constant 0 : i32
      %lt3A_945 = arith.cmpi slt, %rem3A_941, %lt3A_944 : i32
      %lt3A_946 = arith.constant 0 : i32
      %lt3A_947 = arith.cmpi slt, %select_n3A_940, %lt3A_946 : i32
      %ne3A_948 = arith.xori %lt3A_945, %lt3A_947 : i1
      %and3A_949 = arith.andi %ne3A_948, %ne3A_943 : i1
      %add3A_950 = arith.addi %rem3A_941, %select_n3A_940 : i32
      %select_n3A_951 = arith.select %and3A_949, %add3A_950, %rem3A_941 : i32
      %mul3A_952 = arith.constant 64 : i32
      %mul3A_953 = arith.muli %select_n3A_951, %mul3A_952 : i32
      %dma_wait3A_954 = tpu.memref_slice %arg6[%select_n3A_935, %mul3A_953] : memref<50x128xi32, #tpu.memory_space<vmem>> -> memref<1x64xi32, #tpu.memory_space<vmem>>
      %dma_wait3A_955 = tpu.memref_squeeze %dma_wait3A_954 : memref<1x64xi32, #tpu.memory_space<vmem>> -> memref<64xi32, #tpu.memory_space<vmem>>
      %dma_wait3A_956 = arith.constant 0 : i32
      %dma_wait3A_957 = arith.constant 0 : i32
      %dma_wait3A_958 = tpu.memref_slice %arg5[%dma_wait3A_956, %dma_wait3A_957] : memref<1000x128xf32, #tpu.memory_space<vmem_shared>> -> memref<1000x128xf32, #tpu.memory_space<vmem_shared>>
      tpu.wait_indirect_dma semaphore(%arg23 : memref<!tpu.dma_semaphore, #tpu.memory_space<semaphore_mem>>) src(%dma_wait3A_958 : memref<1000x128xf32, #tpu.memory_space<vmem_shared>>) dst(%arg13 : memref<64x128xf32, #tpu.memory_space<vmem>>)
      %add3A_959 = arith.constant 6 : i32
      %add3A_960 = arith.addi %add3A_318, %add3A_959 : i32
      %jit3A_961 = arith.constant 2 : i32
      %div3A_962 = arith.divsi %add3A_960, %jit3A_961 : i32
      %sign3A_963 = arith.constant 0 : i32
      %sign3A_964 = arith.cmpi sgt, %add3A_960, %sign3A_963 : i32
      %sign3A_965 = arith.extui %sign3A_964 : i1 to i32
      %sign3A_966 = arith.constant 0 : i32
      %sign3A_967 = arith.cmpi slt, %add3A_960, %sign3A_966 : i32
      %sign3A_968 = arith.extui %sign3A_967 : i1 to i32
      %sign3A_969 = arith.subi %sign3A_965, %sign3A_968 : i32
      %sign3A_970 = arith.constant 0 : i32
      %sign3A_971 = arith.cmpi sgt, %jit3A_961, %sign3A_970 : i32
      %sign3A_972 = arith.extui %sign3A_971 : i1 to i32
      %sign3A_973 = arith.constant 0 : i32
      %sign3A_974 = arith.cmpi slt, %jit3A_961, %sign3A_973 : i32
      %sign3A_975 = arith.extui %sign3A_974 : i1 to i32
      %sign3A_976 = arith.subi %sign3A_972, %sign3A_975 : i32
      %ne3A_977 = arith.cmpi ne, %sign3A_969, %sign3A_976 : i32
      %rem3A_978 = arith.remsi %add3A_960, %jit3A_961 : i32
      %ne3A_979 = arith.constant 0 : i32
      %ne3A_980 = arith.cmpi ne, %rem3A_978, %ne3A_979 : i32
      %and3A_981 = arith.andi %ne3A_977, %ne3A_980 : i1
      %sub3A_982 = arith.constant 1 : i32
      %sub3A_983 = arith.subi %div3A_962, %sub3A_982 : i32
      %select_n3A_984 = arith.select %and3A_981, %sub3A_983, %div3A_962 : i32
      %jit3A_985 = arith.constant 2 : i32
      %eq3A_986 = arith.constant 0 : i32
      %eq3A_987 = arith.cmpi eq, %jit3A_985, %eq3A_986 : i32
      %jit3A_988 = arith.constant 1 : i32
      %select_n3A_989 = arith.select %eq3A_987, %jit3A_988, %jit3A_985 : i32
      %rem3A_990 = arith.remsi %add3A_960, %select_n3A_989 : i32
      %ne3A_991 = arith.constant 0 : i32
      %ne3A_992 = arith.cmpi ne, %rem3A_990, %ne3A_991 : i32
      %lt3A_993 = arith.constant 0 : i32
      %lt3A_994 = arith.cmpi slt, %rem3A_990, %lt3A_993 : i32
      %lt3A_995 = arith.constant 0 : i32
      %lt3A_996 = arith.cmpi slt, %select_n3A_989, %lt3A_995 : i32
      %ne3A_997 = arith.xori %lt3A_994, %lt3A_996 : i1
      %and3A_998 = arith.andi %ne3A_997, %ne3A_992 : i1
      %add3A_999 = arith.addi %rem3A_990, %select_n3A_989 : i32
      %select_n3A_1000 = arith.select %and3A_998, %add3A_999, %rem3A_990 : i32
      %mul3A_1001 = arith.constant 64 : i32
      %mul3A_1002 = arith.muli %select_n3A_1000, %mul3A_1001 : i32
      %add3A_1003 = arith.addi %mul3A_2, %mul3A_1002 : i32
      %dma_start3A_1004 = arith.constant 0 : i32
      %dma_start3A_1005 = tpu.memref_slice %arg4[%select_n3A_984, %add3A_1003, %dma_start3A_1004] : memref<50x4096x128xf32, #tpu.memory_space<hbm>> -> memref<1x64x128xf32, #tpu.memory_space<hbm>>
      %dma_start3A_1006 = tpu.memref_squeeze %dma_start3A_1005 : memref<1x64x128xf32, #tpu.memory_space<hbm>> -> memref<64x128xf32, #tpu.memory_space<hbm>>
      %dma_start3A_1007 = arith.constant 0 : i32
      %dma_start3A_1008 = tpu.memref_slice %arg4[%select_n3A_984, %add3A_1003, %dma_start3A_1007] : memref<50x4096x128xf32, #tpu.memory_space<hbm>> -> memref<1x64x128xf32, #tpu.memory_space<hbm>>
      %dma_start3A_1009 = tpu.memref_squeeze %dma_start3A_1008 : memref<1x64x128xf32, #tpu.memory_space<hbm>> -> memref<64x128xf32, #tpu.memory_space<hbm>>
      tpu.enqueue_dma source(%arg13 : memref<64x128xf32, #tpu.memory_space<vmem>>) target(%dma_start3A_1009 : memref<64x128xf32, #tpu.memory_space<hbm>>) target_semaphore(%arg33 : memref<!tpu.dma_semaphore, #tpu.memory_space<semaphore_mem>>)
      %add3A_1010 = arith.constant 7 : i32
      %add3A_1011 = arith.addi %add3A_318, %add3A_1010 : i32
      %jit3A_1012 = arith.constant 2 : i32
      %div3A_1013 = arith.divsi %add3A_1011, %jit3A_1012 : i32
      %sign3A_1014 = arith.constant 0 : i32
      %sign3A_1015 = arith.cmpi sgt, %add3A_1011, %sign3A_1014 : i32
      %sign3A_1016 = arith.extui %sign3A_1015 : i1 to i32
      %sign3A_1017 = arith.constant 0 : i32
      %sign3A_1018 = arith.cmpi slt, %add3A_1011, %sign3A_1017 : i32
      %sign3A_1019 = arith.extui %sign3A_1018 : i1 to i32
      %sign3A_1020 = arith.subi %sign3A_1016, %sign3A_1019 : i32
      %sign3A_1021 = arith.constant 0 : i32
      %sign3A_1022 = arith.cmpi sgt, %jit3A_1012, %sign3A_1021 : i32
      %sign3A_1023 = arith.extui %sign3A_1022 : i1 to i32
      %sign3A_1024 = arith.constant 0 : i32
      %sign3A_1025 = arith.cmpi slt, %jit3A_1012, %sign3A_1024 : i32
      %sign3A_1026 = arith.extui %sign3A_1025 : i1 to i32
      %sign3A_1027 = arith.subi %sign3A_1023, %sign3A_1026 : i32
      %ne3A_1028 = arith.cmpi ne, %sign3A_1020, %sign3A_1027 : i32
      %rem3A_1029 = arith.remsi %add3A_1011, %jit3A_1012 : i32
      %ne3A_1030 = arith.constant 0 : i32
      %ne3A_1031 = arith.cmpi ne, %rem3A_1029, %ne3A_1030 : i32
      %and3A_1032 = arith.andi %ne3A_1028, %ne3A_1031 : i1
      %sub3A_1033 = arith.constant 1 : i32
      %sub3A_1034 = arith.subi %div3A_1013, %sub3A_1033 : i32
      %select_n3A_1035 = arith.select %and3A_1032, %sub3A_1034, %div3A_1013 : i32
      %jit3A_1036 = arith.constant 2 : i32
      %eq3A_1037 = arith.constant 0 : i32
      %eq3A_1038 = arith.cmpi eq, %jit3A_1036, %eq3A_1037 : i32
      %jit3A_1039 = arith.constant 1 : i32
      %select_n3A_1040 = arith.select %eq3A_1038, %jit3A_1039, %jit3A_1036 : i32
      %rem3A_1041 = arith.remsi %add3A_1011, %select_n3A_1040 : i32
      %ne3A_1042 = arith.constant 0 : i32
      %ne3A_1043 = arith.cmpi ne, %rem3A_1041, %ne3A_1042 : i32
      %lt3A_1044 = arith.constant 0 : i32
      %lt3A_1045 = arith.cmpi slt, %rem3A_1041, %lt3A_1044 : i32
      %lt3A_1046 = arith.constant 0 : i32
      %lt3A_1047 = arith.cmpi slt, %select_n3A_1040, %lt3A_1046 : i32
      %ne3A_1048 = arith.xori %lt3A_1045, %lt3A_1047 : i1
      %and3A_1049 = arith.andi %ne3A_1048, %ne3A_1043 : i1
      %add3A_1050 = arith.addi %rem3A_1041, %select_n3A_1040 : i32
      %select_n3A_1051 = arith.select %and3A_1049, %add3A_1050, %rem3A_1041 : i32
      %mul3A_1052 = arith.constant 64 : i32
      %mul3A_1053 = arith.muli %select_n3A_1051, %mul3A_1052 : i32
      %dma_wait3A_1054 = tpu.memref_slice %arg6[%select_n3A_1035, %mul3A_1053] : memref<50x128xi32, #tpu.memory_space<vmem>> -> memref<1x64xi32, #tpu.memory_space<vmem>>
      %dma_wait3A_1055 = tpu.memref_squeeze %dma_wait3A_1054 : memref<1x64xi32, #tpu.memory_space<vmem>> -> memref<64xi32, #tpu.memory_space<vmem>>
      %dma_wait3A_1056 = arith.constant 0 : i32
      %dma_wait3A_1057 = arith.constant 0 : i32
      %dma_wait3A_1058 = tpu.memref_slice %arg5[%dma_wait3A_1056, %dma_wait3A_1057] : memref<1000x128xf32, #tpu.memory_space<vmem_shared>> -> memref<1000x128xf32, #tpu.memory_space<vmem_shared>>
      tpu.wait_indirect_dma semaphore(%arg24 : memref<!tpu.dma_semaphore, #tpu.memory_space<semaphore_mem>>) src(%dma_wait3A_1058 : memref<1000x128xf32, #tpu.memory_space<vmem_shared>>) dst(%arg14 : memref<64x128xf32, #tpu.memory_space<vmem>>)
      %add3A_1059 = arith.constant 7 : i32
      %add3A_1060 = arith.addi %add3A_318, %add3A_1059 : i32
      %jit3A_1061 = arith.constant 2 : i32
      %div3A_1062 = arith.divsi %add3A_1060, %jit3A_1061 : i32
      %sign3A_1063 = arith.constant 0 : i32
      %sign3A_1064 = arith.cmpi sgt, %add3A_1060, %sign3A_1063 : i32
      %sign3A_1065 = arith.extui %sign3A_1064 : i1 to i32
      %sign3A_1066 = arith.constant 0 : i32
      %sign3A_1067 = arith.cmpi slt, %add3A_1060, %sign3A_1066 : i32
      %sign3A_1068 = arith.extui %sign3A_1067 : i1 to i32
      %sign3A_1069 = arith.subi %sign3A_1065, %sign3A_1068 : i32
      %sign3A_1070 = arith.constant 0 : i32
      %sign3A_1071 = arith.cmpi sgt, %jit3A_1061, %sign3A_1070 : i32
      %sign3A_1072 = arith.extui %sign3A_1071 : i1 to i32
      %sign3A_1073 = arith.constant 0 : i32
      %sign3A_1074 = arith.cmpi slt, %jit3A_1061, %sign3A_1073 : i32
      %sign3A_1075 = arith.extui %sign3A_1074 : i1 to i32
      %sign3A_1076 = arith.subi %sign3A_1072, %sign3A_1075 : i32
      %ne3A_1077 = arith.cmpi ne, %sign3A_1069, %sign3A_1076 : i32
      %rem3A_1078 = arith.remsi %add3A_1060, %jit3A_1061 : i32
      %ne3A_1079 = arith.constant 0 : i32
      %ne3A_1080 = arith.cmpi ne, %rem3A_1078, %ne3A_1079 : i32
      %and3A_1081 = arith.andi %ne3A_1077, %ne3A_1080 : i1
      %sub3A_1082 = arith.constant 1 : i32
      %sub3A_1083 = arith.subi %div3A_1062, %sub3A_1082 : i32
      %select_n3A_1084 = arith.select %and3A_1081, %sub3A_1083, %div3A_1062 : i32
      %jit3A_1085 = arith.constant 2 : i32
      %eq3A_1086 = arith.constant 0 : i32
      %eq3A_1087 = arith.cmpi eq, %jit3A_1085, %eq3A_1086 : i32
      %jit3A_1088 = arith.constant 1 : i32
      %select_n3A_1089 = arith.select %eq3A_1087, %jit3A_1088, %jit3A_1085 : i32
      %rem3A_1090 = arith.remsi %add3A_1060, %select_n3A_1089 : i32
      %ne3A_1091 = arith.constant 0 : i32
      %ne3A_1092 = arith.cmpi ne, %rem3A_1090, %ne3A_1091 : i32
      %lt3A_1093 = arith.constant 0 : i32
      %lt3A_1094 = arith.cmpi slt, %rem3A_1090, %lt3A_1093 : i32
      %lt3A_1095 = arith.constant 0 : i32
      %lt3A_1096 = arith.cmpi slt, %select_n3A_1089, %lt3A_1095 : i32
      %ne3A_1097 = arith.xori %lt3A_1094, %lt3A_1096 : i1
      %and3A_1098 = arith.andi %ne3A_1097, %ne3A_1092 : i1
      %add3A_1099 = arith.addi %rem3A_1090, %select_n3A_1089 : i32
      %select_n3A_1100 = arith.select %and3A_1098, %add3A_1099, %rem3A_1090 : i32
      %mul3A_1101 = arith.constant 64 : i32
      %mul3A_1102 = arith.muli %select_n3A_1100, %mul3A_1101 : i32
      %add3A_1103 = arith.addi %mul3A_2, %mul3A_1102 : i32
      %dma_start3A_1104 = arith.constant 0 : i32
      %dma_start3A_1105 = tpu.memref_slice %arg4[%select_n3A_1084, %add3A_1103, %dma_start3A_1104] : memref<50x4096x128xf32, #tpu.memory_space<hbm>> -> memref<1x64x128xf32, #tpu.memory_space<hbm>>
      %dma_start3A_1106 = tpu.memref_squeeze %dma_start3A_1105 : memref<1x64x128xf32, #tpu.memory_space<hbm>> -> memref<64x128xf32, #tpu.memory_space<hbm>>
      %dma_start3A_1107 = arith.constant 0 : i32
      %dma_start3A_1108 = tpu.memref_slice %arg4[%select_n3A_1084, %add3A_1103, %dma_start3A_1107] : memref<50x4096x128xf32, #tpu.memory_space<hbm>> -> memref<1x64x128xf32, #tpu.memory_space<hbm>>
      %dma_start3A_1109 = tpu.memref_squeeze %dma_start3A_1108 : memref<1x64x128xf32, #tpu.memory_space<hbm>> -> memref<64x128xf32, #tpu.memory_space<hbm>>
      tpu.enqueue_dma source(%arg14 : memref<64x128xf32, #tpu.memory_space<vmem>>) target(%dma_start3A_1109 : memref<64x128xf32, #tpu.memory_space<hbm>>) target_semaphore(%arg34 : memref<!tpu.dma_semaphore, #tpu.memory_space<semaphore_mem>>)
      %add3A_1110 = arith.constant 8 : i32
      %add3A_1111 = arith.addi %add3A_318, %add3A_1110 : i32
      %jit3A_1112 = arith.constant 2 : i32
      %div3A_1113 = arith.divsi %add3A_1111, %jit3A_1112 : i32
      %sign3A_1114 = arith.constant 0 : i32
      %sign3A_1115 = arith.cmpi sgt, %add3A_1111, %sign3A_1114 : i32
      %sign3A_1116 = arith.extui %sign3A_1115 : i1 to i32
      %sign3A_1117 = arith.constant 0 : i32
      %sign3A_1118 = arith.cmpi slt, %add3A_1111, %sign3A_1117 : i32
      %sign3A_1119 = arith.extui %sign3A_1118 : i1 to i32
      %sign3A_1120 = arith.subi %sign3A_1116, %sign3A_1119 : i32
      %sign3A_1121 = arith.constant 0 : i32
      %sign3A_1122 = arith.cmpi sgt, %jit3A_1112, %sign3A_1121 : i32
      %sign3A_1123 = arith.extui %sign3A_1122 : i1 to i32
      %sign3A_1124 = arith.constant 0 : i32
      %sign3A_1125 = arith.cmpi slt, %jit3A_1112, %sign3A_1124 : i32
      %sign3A_1126 = arith.extui %sign3A_1125 : i1 to i32
      %sign3A_1127 = arith.subi %sign3A_1123, %sign3A_1126 : i32
      %ne3A_1128 = arith.cmpi ne, %sign3A_1120, %sign3A_1127 : i32
      %rem3A_1129 = arith.remsi %add3A_1111, %jit3A_1112 : i32
      %ne3A_1130 = arith.constant 0 : i32
      %ne3A_1131 = arith.cmpi ne, %rem3A_1129, %ne3A_1130 : i32
      %and3A_1132 = arith.andi %ne3A_1128, %ne3A_1131 : i1
      %sub3A_1133 = arith.constant 1 : i32
      %sub3A_1134 = arith.subi %div3A_1113, %sub3A_1133 : i32
      %select_n3A_1135 = arith.select %and3A_1132, %sub3A_1134, %div3A_1113 : i32
      %jit3A_1136 = arith.constant 2 : i32
      %eq3A_1137 = arith.constant 0 : i32
      %eq3A_1138 = arith.cmpi eq, %jit3A_1136, %eq3A_1137 : i32
      %jit3A_1139 = arith.constant 1 : i32
      %select_n3A_1140 = arith.select %eq3A_1138, %jit3A_1139, %jit3A_1136 : i32
      %rem3A_1141 = arith.remsi %add3A_1111, %select_n3A_1140 : i32
      %ne3A_1142 = arith.constant 0 : i32
      %ne3A_1143 = arith.cmpi ne, %rem3A_1141, %ne3A_1142 : i32
      %lt3A_1144 = arith.constant 0 : i32
      %lt3A_1145 = arith.cmpi slt, %rem3A_1141, %lt3A_1144 : i32
      %lt3A_1146 = arith.constant 0 : i32
      %lt3A_1147 = arith.cmpi slt, %select_n3A_1140, %lt3A_1146 : i32
      %ne3A_1148 = arith.xori %lt3A_1145, %lt3A_1147 : i1
      %and3A_1149 = arith.andi %ne3A_1148, %ne3A_1143 : i1
      %add3A_1150 = arith.addi %rem3A_1141, %select_n3A_1140 : i32
      %select_n3A_1151 = arith.select %and3A_1149, %add3A_1150, %rem3A_1141 : i32
      %mul3A_1152 = arith.constant 64 : i32
      %mul3A_1153 = arith.muli %select_n3A_1151, %mul3A_1152 : i32
      %dma_wait3A_1154 = tpu.memref_slice %arg6[%select_n3A_1135, %mul3A_1153] : memref<50x128xi32, #tpu.memory_space<vmem>> -> memref<1x64xi32, #tpu.memory_space<vmem>>
      %dma_wait3A_1155 = tpu.memref_squeeze %dma_wait3A_1154 : memref<1x64xi32, #tpu.memory_space<vmem>> -> memref<64xi32, #tpu.memory_space<vmem>>
      %dma_wait3A_1156 = arith.constant 0 : i32
      %dma_wait3A_1157 = arith.constant 0 : i32
      %dma_wait3A_1158 = tpu.memref_slice %arg5[%dma_wait3A_1156, %dma_wait3A_1157] : memref<1000x128xf32, #tpu.memory_space<vmem_shared>> -> memref<1000x128xf32, #tpu.memory_space<vmem_shared>>
      tpu.wait_indirect_dma semaphore(%arg25 : memref<!tpu.dma_semaphore, #tpu.memory_space<semaphore_mem>>) src(%dma_wait3A_1158 : memref<1000x128xf32, #tpu.memory_space<vmem_shared>>) dst(%arg15 : memref<64x128xf32, #tpu.memory_space<vmem>>)
      %add3A_1159 = arith.constant 8 : i32
      %add3A_1160 = arith.addi %add3A_318, %add3A_1159 : i32
      %jit3A_1161 = arith.constant 2 : i32
      %div3A_1162 = arith.divsi %add3A_1160, %jit3A_1161 : i32
      %sign3A_1163 = arith.constant 0 : i32
      %sign3A_1164 = arith.cmpi sgt, %add3A_1160, %sign3A_1163 : i32
      %sign3A_1165 = arith.extui %sign3A_1164 : i1 to i32
      %sign3A_1166 = arith.constant 0 : i32
      %sign3A_1167 = arith.cmpi slt, %add3A_1160, %sign3A_1166 : i32
      %sign3A_1168 = arith.extui %sign3A_1167 : i1 to i32
      %sign3A_1169 = arith.subi %sign3A_1165, %sign3A_1168 : i32
      %sign3A_1170 = arith.constant 0 : i32
      %sign3A_1171 = arith.cmpi sgt, %jit3A_1161, %sign3A_1170 : i32
      %sign3A_1172 = arith.extui %sign3A_1171 : i1 to i32
      %sign3A_1173 = arith.constant 0 : i32
      %sign3A_1174 = arith.cmpi slt, %jit3A_1161, %sign3A_1173 : i32
      %sign3A_1175 = arith.extui %sign3A_1174 : i1 to i32
      %sign3A_1176 = arith.subi %sign3A_1172, %sign3A_1175 : i32
      %ne3A_1177 = arith.cmpi ne, %sign3A_1169, %sign3A_1176 : i32
      %rem3A_1178 = arith.remsi %add3A_1160, %jit3A_1161 : i32
      %ne3A_1179 = arith.constant 0 : i32
      %ne3A_1180 = arith.cmpi ne, %rem3A_1178, %ne3A_1179 : i32
      %and3A_1181 = arith.andi %ne3A_1177, %ne3A_1180 : i1
      %sub3A_1182 = arith.constant 1 : i32
      %sub3A_1183 = arith.subi %div3A_1162, %sub3A_1182 : i32
      %select_n3A_1184 = arith.select %and3A_1181, %sub3A_1183, %div3A_1162 : i32
      %jit3A_1185 = arith.constant 2 : i32
      %eq3A_1186 = arith.constant 0 : i32
      %eq3A_1187 = arith.cmpi eq, %jit3A_1185, %eq3A_1186 : i32
      %jit3A_1188 = arith.constant 1 : i32
      %select_n3A_1189 = arith.select %eq3A_1187, %jit3A_1188, %jit3A_1185 : i32
      %rem3A_1190 = arith.remsi %add3A_1160, %select_n3A_1189 : i32
      %ne3A_1191 = arith.constant 0 : i32
      %ne3A_1192 = arith.cmpi ne, %rem3A_1190, %ne3A_1191 : i32
      %lt3A_1193 = arith.constant 0 : i32
      %lt3A_1194 = arith.cmpi slt, %rem3A_1190, %lt3A_1193 : i32
      %lt3A_1195 = arith.constant 0 : i32
      %lt3A_1196 = arith.cmpi slt, %select_n3A_1189, %lt3A_1195 : i32
      %ne3A_1197 = arith.xori %lt3A_1194, %lt3A_1196 : i1
      %and3A_1198 = arith.andi %ne3A_1197, %ne3A_1192 : i1
      %add3A_1199 = arith.addi %rem3A_1190, %select_n3A_1189 : i32
      %select_n3A_1200 = arith.select %and3A_1198, %add3A_1199, %rem3A_1190 : i32
      %mul3A_1201 = arith.constant 64 : i32
      %mul3A_1202 = arith.muli %select_n3A_1200, %mul3A_1201 : i32
      %add3A_1203 = arith.addi %mul3A_2, %mul3A_1202 : i32
      %dma_start3A_1204 = arith.constant 0 : i32
      %dma_start3A_1205 = tpu.memref_slice %arg4[%select_n3A_1184, %add3A_1203, %dma_start3A_1204] : memref<50x4096x128xf32, #tpu.memory_space<hbm>> -> memref<1x64x128xf32, #tpu.memory_space<hbm>>
      %dma_start3A_1206 = tpu.memref_squeeze %dma_start3A_1205 : memref<1x64x128xf32, #tpu.memory_space<hbm>> -> memref<64x128xf32, #tpu.memory_space<hbm>>
      %dma_start3A_1207 = arith.constant 0 : i32
      %dma_start3A_1208 = tpu.memref_slice %arg4[%select_n3A_1184, %add3A_1203, %dma_start3A_1207] : memref<50x4096x128xf32, #tpu.memory_space<hbm>> -> memref<1x64x128xf32, #tpu.memory_space<hbm>>
      %dma_start3A_1209 = tpu.memref_squeeze %dma_start3A_1208 : memref<1x64x128xf32, #tpu.memory_space<hbm>> -> memref<64x128xf32, #tpu.memory_space<hbm>>
      tpu.enqueue_dma source(%arg15 : memref<64x128xf32, #tpu.memory_space<vmem>>) target(%dma_start3A_1209 : memref<64x128xf32, #tpu.memory_space<hbm>>) target_semaphore(%arg35 : memref<!tpu.dma_semaphore, #tpu.memory_space<semaphore_mem>>)
      %add3A_1210 = arith.constant 9 : i32
      %add3A_1211 = arith.addi %add3A_318, %add3A_1210 : i32
      %jit3A_1212 = arith.constant 2 : i32
      %div3A_1213 = arith.divsi %add3A_1211, %jit3A_1212 : i32
      %sign3A_1214 = arith.constant 0 : i32
      %sign3A_1215 = arith.cmpi sgt, %add3A_1211, %sign3A_1214 : i32
      %sign3A_1216 = arith.extui %sign3A_1215 : i1 to i32
      %sign3A_1217 = arith.constant 0 : i32
      %sign3A_1218 = arith.cmpi slt, %add3A_1211, %sign3A_1217 : i32
      %sign3A_1219 = arith.extui %sign3A_1218 : i1 to i32
      %sign3A_1220 = arith.subi %sign3A_1216, %sign3A_1219 : i32
      %sign3A_1221 = arith.constant 0 : i32
      %sign3A_1222 = arith.cmpi sgt, %jit3A_1212, %sign3A_1221 : i32
      %sign3A_1223 = arith.extui %sign3A_1222 : i1 to i32
      %sign3A_1224 = arith.constant 0 : i32
      %sign3A_1225 = arith.cmpi slt, %jit3A_1212, %sign3A_1224 : i32
      %sign3A_1226 = arith.extui %sign3A_1225 : i1 to i32
      %sign3A_1227 = arith.subi %sign3A_1223, %sign3A_1226 : i32
      %ne3A_1228 = arith.cmpi ne, %sign3A_1220, %sign3A_1227 : i32
      %rem3A_1229 = arith.remsi %add3A_1211, %jit3A_1212 : i32
      %ne3A_1230 = arith.constant 0 : i32
      %ne3A_1231 = arith.cmpi ne, %rem3A_1229, %ne3A_1230 : i32
      %and3A_1232 = arith.andi %ne3A_1228, %ne3A_1231 : i1
      %sub3A_1233 = arith.constant 1 : i32
      %sub3A_1234 = arith.subi %div3A_1213, %sub3A_1233 : i32
      %select_n3A_1235 = arith.select %and3A_1232, %sub3A_1234, %div3A_1213 : i32
      %jit3A_1236 = arith.constant 2 : i32
      %eq3A_1237 = arith.constant 0 : i32
      %eq3A_1238 = arith.cmpi eq, %jit3A_1236, %eq3A_1237 : i32
      %jit3A_1239 = arith.constant 1 : i32
      %select_n3A_1240 = arith.select %eq3A_1238, %jit3A_1239, %jit3A_1236 : i32
      %rem3A_1241 = arith.remsi %add3A_1211, %select_n3A_1240 : i32
      %ne3A_1242 = arith.constant 0 : i32
      %ne3A_1243 = arith.cmpi ne, %rem3A_1241, %ne3A_1242 : i32
      %lt3A_1244 = arith.constant 0 : i32
      %lt3A_1245 = arith.cmpi slt, %rem3A_1241, %lt3A_1244 : i32
      %lt3A_1246 = arith.constant 0 : i32
      %lt3A_1247 = arith.cmpi slt, %select_n3A_1240, %lt3A_1246 : i32
      %ne3A_1248 = arith.xori %lt3A_1245, %lt3A_1247 : i1
      %and3A_1249 = arith.andi %ne3A_1248, %ne3A_1243 : i1
      %add3A_1250 = arith.addi %rem3A_1241, %select_n3A_1240 : i32
      %select_n3A_1251 = arith.select %and3A_1249, %add3A_1250, %rem3A_1241 : i32
      %mul3A_1252 = arith.constant 64 : i32
      %mul3A_1253 = arith.muli %select_n3A_1251, %mul3A_1252 : i32
      %dma_wait3A_1254 = tpu.memref_slice %arg6[%select_n3A_1235, %mul3A_1253] : memref<50x128xi32, #tpu.memory_space<vmem>> -> memref<1x64xi32, #tpu.memory_space<vmem>>
      %dma_wait3A_1255 = tpu.memref_squeeze %dma_wait3A_1254 : memref<1x64xi32, #tpu.memory_space<vmem>> -> memref<64xi32, #tpu.memory_space<vmem>>
      %dma_wait3A_1256 = arith.constant 0 : i32
      %dma_wait3A_1257 = arith.constant 0 : i32
      %dma_wait3A_1258 = tpu.memref_slice %arg5[%dma_wait3A_1256, %dma_wait3A_1257] : memref<1000x128xf32, #tpu.memory_space<vmem_shared>> -> memref<1000x128xf32, #tpu.memory_space<vmem_shared>>
      tpu.wait_indirect_dma semaphore(%arg26 : memref<!tpu.dma_semaphore, #tpu.memory_space<semaphore_mem>>) src(%dma_wait3A_1258 : memref<1000x128xf32, #tpu.memory_space<vmem_shared>>) dst(%arg16 : memref<64x128xf32, #tpu.memory_space<vmem>>)
      %add3A_1259 = arith.constant 9 : i32
      %add3A_1260 = arith.addi %add3A_318, %add3A_1259 : i32
      %jit3A_1261 = arith.constant 2 : i32
      %div3A_1262 = arith.divsi %add3A_1260, %jit3A_1261 : i32
      %sign3A_1263 = arith.constant 0 : i32
      %sign3A_1264 = arith.cmpi sgt, %add3A_1260, %sign3A_1263 : i32
      %sign3A_1265 = arith.extui %sign3A_1264 : i1 to i32
      %sign3A_1266 = arith.constant 0 : i32
      %sign3A_1267 = arith.cmpi slt, %add3A_1260, %sign3A_1266 : i32
      %sign3A_1268 = arith.extui %sign3A_1267 : i1 to i32
      %sign3A_1269 = arith.subi %sign3A_1265, %sign3A_1268 : i32
      %sign3A_1270 = arith.constant 0 : i32
      %sign3A_1271 = arith.cmpi sgt, %jit3A_1261, %sign3A_1270 : i32
      %sign3A_1272 = arith.extui %sign3A_1271 : i1 to i32
      %sign3A_1273 = arith.constant 0 : i32
      %sign3A_1274 = arith.cmpi slt, %jit3A_1261, %sign3A_1273 : i32
      %sign3A_1275 = arith.extui %sign3A_1274 : i1 to i32
      %sign3A_1276 = arith.subi %sign3A_1272, %sign3A_1275 : i32
      %ne3A_1277 = arith.cmpi ne, %sign3A_1269, %sign3A_1276 : i32
      %rem3A_1278 = arith.remsi %add3A_1260, %jit3A_1261 : i32
      %ne3A_1279 = arith.constant 0 : i32
      %ne3A_1280 = arith.cmpi ne, %rem3A_1278, %ne3A_1279 : i32
      %and3A_1281 = arith.andi %ne3A_1277, %ne3A_1280 : i1
      %sub3A_1282 = arith.constant 1 : i32
      %sub3A_1283 = arith.subi %div3A_1262, %sub3A_1282 : i32
      %select_n3A_1284 = arith.select %and3A_1281, %sub3A_1283, %div3A_1262 : i32
      %jit3A_1285 = arith.constant 2 : i32
      %eq3A_1286 = arith.constant 0 : i32
      %eq3A_1287 = arith.cmpi eq, %jit3A_1285, %eq3A_1286 : i32
      %jit3A_1288 = arith.constant 1 : i32
      %select_n3A_1289 = arith.select %eq3A_1287, %jit3A_1288, %jit3A_1285 : i32
      %rem3A_1290 = arith.remsi %add3A_1260, %select_n3A_1289 : i32
      %ne3A_1291 = arith.constant 0 : i32
      %ne3A_1292 = arith.cmpi ne, %rem3A_1290, %ne3A_1291 : i32
      %lt3A_1293 = arith.constant 0 : i32
      %lt3A_1294 = arith.cmpi slt, %rem3A_1290, %lt3A_1293 : i32
      %lt3A_1295 = arith.constant 0 : i32
      %lt3A_1296 = arith.cmpi slt, %select_n3A_1289, %lt3A_1295 : i32
      %ne3A_1297 = arith.xori %lt3A_1294, %lt3A_1296 : i1
      %and3A_1298 = arith.andi %ne3A_1297, %ne3A_1292 : i1
      %add3A_1299 = arith.addi %rem3A_1290, %select_n3A_1289 : i32
      %select_n3A_1300 = arith.select %and3A_1298, %add3A_1299, %rem3A_1290 : i32
      %mul3A_1301 = arith.constant 64 : i32
      %mul3A_1302 = arith.muli %select_n3A_1300, %mul3A_1301 : i32
      %add3A_1303 = arith.addi %mul3A_2, %mul3A_1302 : i32
      %dma_start3A_1304 = arith.constant 0 : i32
      %dma_start3A_1305 = tpu.memref_slice %arg4[%select_n3A_1284, %add3A_1303, %dma_start3A_1304] : memref<50x4096x128xf32, #tpu.memory_space<hbm>> -> memref<1x64x128xf32, #tpu.memory_space<hbm>>
      %dma_start3A_1306 = tpu.memref_squeeze %dma_start3A_1305 : memref<1x64x128xf32, #tpu.memory_space<hbm>> -> memref<64x128xf32, #tpu.memory_space<hbm>>
      %dma_start3A_1307 = arith.constant 0 : i32
      %dma_start3A_1308 = tpu.memref_slice %arg4[%select_n3A_1284, %add3A_1303, %dma_start3A_1307] : memref<50x4096x128xf32, #tpu.memory_space<hbm>> -> memref<1x64x128xf32, #tpu.memory_space<hbm>>
      %dma_start3A_1309 = tpu.memref_squeeze %dma_start3A_1308 : memref<1x64x128xf32, #tpu.memory_space<hbm>> -> memref<64x128xf32, #tpu.memory_space<hbm>>
      tpu.enqueue_dma source(%arg16 : memref<64x128xf32, #tpu.memory_space<vmem>>) target(%dma_start3A_1309 : memref<64x128xf32, #tpu.memory_space<hbm>>) target_semaphore(%arg36 : memref<!tpu.dma_semaphore, #tpu.memory_space<semaphore_mem>>)
      %add3A_1310 = arith.constant 10 : i32
      %add3A_1311 = arith.addi %add3A_318, %add3A_1310 : i32
      %add3A_1312 = arith.constant 0 : i32
      %add3A_1313 = arith.addi %add3A_1311, %add3A_1312 : i32
      %lt3A_1314 = arith.constant 100 : i32
      %lt3A_1315 = arith.cmpi slt, %add3A_1313, %lt3A_1314 : i32
      %convert_element_type3A_1316 = arith.extui %lt3A_1315 : i1 to i32
      %cond3A_1317 = arith.constant 0 : i32
      %cond3A_1318 = arith.cmpi ne, %convert_element_type3A_1316, %cond3A_1317 : i32
      scf.if %cond3A_1318 {
        %add3A_1400 = arith.constant 0 : i32
        %add3A_1401 = arith.addi %add3A_318, %add3A_1400 : i32
        %jit3A_1402 = arith.constant 2 : i32
        %div3A_1403 = arith.divsi %add3A_1401, %jit3A_1402 : i32
        %sign3A_1404 = arith.constant 0 : i32
        %sign3A_1405 = arith.cmpi sgt, %add3A_1401, %sign3A_1404 : i32
        %sign3A_1406 = arith.extui %sign3A_1405 : i1 to i32
        %sign3A_1407 = arith.constant 0 : i32
        %sign3A_1408 = arith.cmpi slt, %add3A_1401, %sign3A_1407 : i32
        %sign3A_1409 = arith.extui %sign3A_1408 : i1 to i32
        %sign3A_1410 = arith.subi %sign3A_1406, %sign3A_1409 : i32
        %sign3A_1411 = arith.constant 0 : i32
        %sign3A_1412 = arith.cmpi sgt, %jit3A_1402, %sign3A_1411 : i32
        %sign3A_1413 = arith.extui %sign3A_1412 : i1 to i32
        %sign3A_1414 = arith.constant 0 : i32
        %sign3A_1415 = arith.cmpi slt, %jit3A_1402, %sign3A_1414 : i32
        %sign3A_1416 = arith.extui %sign3A_1415 : i1 to i32
        %sign3A_1417 = arith.subi %sign3A_1413, %sign3A_1416 : i32
        %ne3A_1418 = arith.cmpi ne, %sign3A_1410, %sign3A_1417 : i32
        %rem3A_1419 = arith.remsi %add3A_1401, %jit3A_1402 : i32
        %ne3A_1420 = arith.constant 0 : i32
        %ne3A_1421 = arith.cmpi ne, %rem3A_1419, %ne3A_1420 : i32
        %and3A_1422 = arith.andi %ne3A_1418, %ne3A_1421 : i1
        %sub3A_1423 = arith.constant 1 : i32
        %sub3A_1424 = arith.subi %div3A_1403, %sub3A_1423 : i32
        %select_n3A_1425 = arith.select %and3A_1422, %sub3A_1424, %div3A_1403 : i32
        %jit3A_1426 = arith.constant 2 : i32
        %eq3A_1427 = arith.constant 0 : i32
        %eq3A_1428 = arith.cmpi eq, %jit3A_1426, %eq3A_1427 : i32
        %jit3A_1429 = arith.constant 1 : i32
        %select_n3A_1430 = arith.select %eq3A_1428, %jit3A_1429, %jit3A_1426 : i32
        %rem3A_1431 = arith.remsi %add3A_1401, %select_n3A_1430 : i32
        %ne3A_1432 = arith.constant 0 : i32
        %ne3A_1433 = arith.cmpi ne, %rem3A_1431, %ne3A_1432 : i32
        %lt3A_1434 = arith.constant 0 : i32
        %lt3A_1435 = arith.cmpi slt, %rem3A_1431, %lt3A_1434 : i32
        %lt3A_1436 = arith.constant 0 : i32
        %lt3A_1437 = arith.cmpi slt, %select_n3A_1430, %lt3A_1436 : i32
        %ne3A_1438 = arith.xori %lt3A_1435, %lt3A_1437 : i1
        %and3A_1439 = arith.andi %ne3A_1438, %ne3A_1433 : i1
        %add3A_1440 = arith.addi %rem3A_1431, %select_n3A_1430 : i32
        %select_n3A_1441 = arith.select %and3A_1439, %add3A_1440, %rem3A_1431 : i32
        %mul3A_1442 = arith.constant 64 : i32
        %mul3A_1443 = arith.muli %select_n3A_1441, %mul3A_1442 : i32
        %add3A_1444 = arith.addi %mul3A_2, %mul3A_1443 : i32
        %dma_wait3A_1445 = arith.constant 0 : i32
        %dma_wait3A_1446 = tpu.memref_slice %arg4[%select_n3A_1425, %add3A_1444, %dma_wait3A_1445] : memref<50x4096x128xf32, #tpu.memory_space<hbm>> -> memref<1x64x128xf32, #tpu.memory_space<hbm>>
        %dma_wait3A_1447 = tpu.memref_squeeze %dma_wait3A_1446 : memref<1x64x128xf32, #tpu.memory_space<hbm>> -> memref<64x128xf32, #tpu.memory_space<hbm>>
        %dma_wait3A_1448 = arith.constant 0 : i32
        %dma_wait3A_1449 = tpu.memref_slice %arg4[%select_n3A_1425, %add3A_1444, %dma_wait3A_1448] : memref<50x4096x128xf32, #tpu.memory_space<hbm>> -> memref<1x64x128xf32, #tpu.memory_space<hbm>>
        %dma_wait3A_1450 = tpu.memref_squeeze %dma_wait3A_1449 : memref<1x64x128xf32, #tpu.memory_space<hbm>> -> memref<64x128xf32, #tpu.memory_space<hbm>>
        tpu.wait_dma2 semaphore(%arg27 : memref<!tpu.dma_semaphore, #tpu.memory_space<semaphore_mem>>) src(%arg7 : memref<64x128xf32, #tpu.memory_space<vmem>>) dst(%dma_wait3A_1450 : memref<64x128xf32, #tpu.memory_space<hbm>>)
        %add3A_1451 = arith.constant 10 : i32
        %add3A_1452 = arith.addi %add3A_318, %add3A_1451 : i32
        %add3A_1453 = arith.constant 0 : i32
        %add3A_1454 = arith.addi %add3A_1452, %add3A_1453 : i32
        %jit3A_1455 = arith.constant 2 : i32
        %div3A_1456 = arith.divsi %add3A_1454, %jit3A_1455 : i32
        %sign3A_1457 = arith.constant 0 : i32
        %sign3A_1458 = arith.cmpi sgt, %add3A_1454, %sign3A_1457 : i32
        %sign3A_1459 = arith.extui %sign3A_1458 : i1 to i32
        %sign3A_1460 = arith.constant 0 : i32
        %sign3A_1461 = arith.cmpi slt, %add3A_1454, %sign3A_1460 : i32
        %sign3A_1462 = arith.extui %sign3A_1461 : i1 to i32
        %sign3A_1463 = arith.subi %sign3A_1459, %sign3A_1462 : i32
        %sign3A_1464 = arith.constant 0 : i32
        %sign3A_1465 = arith.cmpi sgt, %jit3A_1455, %sign3A_1464 : i32
        %sign3A_1466 = arith.extui %sign3A_1465 : i1 to i32
        %sign3A_1467 = arith.constant 0 : i32
        %sign3A_1468 = arith.cmpi slt, %jit3A_1455, %sign3A_1467 : i32
        %sign3A_1469 = arith.extui %sign3A_1468 : i1 to i32
        %sign3A_1470 = arith.subi %sign3A_1466, %sign3A_1469 : i32
        %ne3A_1471 = arith.cmpi ne, %sign3A_1463, %sign3A_1470 : i32
        %rem3A_1472 = arith.remsi %add3A_1454, %jit3A_1455 : i32
        %ne3A_1473 = arith.constant 0 : i32
        %ne3A_1474 = arith.cmpi ne, %rem3A_1472, %ne3A_1473 : i32
        %and3A_1475 = arith.andi %ne3A_1471, %ne3A_1474 : i1
        %sub3A_1476 = arith.constant 1 : i32
        %sub3A_1477 = arith.subi %div3A_1456, %sub3A_1476 : i32
        %select_n3A_1478 = arith.select %and3A_1475, %sub3A_1477, %div3A_1456 : i32
        %jit3A_1479 = arith.constant 2 : i32
        %eq3A_1480 = arith.constant 0 : i32
        %eq3A_1481 = arith.cmpi eq, %jit3A_1479, %eq3A_1480 : i32
        %jit3A_1482 = arith.constant 1 : i32
        %select_n3A_1483 = arith.select %eq3A_1481, %jit3A_1482, %jit3A_1479 : i32
        %rem3A_1484 = arith.remsi %add3A_1454, %select_n3A_1483 : i32
        %ne3A_1485 = arith.constant 0 : i32
        %ne3A_1486 = arith.cmpi ne, %rem3A_1484, %ne3A_1485 : i32
        %lt3A_1487 = arith.constant 0 : i32
        %lt3A_1488 = arith.cmpi slt, %rem3A_1484, %lt3A_1487 : i32
        %lt3A_1489 = arith.constant 0 : i32
        %lt3A_1490 = arith.cmpi slt, %select_n3A_1483, %lt3A_1489 : i32
        %ne3A_1491 = arith.xori %lt3A_1488, %lt3A_1490 : i1
        %and3A_1492 = arith.andi %ne3A_1491, %ne3A_1486 : i1
        %add3A_1493 = arith.addi %rem3A_1484, %select_n3A_1483 : i32
        %select_n3A_1494 = arith.select %and3A_1492, %add3A_1493, %rem3A_1484 : i32
        %mul3A_1495 = arith.constant 64 : i32
        %mul3A_1496 = arith.muli %select_n3A_1494, %mul3A_1495 : i32
        %dma_start3A_1497 = tpu.memref_slice %arg6[%select_n3A_1478, %mul3A_1496] : memref<50x128xi32, #tpu.memory_space<vmem>> -> memref<1x64xi32, #tpu.memory_space<vmem>>
        %dma_start3A_1498 = tpu.memref_squeeze %dma_start3A_1497 : memref<1x64xi32, #tpu.memory_space<vmem>> -> memref<64xi32, #tpu.memory_space<vmem>>
        %dma_start3A_1499 = arith.constant 0 : i32
        %dma_start3A_1500 = arith.constant 0 : i32
        %dma_start3A_1501 = tpu.memref_slice %arg5[%dma_start3A_1499, %dma_start3A_1500] : memref<1000x128xf32, #tpu.memory_space<vmem_shared>> -> memref<1000x128xf32, #tpu.memory_space<vmem_shared>>
        tpu.enqueue_indirect_dma source(%dma_start3A_1501 : memref<1000x128xf32, #tpu.memory_space<vmem_shared>>) target(%arg7 : memref<64x128xf32, #tpu.memory_space<vmem>>) offsets(%dma_start3A_1498 : memref<64xi32, #tpu.memory_space<vmem>>) semaphore(%arg17 : memref<!tpu.dma_semaphore, #tpu.memory_space<semaphore_mem>>)
      } else {
      }
      %add3A_1319 = arith.constant 10 : i32
      %add3A_1320 = arith.addi %add3A_318, %add3A_1319 : i32
      %add3A_1321 = arith.constant 1 : i32
      %add3A_1322 = arith.addi %add3A_1320, %add3A_1321 : i32
      %lt3A_1323 = arith.constant 100 : i32
      %lt3A_1324 = arith.cmpi slt, %add3A_1322, %lt3A_1323 : i32
      %convert_element_type3A_1325 = arith.extui %lt3A_1324 : i1 to i32
      %cond3A_1326 = arith.constant 0 : i32
      %cond3A_1327 = arith.cmpi ne, %convert_element_type3A_1325, %cond3A_1326 : i32
      scf.if %cond3A_1327 {
        %add3A_1400 = arith.constant 1 : i32
        %add3A_1401 = arith.addi %add3A_318, %add3A_1400 : i32
        %jit3A_1402 = arith.constant 2 : i32
        %div3A_1403 = arith.divsi %add3A_1401, %jit3A_1402 : i32
        %sign3A_1404 = arith.constant 0 : i32
        %sign3A_1405 = arith.cmpi sgt, %add3A_1401, %sign3A_1404 : i32
        %sign3A_1406 = arith.extui %sign3A_1405 : i1 to i32
        %sign3A_1407 = arith.constant 0 : i32
        %sign3A_1408 = arith.cmpi slt, %add3A_1401, %sign3A_1407 : i32
        %sign3A_1409 = arith.extui %sign3A_1408 : i1 to i32
        %sign3A_1410 = arith.subi %sign3A_1406, %sign3A_1409 : i32
        %sign3A_1411 = arith.constant 0 : i32
        %sign3A_1412 = arith.cmpi sgt, %jit3A_1402, %sign3A_1411 : i32
        %sign3A_1413 = arith.extui %sign3A_1412 : i1 to i32
        %sign3A_1414 = arith.constant 0 : i32
        %sign3A_1415 = arith.cmpi slt, %jit3A_1402, %sign3A_1414 : i32
        %sign3A_1416 = arith.extui %sign3A_1415 : i1 to i32
        %sign3A_1417 = arith.subi %sign3A_1413, %sign3A_1416 : i32
        %ne3A_1418 = arith.cmpi ne, %sign3A_1410, %sign3A_1417 : i32
        %rem3A_1419 = arith.remsi %add3A_1401, %jit3A_1402 : i32
        %ne3A_1420 = arith.constant 0 : i32
        %ne3A_1421 = arith.cmpi ne, %rem3A_1419, %ne3A_1420 : i32
        %and3A_1422 = arith.andi %ne3A_1418, %ne3A_1421 : i1
        %sub3A_1423 = arith.constant 1 : i32
        %sub3A_1424 = arith.subi %div3A_1403, %sub3A_1423 : i32
        %select_n3A_1425 = arith.select %and3A_1422, %sub3A_1424, %div3A_1403 : i32
        %jit3A_1426 = arith.constant 2 : i32
        %eq3A_1427 = arith.constant 0 : i32
        %eq3A_1428 = arith.cmpi eq, %jit3A_1426, %eq3A_1427 : i32
        %jit3A_1429 = arith.constant 1 : i32
        %select_n3A_1430 = arith.select %eq3A_1428, %jit3A_1429, %jit3A_1426 : i32
        %rem3A_1431 = arith.remsi %add3A_1401, %select_n3A_1430 : i32
        %ne3A_1432 = arith.constant 0 : i32
        %ne3A_1433 = arith.cmpi ne, %rem3A_1431, %ne3A_1432 : i32
        %lt3A_1434 = arith.constant 0 : i32
        %lt3A_1435 = arith.cmpi slt, %rem3A_1431, %lt3A_1434 : i32
        %lt3A_1436 = arith.constant 0 : i32
        %lt3A_1437 = arith.cmpi slt, %select_n3A_1430, %lt3A_1436 : i32
        %ne3A_1438 = arith.xori %lt3A_1435, %lt3A_1437 : i1
        %and3A_1439 = arith.andi %ne3A_1438, %ne3A_1433 : i1
        %add3A_1440 = arith.addi %rem3A_1431, %select_n3A_1430 : i32
        %select_n3A_1441 = arith.select %and3A_1439, %add3A_1440, %rem3A_1431 : i32
        %mul3A_1442 = arith.constant 64 : i32
        %mul3A_1443 = arith.muli %select_n3A_1441, %mul3A_1442 : i32
        %add3A_1444 = arith.addi %mul3A_2, %mul3A_1443 : i32
        %dma_wait3A_1445 = arith.constant 0 : i32
        %dma_wait3A_1446 = tpu.memref_slice %arg4[%select_n3A_1425, %add3A_1444, %dma_wait3A_1445] : memref<50x4096x128xf32, #tpu.memory_space<hbm>> -> memref<1x64x128xf32, #tpu.memory_space<hbm>>
        %dma_wait3A_1447 = tpu.memref_squeeze %dma_wait3A_1446 : memref<1x64x128xf32, #tpu.memory_space<hbm>> -> memref<64x128xf32, #tpu.memory_space<hbm>>
        %dma_wait3A_1448 = arith.constant 0 : i32
        %dma_wait3A_1449 = tpu.memref_slice %arg4[%select_n3A_1425, %add3A_1444, %dma_wait3A_1448] : memref<50x4096x128xf32, #tpu.memory_space<hbm>> -> memref<1x64x128xf32, #tpu.memory_space<hbm>>
        %dma_wait3A_1450 = tpu.memref_squeeze %dma_wait3A_1449 : memref<1x64x128xf32, #tpu.memory_space<hbm>> -> memref<64x128xf32, #tpu.memory_space<hbm>>
        tpu.wait_dma2 semaphore(%arg28 : memref<!tpu.dma_semaphore, #tpu.memory_space<semaphore_mem>>) src(%arg8 : memref<64x128xf32, #tpu.memory_space<vmem>>) dst(%dma_wait3A_1450 : memref<64x128xf32, #tpu.memory_space<hbm>>)
        %add3A_1451 = arith.constant 10 : i32
        %add3A_1452 = arith.addi %add3A_318, %add3A_1451 : i32
        %add3A_1453 = arith.constant 1 : i32
        %add3A_1454 = arith.addi %add3A_1452, %add3A_1453 : i32
        %jit3A_1455 = arith.constant 2 : i32
        %div3A_1456 = arith.divsi %add3A_1454, %jit3A_1455 : i32
        %sign3A_1457 = arith.constant 0 : i32
        %sign3A_1458 = arith.cmpi sgt, %add3A_1454, %sign3A_1457 : i32
        %sign3A_1459 = arith.extui %sign3A_1458 : i1 to i32
        %sign3A_1460 = arith.constant 0 : i32
        %sign3A_1461 = arith.cmpi slt, %add3A_1454, %sign3A_1460 : i32
        %sign3A_1462 = arith.extui %sign3A_1461 : i1 to i32
        %sign3A_1463 = arith.subi %sign3A_1459, %sign3A_1462 : i32
        %sign3A_1464 = arith.constant 0 : i32
        %sign3A_1465 = arith.cmpi sgt, %jit3A_1455, %sign3A_1464 : i32
        %sign3A_1466 = arith.extui %sign3A_1465 : i1 to i32
        %sign3A_1467 = arith.constant 0 : i32
        %sign3A_1468 = arith.cmpi slt, %jit3A_1455, %sign3A_1467 : i32
        %sign3A_1469 = arith.extui %sign3A_1468 : i1 to i32
        %sign3A_1470 = arith.subi %sign3A_1466, %sign3A_1469 : i32
        %ne3A_1471 = arith.cmpi ne, %sign3A_1463, %sign3A_1470 : i32
        %rem3A_1472 = arith.remsi %add3A_1454, %jit3A_1455 : i32
        %ne3A_1473 = arith.constant 0 : i32
        %ne3A_1474 = arith.cmpi ne, %rem3A_1472, %ne3A_1473 : i32
        %and3A_1475 = arith.andi %ne3A_1471, %ne3A_1474 : i1
        %sub3A_1476 = arith.constant 1 : i32
        %sub3A_1477 = arith.subi %div3A_1456, %sub3A_1476 : i32
        %select_n3A_1478 = arith.select %and3A_1475, %sub3A_1477, %div3A_1456 : i32
        %jit3A_1479 = arith.constant 2 : i32
        %eq3A_1480 = arith.constant 0 : i32
        %eq3A_1481 = arith.cmpi eq, %jit3A_1479, %eq3A_1480 : i32
        %jit3A_1482 = arith.constant 1 : i32
        %select_n3A_1483 = arith.select %eq3A_1481, %jit3A_1482, %jit3A_1479 : i32
        %rem3A_1484 = arith.remsi %add3A_1454, %select_n3A_1483 : i32
        %ne3A_1485 = arith.constant 0 : i32
        %ne3A_1486 = arith.cmpi ne, %rem3A_1484, %ne3A_1485 : i32
        %lt3A_1487 = arith.constant 0 : i32
        %lt3A_1488 = arith.cmpi slt, %rem3A_1484, %lt3A_1487 : i32
        %lt3A_1489 = arith.constant 0 : i32
        %lt3A_1490 = arith.cmpi slt, %select_n3A_1483, %lt3A_1489 : i32
        %ne3A_1491 = arith.xori %lt3A_1488, %lt3A_1490 : i1
        %and3A_1492 = arith.andi %ne3A_1491, %ne3A_1486 : i1
        %add3A_1493 = arith.addi %rem3A_1484, %select_n3A_1483 : i32
        %select_n3A_1494 = arith.select %and3A_1492, %add3A_1493, %rem3A_1484 : i32
        %mul3A_1495 = arith.constant 64 : i32
        %mul3A_1496 = arith.muli %select_n3A_1494, %mul3A_1495 : i32
        %dma_start3A_1497 = tpu.memref_slice %arg6[%select_n3A_1478, %mul3A_1496] : memref<50x128xi32, #tpu.memory_space<vmem>> -> memref<1x64xi32, #tpu.memory_space<vmem>>
        %dma_start3A_1498 = tpu.memref_squeeze %dma_start3A_1497 : memref<1x64xi32, #tpu.memory_space<vmem>> -> memref<64xi32, #tpu.memory_space<vmem>>
        %dma_start3A_1499 = arith.constant 0 : i32
        %dma_start3A_1500 = arith.constant 0 : i32
        %dma_start3A_1501 = tpu.memref_slice %arg5[%dma_start3A_1499, %dma_start3A_1500] : memref<1000x128xf32, #tpu.memory_space<vmem_shared>> -> memref<1000x128xf32, #tpu.memory_space<vmem_shared>>
        tpu.enqueue_indirect_dma source(%dma_start3A_1501 : memref<1000x128xf32, #tpu.memory_space<vmem_shared>>) target(%arg8 : memref<64x128xf32, #tpu.memory_space<vmem>>) offsets(%dma_start3A_1498 : memref<64xi32, #tpu.memory_space<vmem>>) semaphore(%arg18 : memref<!tpu.dma_semaphore, #tpu.memory_space<semaphore_mem>>)
      } else {
      }
      %add3A_1328 = arith.constant 10 : i32
      %add3A_1329 = arith.addi %add3A_318, %add3A_1328 : i32
      %add3A_1330 = arith.constant 2 : i32
      %add3A_1331 = arith.addi %add3A_1329, %add3A_1330 : i32
      %lt3A_1332 = arith.constant 100 : i32
      %lt3A_1333 = arith.cmpi slt, %add3A_1331, %lt3A_1332 : i32
      %convert_element_type3A_1334 = arith.extui %lt3A_1333 : i1 to i32
      %cond3A_1335 = arith.constant 0 : i32
      %cond3A_1336 = arith.cmpi ne, %convert_element_type3A_1334, %cond3A_1335 : i32
      scf.if %cond3A_1336 {
        %add3A_1400 = arith.constant 2 : i32
        %add3A_1401 = arith.addi %add3A_318, %add3A_1400 : i32
        %jit3A_1402 = arith.constant 2 : i32
        %div3A_1403 = arith.divsi %add3A_1401, %jit3A_1402 : i32
        %sign3A_1404 = arith.constant 0 : i32
        %sign3A_1405 = arith.cmpi sgt, %add3A_1401, %sign3A_1404 : i32
        %sign3A_1406 = arith.extui %sign3A_1405 : i1 to i32
        %sign3A_1407 = arith.constant 0 : i32
        %sign3A_1408 = arith.cmpi slt, %add3A_1401, %sign3A_1407 : i32
        %sign3A_1409 = arith.extui %sign3A_1408 : i1 to i32
        %sign3A_1410 = arith.subi %sign3A_1406, %sign3A_1409 : i32
        %sign3A_1411 = arith.constant 0 : i32
        %sign3A_1412 = arith.cmpi sgt, %jit3A_1402, %sign3A_1411 : i32
        %sign3A_1413 = arith.extui %sign3A_1412 : i1 to i32
        %sign3A_1414 = arith.constant 0 : i32
        %sign3A_1415 = arith.cmpi slt, %jit3A_1402, %sign3A_1414 : i32
        %sign3A_1416 = arith.extui %sign3A_1415 : i1 to i32
        %sign3A_1417 = arith.subi %sign3A_1413, %sign3A_1416 : i32
        %ne3A_1418 = arith.cmpi ne, %sign3A_1410, %sign3A_1417 : i32
        %rem3A_1419 = arith.remsi %add3A_1401, %jit3A_1402 : i32
        %ne3A_1420 = arith.constant 0 : i32
        %ne3A_1421 = arith.cmpi ne, %rem3A_1419, %ne3A_1420 : i32
        %and3A_1422 = arith.andi %ne3A_1418, %ne3A_1421 : i1
        %sub3A_1423 = arith.constant 1 : i32
        %sub3A_1424 = arith.subi %div3A_1403, %sub3A_1423 : i32
        %select_n3A_1425 = arith.select %and3A_1422, %sub3A_1424, %div3A_1403 : i32
        %jit3A_1426 = arith.constant 2 : i32
        %eq3A_1427 = arith.constant 0 : i32
        %eq3A_1428 = arith.cmpi eq, %jit3A_1426, %eq3A_1427 : i32
        %jit3A_1429 = arith.constant 1 : i32
        %select_n3A_1430 = arith.select %eq3A_1428, %jit3A_1429, %jit3A_1426 : i32
        %rem3A_1431 = arith.remsi %add3A_1401, %select_n3A_1430 : i32
        %ne3A_1432 = arith.constant 0 : i32
        %ne3A_1433 = arith.cmpi ne, %rem3A_1431, %ne3A_1432 : i32
        %lt3A_1434 = arith.constant 0 : i32
        %lt3A_1435 = arith.cmpi slt, %rem3A_1431, %lt3A_1434 : i32
        %lt3A_1436 = arith.constant 0 : i32
        %lt3A_1437 = arith.cmpi slt, %select_n3A_1430, %lt3A_1436 : i32
        %ne3A_1438 = arith.xori %lt3A_1435, %lt3A_1437 : i1
        %and3A_1439 = arith.andi %ne3A_1438, %ne3A_1433 : i1
        %add3A_1440 = arith.addi %rem3A_1431, %select_n3A_1430 : i32
        %select_n3A_1441 = arith.select %and3A_1439, %add3A_1440, %rem3A_1431 : i32
        %mul3A_1442 = arith.constant 64 : i32
        %mul3A_1443 = arith.muli %select_n3A_1441, %mul3A_1442 : i32
        %add3A_1444 = arith.addi %mul3A_2, %mul3A_1443 : i32
        %dma_wait3A_1445 = arith.constant 0 : i32
        %dma_wait3A_1446 = tpu.memref_slice %arg4[%select_n3A_1425, %add3A_1444, %dma_wait3A_1445] : memref<50x4096x128xf32, #tpu.memory_space<hbm>> -> memref<1x64x128xf32, #tpu.memory_space<hbm>>
        %dma_wait3A_1447 = tpu.memref_squeeze %dma_wait3A_1446 : memref<1x64x128xf32, #tpu.memory_space<hbm>> -> memref<64x128xf32, #tpu.memory_space<hbm>>
        %dma_wait3A_1448 = arith.constant 0 : i32
        %dma_wait3A_1449 = tpu.memref_slice %arg4[%select_n3A_1425, %add3A_1444, %dma_wait3A_1448] : memref<50x4096x128xf32, #tpu.memory_space<hbm>> -> memref<1x64x128xf32, #tpu.memory_space<hbm>>
        %dma_wait3A_1450 = tpu.memref_squeeze %dma_wait3A_1449 : memref<1x64x128xf32, #tpu.memory_space<hbm>> -> memref<64x128xf32, #tpu.memory_space<hbm>>
        tpu.wait_dma2 semaphore(%arg29 : memref<!tpu.dma_semaphore, #tpu.memory_space<semaphore_mem>>) src(%arg9 : memref<64x128xf32, #tpu.memory_space<vmem>>) dst(%dma_wait3A_1450 : memref<64x128xf32, #tpu.memory_space<hbm>>)
        %add3A_1451 = arith.constant 10 : i32
        %add3A_1452 = arith.addi %add3A_318, %add3A_1451 : i32
        %add3A_1453 = arith.constant 2 : i32
        %add3A_1454 = arith.addi %add3A_1452, %add3A_1453 : i32
        %jit3A_1455 = arith.constant 2 : i32
        %div3A_1456 = arith.divsi %add3A_1454, %jit3A_1455 : i32
        %sign3A_1457 = arith.constant 0 : i32
        %sign3A_1458 = arith.cmpi sgt, %add3A_1454, %sign3A_1457 : i32
        %sign3A_1459 = arith.extui %sign3A_1458 : i1 to i32
        %sign3A_1460 = arith.constant 0 : i32
        %sign3A_1461 = arith.cmpi slt, %add3A_1454, %sign3A_1460 : i32
        %sign3A_1462 = arith.extui %sign3A_1461 : i1 to i32
        %sign3A_1463 = arith.subi %sign3A_1459, %sign3A_1462 : i32
        %sign3A_1464 = arith.constant 0 : i32
        %sign3A_1465 = arith.cmpi sgt, %jit3A_1455, %sign3A_1464 : i32
        %sign3A_1466 = arith.extui %sign3A_1465 : i1 to i32
        %sign3A_1467 = arith.constant 0 : i32
        %sign3A_1468 = arith.cmpi slt, %jit3A_1455, %sign3A_1467 : i32
        %sign3A_1469 = arith.extui %sign3A_1468 : i1 to i32
        %sign3A_1470 = arith.subi %sign3A_1466, %sign3A_1469 : i32
        %ne3A_1471 = arith.cmpi ne, %sign3A_1463, %sign3A_1470 : i32
        %rem3A_1472 = arith.remsi %add3A_1454, %jit3A_1455 : i32
        %ne3A_1473 = arith.constant 0 : i32
        %ne3A_1474 = arith.cmpi ne, %rem3A_1472, %ne3A_1473 : i32
        %and3A_1475 = arith.andi %ne3A_1471, %ne3A_1474 : i1
        %sub3A_1476 = arith.constant 1 : i32
        %sub3A_1477 = arith.subi %div3A_1456, %sub3A_1476 : i32
        %select_n3A_1478 = arith.select %and3A_1475, %sub3A_1477, %div3A_1456 : i32
        %jit3A_1479 = arith.constant 2 : i32
        %eq3A_1480 = arith.constant 0 : i32
        %eq3A_1481 = arith.cmpi eq, %jit3A_1479, %eq3A_1480 : i32
        %jit3A_1482 = arith.constant 1 : i32
        %select_n3A_1483 = arith.select %eq3A_1481, %jit3A_1482, %jit3A_1479 : i32
        %rem3A_1484 = arith.remsi %add3A_1454, %select_n3A_1483 : i32
        %ne3A_1485 = arith.constant 0 : i32
        %ne3A_1486 = arith.cmpi ne, %rem3A_1484, %ne3A_1485 : i32
        %lt3A_1487 = arith.constant 0 : i32
        %lt3A_1488 = arith.cmpi slt, %rem3A_1484, %lt3A_1487 : i32
        %lt3A_1489 = arith.constant 0 : i32
        %lt3A_1490 = arith.cmpi slt, %select_n3A_1483, %lt3A_1489 : i32
        %ne3A_1491 = arith.xori %lt3A_1488, %lt3A_1490 : i1
        %and3A_1492 = arith.andi %ne3A_1491, %ne3A_1486 : i1
        %add3A_1493 = arith.addi %rem3A_1484, %select_n3A_1483 : i32
        %select_n3A_1494 = arith.select %and3A_1492, %add3A_1493, %rem3A_1484 : i32
        %mul3A_1495 = arith.constant 64 : i32
        %mul3A_1496 = arith.muli %select_n3A_1494, %mul3A_1495 : i32
        %dma_start3A_1497 = tpu.memref_slice %arg6[%select_n3A_1478, %mul3A_1496] : memref<50x128xi32, #tpu.memory_space<vmem>> -> memref<1x64xi32, #tpu.memory_space<vmem>>
        %dma_start3A_1498 = tpu.memref_squeeze %dma_start3A_1497 : memref<1x64xi32, #tpu.memory_space<vmem>> -> memref<64xi32, #tpu.memory_space<vmem>>
        %dma_start3A_1499 = arith.constant 0 : i32
        %dma_start3A_1500 = arith.constant 0 : i32
        %dma_start3A_1501 = tpu.memref_slice %arg5[%dma_start3A_1499, %dma_start3A_1500] : memref<1000x128xf32, #tpu.memory_space<vmem_shared>> -> memref<1000x128xf32, #tpu.memory_space<vmem_shared>>
        tpu.enqueue_indirect_dma source(%dma_start3A_1501 : memref<1000x128xf32, #tpu.memory_space<vmem_shared>>) target(%arg9 : memref<64x128xf32, #tpu.memory_space<vmem>>) offsets(%dma_start3A_1498 : memref<64xi32, #tpu.memory_space<vmem>>) semaphore(%arg19 : memref<!tpu.dma_semaphore, #tpu.memory_space<semaphore_mem>>)
      } else {
      }
      %add3A_1337 = arith.constant 10 : i32
      %add3A_1338 = arith.addi %add3A_318, %add3A_1337 : i32
      %add3A_1339 = arith.constant 3 : i32
      %add3A_1340 = arith.addi %add3A_1338, %add3A_1339 : i32
      %lt3A_1341 = arith.constant 100 : i32
      %lt3A_1342 = arith.cmpi slt, %add3A_1340, %lt3A_1341 : i32
      %convert_element_type3A_1343 = arith.extui %lt3A_1342 : i1 to i32
      %cond3A_1344 = arith.constant 0 : i32
      %cond3A_1345 = arith.cmpi ne, %convert_element_type3A_1343, %cond3A_1344 : i32
      scf.if %cond3A_1345 {
        %add3A_1400 = arith.constant 3 : i32
        %add3A_1401 = arith.addi %add3A_318, %add3A_1400 : i32
        %jit3A_1402 = arith.constant 2 : i32
        %div3A_1403 = arith.divsi %add3A_1401, %jit3A_1402 : i32
        %sign3A_1404 = arith.constant 0 : i32
        %sign3A_1405 = arith.cmpi sgt, %add3A_1401, %sign3A_1404 : i32
        %sign3A_1406 = arith.extui %sign3A_1405 : i1 to i32
        %sign3A_1407 = arith.constant 0 : i32
        %sign3A_1408 = arith.cmpi slt, %add3A_1401, %sign3A_1407 : i32
        %sign3A_1409 = arith.extui %sign3A_1408 : i1 to i32
        %sign3A_1410 = arith.subi %sign3A_1406, %sign3A_1409 : i32
        %sign3A_1411 = arith.constant 0 : i32
        %sign3A_1412 = arith.cmpi sgt, %jit3A_1402, %sign3A_1411 : i32
        %sign3A_1413 = arith.extui %sign3A_1412 : i1 to i32
        %sign3A_1414 = arith.constant 0 : i32
        %sign3A_1415 = arith.cmpi slt, %jit3A_1402, %sign3A_1414 : i32
        %sign3A_1416 = arith.extui %sign3A_1415 : i1 to i32
        %sign3A_1417 = arith.subi %sign3A_1413, %sign3A_1416 : i32
        %ne3A_1418 = arith.cmpi ne, %sign3A_1410, %sign3A_1417 : i32
        %rem3A_1419 = arith.remsi %add3A_1401, %jit3A_1402 : i32
        %ne3A_1420 = arith.constant 0 : i32
        %ne3A_1421 = arith.cmpi ne, %rem3A_1419, %ne3A_1420 : i32
        %and3A_1422 = arith.andi %ne3A_1418, %ne3A_1421 : i1
        %sub3A_1423 = arith.constant 1 : i32
        %sub3A_1424 = arith.subi %div3A_1403, %sub3A_1423 : i32
        %select_n3A_1425 = arith.select %and3A_1422, %sub3A_1424, %div3A_1403 : i32
        %jit3A_1426 = arith.constant 2 : i32
        %eq3A_1427 = arith.constant 0 : i32
        %eq3A_1428 = arith.cmpi eq, %jit3A_1426, %eq3A_1427 : i32
        %jit3A_1429 = arith.constant 1 : i32
        %select_n3A_1430 = arith.select %eq3A_1428, %jit3A_1429, %jit3A_1426 : i32
        %rem3A_1431 = arith.remsi %add3A_1401, %select_n3A_1430 : i32
        %ne3A_1432 = arith.constant 0 : i32
        %ne3A_1433 = arith.cmpi ne, %rem3A_1431, %ne3A_1432 : i32
        %lt3A_1434 = arith.constant 0 : i32
        %lt3A_1435 = arith.cmpi slt, %rem3A_1431, %lt3A_1434 : i32
        %lt3A_1436 = arith.constant 0 : i32
        %lt3A_1437 = arith.cmpi slt, %select_n3A_1430, %lt3A_1436 : i32
        %ne3A_1438 = arith.xori %lt3A_1435, %lt3A_1437 : i1
        %and3A_1439 = arith.andi %ne3A_1438, %ne3A_1433 : i1
        %add3A_1440 = arith.addi %rem3A_1431, %select_n3A_1430 : i32
        %select_n3A_1441 = arith.select %and3A_1439, %add3A_1440, %rem3A_1431 : i32
        %mul3A_1442 = arith.constant 64 : i32
        %mul3A_1443 = arith.muli %select_n3A_1441, %mul3A_1442 : i32
        %add3A_1444 = arith.addi %mul3A_2, %mul3A_1443 : i32
        %dma_wait3A_1445 = arith.constant 0 : i32
        %dma_wait3A_1446 = tpu.memref_slice %arg4[%select_n3A_1425, %add3A_1444, %dma_wait3A_1445] : memref<50x4096x128xf32, #tpu.memory_space<hbm>> -> memref<1x64x128xf32, #tpu.memory_space<hbm>>
        %dma_wait3A_1447 = tpu.memref_squeeze %dma_wait3A_1446 : memref<1x64x128xf32, #tpu.memory_space<hbm>> -> memref<64x128xf32, #tpu.memory_space<hbm>>
        %dma_wait3A_1448 = arith.constant 0 : i32
        %dma_wait3A_1449 = tpu.memref_slice %arg4[%select_n3A_1425, %add3A_1444, %dma_wait3A_1448] : memref<50x4096x128xf32, #tpu.memory_space<hbm>> -> memref<1x64x128xf32, #tpu.memory_space<hbm>>
        %dma_wait3A_1450 = tpu.memref_squeeze %dma_wait3A_1449 : memref<1x64x128xf32, #tpu.memory_space<hbm>> -> memref<64x128xf32, #tpu.memory_space<hbm>>
        tpu.wait_dma2 semaphore(%arg30 : memref<!tpu.dma_semaphore, #tpu.memory_space<semaphore_mem>>) src(%arg10 : memref<64x128xf32, #tpu.memory_space<vmem>>) dst(%dma_wait3A_1450 : memref<64x128xf32, #tpu.memory_space<hbm>>)
        %add3A_1451 = arith.constant 10 : i32
        %add3A_1452 = arith.addi %add3A_318, %add3A_1451 : i32
        %add3A_1453 = arith.constant 3 : i32
        %add3A_1454 = arith.addi %add3A_1452, %add3A_1453 : i32
        %jit3A_1455 = arith.constant 2 : i32
        %div3A_1456 = arith.divsi %add3A_1454, %jit3A_1455 : i32
        %sign3A_1457 = arith.constant 0 : i32
        %sign3A_1458 = arith.cmpi sgt, %add3A_1454, %sign3A_1457 : i32
        %sign3A_1459 = arith.extui %sign3A_1458 : i1 to i32
        %sign3A_1460 = arith.constant 0 : i32
        %sign3A_1461 = arith.cmpi slt, %add3A_1454, %sign3A_1460 : i32
        %sign3A_1462 = arith.extui %sign3A_1461 : i1 to i32
        %sign3A_1463 = arith.subi %sign3A_1459, %sign3A_1462 : i32
        %sign3A_1464 = arith.constant 0 : i32
        %sign3A_1465 = arith.cmpi sgt, %jit3A_1455, %sign3A_1464 : i32
        %sign3A_1466 = arith.extui %sign3A_1465 : i1 to i32
        %sign3A_1467 = arith.constant 0 : i32
        %sign3A_1468 = arith.cmpi slt, %jit3A_1455, %sign3A_1467 : i32
        %sign3A_1469 = arith.extui %sign3A_1468 : i1 to i32
        %sign3A_1470 = arith.subi %sign3A_1466, %sign3A_1469 : i32
        %ne3A_1471 = arith.cmpi ne, %sign3A_1463, %sign3A_1470 : i32
        %rem3A_1472 = arith.remsi %add3A_1454, %jit3A_1455 : i32
        %ne3A_1473 = arith.constant 0 : i32
        %ne3A_1474 = arith.cmpi ne, %rem3A_1472, %ne3A_1473 : i32
        %and3A_1475 = arith.andi %ne3A_1471, %ne3A_1474 : i1
        %sub3A_1476 = arith.constant 1 : i32
        %sub3A_1477 = arith.subi %div3A_1456, %sub3A_1476 : i32
        %select_n3A_1478 = arith.select %and3A_1475, %sub3A_1477, %div3A_1456 : i32
        %jit3A_1479 = arith.constant 2 : i32
        %eq3A_1480 = arith.constant 0 : i32
        %eq3A_1481 = arith.cmpi eq, %jit3A_1479, %eq3A_1480 : i32
        %jit3A_1482 = arith.constant 1 : i32
        %select_n3A_1483 = arith.select %eq3A_1481, %jit3A_1482, %jit3A_1479 : i32
        %rem3A_1484 = arith.remsi %add3A_1454, %select_n3A_1483 : i32
        %ne3A_1485 = arith.constant 0 : i32
        %ne3A_1486 = arith.cmpi ne, %rem3A_1484, %ne3A_1485 : i32
        %lt3A_1487 = arith.constant 0 : i32
        %lt3A_1488 = arith.cmpi slt, %rem3A_1484, %lt3A_1487 : i32
        %lt3A_1489 = arith.constant 0 : i32
        %lt3A_1490 = arith.cmpi slt, %select_n3A_1483, %lt3A_1489 : i32
        %ne3A_1491 = arith.xori %lt3A_1488, %lt3A_1490 : i1
        %and3A_1492 = arith.andi %ne3A_1491, %ne3A_1486 : i1
        %add3A_1493 = arith.addi %rem3A_1484, %select_n3A_1483 : i32
        %select_n3A_1494 = arith.select %and3A_1492, %add3A_1493, %rem3A_1484 : i32
        %mul3A_1495 = arith.constant 64 : i32
        %mul3A_1496 = arith.muli %select_n3A_1494, %mul3A_1495 : i32
        %dma_start3A_1497 = tpu.memref_slice %arg6[%select_n3A_1478, %mul3A_1496] : memref<50x128xi32, #tpu.memory_space<vmem>> -> memref<1x64xi32, #tpu.memory_space<vmem>>
        %dma_start3A_1498 = tpu.memref_squeeze %dma_start3A_1497 : memref<1x64xi32, #tpu.memory_space<vmem>> -> memref<64xi32, #tpu.memory_space<vmem>>
        %dma_start3A_1499 = arith.constant 0 : i32
        %dma_start3A_1500 = arith.constant 0 : i32
        %dma_start3A_1501 = tpu.memref_slice %arg5[%dma_start3A_1499, %dma_start3A_1500] : memref<1000x128xf32, #tpu.memory_space<vmem_shared>> -> memref<1000x128xf32, #tpu.memory_space<vmem_shared>>
        tpu.enqueue_indirect_dma source(%dma_start3A_1501 : memref<1000x128xf32, #tpu.memory_space<vmem_shared>>) target(%arg10 : memref<64x128xf32, #tpu.memory_space<vmem>>) offsets(%dma_start3A_1498 : memref<64xi32, #tpu.memory_space<vmem>>) semaphore(%arg20 : memref<!tpu.dma_semaphore, #tpu.memory_space<semaphore_mem>>)
      } else {
      }
      %add3A_1346 = arith.constant 10 : i32
      %add3A_1347 = arith.addi %add3A_318, %add3A_1346 : i32
      %add3A_1348 = arith.constant 4 : i32
      %add3A_1349 = arith.addi %add3A_1347, %add3A_1348 : i32
      %lt3A_1350 = arith.constant 100 : i32
      %lt3A_1351 = arith.cmpi slt, %add3A_1349, %lt3A_1350 : i32
      %convert_element_type3A_1352 = arith.extui %lt3A_1351 : i1 to i32
      %cond3A_1353 = arith.constant 0 : i32
      %cond3A_1354 = arith.cmpi ne, %convert_element_type3A_1352, %cond3A_1353 : i32
      scf.if %cond3A_1354 {
        %add3A_1400 = arith.constant 4 : i32
        %add3A_1401 = arith.addi %add3A_318, %add3A_1400 : i32
        %jit3A_1402 = arith.constant 2 : i32
        %div3A_1403 = arith.divsi %add3A_1401, %jit3A_1402 : i32
        %sign3A_1404 = arith.constant 0 : i32
        %sign3A_1405 = arith.cmpi sgt, %add3A_1401, %sign3A_1404 : i32
        %sign3A_1406 = arith.extui %sign3A_1405 : i1 to i32
        %sign3A_1407 = arith.constant 0 : i32
        %sign3A_1408 = arith.cmpi slt, %add3A_1401, %sign3A_1407 : i32
        %sign3A_1409 = arith.extui %sign3A_1408 : i1 to i32
        %sign3A_1410 = arith.subi %sign3A_1406, %sign3A_1409 : i32
        %sign3A_1411 = arith.constant 0 : i32
        %sign3A_1412 = arith.cmpi sgt, %jit3A_1402, %sign3A_1411 : i32
        %sign3A_1413 = arith.extui %sign3A_1412 : i1 to i32
        %sign3A_1414 = arith.constant 0 : i32
        %sign3A_1415 = arith.cmpi slt, %jit3A_1402, %sign3A_1414 : i32
        %sign3A_1416 = arith.extui %sign3A_1415 : i1 to i32
        %sign3A_1417 = arith.subi %sign3A_1413, %sign3A_1416 : i32
        %ne3A_1418 = arith.cmpi ne, %sign3A_1410, %sign3A_1417 : i32
        %rem3A_1419 = arith.remsi %add3A_1401, %jit3A_1402 : i32
        %ne3A_1420 = arith.constant 0 : i32
        %ne3A_1421 = arith.cmpi ne, %rem3A_1419, %ne3A_1420 : i32
        %and3A_1422 = arith.andi %ne3A_1418, %ne3A_1421 : i1
        %sub3A_1423 = arith.constant 1 : i32
        %sub3A_1424 = arith.subi %div3A_1403, %sub3A_1423 : i32
        %select_n3A_1425 = arith.select %and3A_1422, %sub3A_1424, %div3A_1403 : i32
        %jit3A_1426 = arith.constant 2 : i32
        %eq3A_1427 = arith.constant 0 : i32
        %eq3A_1428 = arith.cmpi eq, %jit3A_1426, %eq3A_1427 : i32
        %jit3A_1429 = arith.constant 1 : i32
        %select_n3A_1430 = arith.select %eq3A_1428, %jit3A_1429, %jit3A_1426 : i32
        %rem3A_1431 = arith.remsi %add3A_1401, %select_n3A_1430 : i32
        %ne3A_1432 = arith.constant 0 : i32
        %ne3A_1433 = arith.cmpi ne, %rem3A_1431, %ne3A_1432 : i32
        %lt3A_1434 = arith.constant 0 : i32
        %lt3A_1435 = arith.cmpi slt, %rem3A_1431, %lt3A_1434 : i32
        %lt3A_1436 = arith.constant 0 : i32
        %lt3A_1437 = arith.cmpi slt, %select_n3A_1430, %lt3A_1436 : i32
        %ne3A_1438 = arith.xori %lt3A_1435, %lt3A_1437 : i1
        %and3A_1439 = arith.andi %ne3A_1438, %ne3A_1433 : i1
        %add3A_1440 = arith.addi %rem3A_1431, %select_n3A_1430 : i32
        %select_n3A_1441 = arith.select %and3A_1439, %add3A_1440, %rem3A_1431 : i32
        %mul3A_1442 = arith.constant 64 : i32
        %mul3A_1443 = arith.muli %select_n3A_1441, %mul3A_1442 : i32
        %add3A_1444 = arith.addi %mul3A_2, %mul3A_1443 : i32
        %dma_wait3A_1445 = arith.constant 0 : i32
        %dma_wait3A_1446 = tpu.memref_slice %arg4[%select_n3A_1425, %add3A_1444, %dma_wait3A_1445] : memref<50x4096x128xf32, #tpu.memory_space<hbm>> -> memref<1x64x128xf32, #tpu.memory_space<hbm>>
        %dma_wait3A_1447 = tpu.memref_squeeze %dma_wait3A_1446 : memref<1x64x128xf32, #tpu.memory_space<hbm>> -> memref<64x128xf32, #tpu.memory_space<hbm>>
        %dma_wait3A_1448 = arith.constant 0 : i32
        %dma_wait3A_1449 = tpu.memref_slice %arg4[%select_n3A_1425, %add3A_1444, %dma_wait3A_1448] : memref<50x4096x128xf32, #tpu.memory_space<hbm>> -> memref<1x64x128xf32, #tpu.memory_space<hbm>>
        %dma_wait3A_1450 = tpu.memref_squeeze %dma_wait3A_1449 : memref<1x64x128xf32, #tpu.memory_space<hbm>> -> memref<64x128xf32, #tpu.memory_space<hbm>>
        tpu.wait_dma2 semaphore(%arg31 : memref<!tpu.dma_semaphore, #tpu.memory_space<semaphore_mem>>) src(%arg11 : memref<64x128xf32, #tpu.memory_space<vmem>>) dst(%dma_wait3A_1450 : memref<64x128xf32, #tpu.memory_space<hbm>>)
        %add3A_1451 = arith.constant 10 : i32
        %add3A_1452 = arith.addi %add3A_318, %add3A_1451 : i32
        %add3A_1453 = arith.constant 4 : i32
        %add3A_1454 = arith.addi %add3A_1452, %add3A_1453 : i32
        %jit3A_1455 = arith.constant 2 : i32
        %div3A_1456 = arith.divsi %add3A_1454, %jit3A_1455 : i32
        %sign3A_1457 = arith.constant 0 : i32
        %sign3A_1458 = arith.cmpi sgt, %add3A_1454, %sign3A_1457 : i32
        %sign3A_1459 = arith.extui %sign3A_1458 : i1 to i32
        %sign3A_1460 = arith.constant 0 : i32
        %sign3A_1461 = arith.cmpi slt, %add3A_1454, %sign3A_1460 : i32
        %sign3A_1462 = arith.extui %sign3A_1461 : i1 to i32
        %sign3A_1463 = arith.subi %sign3A_1459, %sign3A_1462 : i32
        %sign3A_1464 = arith.constant 0 : i32
        %sign3A_1465 = arith.cmpi sgt, %jit3A_1455, %sign3A_1464 : i32
        %sign3A_1466 = arith.extui %sign3A_1465 : i1 to i32
        %sign3A_1467 = arith.constant 0 : i32
        %sign3A_1468 = arith.cmpi slt, %jit3A_1455, %sign3A_1467 : i32
        %sign3A_1469 = arith.extui %sign3A_1468 : i1 to i32
        %sign3A_1470 = arith.subi %sign3A_1466, %sign3A_1469 : i32
        %ne3A_1471 = arith.cmpi ne, %sign3A_1463, %sign3A_1470 : i32
        %rem3A_1472 = arith.remsi %add3A_1454, %jit3A_1455 : i32
        %ne3A_1473 = arith.constant 0 : i32
        %ne3A_1474 = arith.cmpi ne, %rem3A_1472, %ne3A_1473 : i32
        %and3A_1475 = arith.andi %ne3A_1471, %ne3A_1474 : i1
        %sub3A_1476 = arith.constant 1 : i32
        %sub3A_1477 = arith.subi %div3A_1456, %sub3A_1476 : i32
        %select_n3A_1478 = arith.select %and3A_1475, %sub3A_1477, %div3A_1456 : i32
        %jit3A_1479 = arith.constant 2 : i32
        %eq3A_1480 = arith.constant 0 : i32
        %eq3A_1481 = arith.cmpi eq, %jit3A_1479, %eq3A_1480 : i32
        %jit3A_1482 = arith.constant 1 : i32
        %select_n3A_1483 = arith.select %eq3A_1481, %jit3A_1482, %jit3A_1479 : i32
        %rem3A_1484 = arith.remsi %add3A_1454, %select_n3A_1483 : i32
        %ne3A_1485 = arith.constant 0 : i32
        %ne3A_1486 = arith.cmpi ne, %rem3A_1484, %ne3A_1485 : i32
        %lt3A_1487 = arith.constant 0 : i32
        %lt3A_1488 = arith.cmpi slt, %rem3A_1484, %lt3A_1487 : i32
        %lt3A_1489 = arith.constant 0 : i32
        %lt3A_1490 = arith.cmpi slt, %select_n3A_1483, %lt3A_1489 : i32
        %ne3A_1491 = arith.xori %lt3A_1488, %lt3A_1490 : i1
        %and3A_1492 = arith.andi %ne3A_1491, %ne3A_1486 : i1
        %add3A_1493 = arith.addi %rem3A_1484, %select_n3A_1483 : i32
        %select_n3A_1494 = arith.select %and3A_1492, %add3A_1493, %rem3A_1484 : i32
        %mul3A_1495 = arith.constant 64 : i32
        %mul3A_1496 = arith.muli %select_n3A_1494, %mul3A_1495 : i32
        %dma_start3A_1497 = tpu.memref_slice %arg6[%select_n3A_1478, %mul3A_1496] : memref<50x128xi32, #tpu.memory_space<vmem>> -> memref<1x64xi32, #tpu.memory_space<vmem>>
        %dma_start3A_1498 = tpu.memref_squeeze %dma_start3A_1497 : memref<1x64xi32, #tpu.memory_space<vmem>> -> memref<64xi32, #tpu.memory_space<vmem>>
        %dma_start3A_1499 = arith.constant 0 : i32
        %dma_start3A_1500 = arith.constant 0 : i32
        %dma_start3A_1501 = tpu.memref_slice %arg5[%dma_start3A_1499, %dma_start3A_1500] : memref<1000x128xf32, #tpu.memory_space<vmem_shared>> -> memref<1000x128xf32, #tpu.memory_space<vmem_shared>>
        tpu.enqueue_indirect_dma source(%dma_start3A_1501 : memref<1000x128xf32, #tpu.memory_space<vmem_shared>>) target(%arg11 : memref<64x128xf32, #tpu.memory_space<vmem>>) offsets(%dma_start3A_1498 : memref<64xi32, #tpu.memory_space<vmem>>) semaphore(%arg21 : memref<!tpu.dma_semaphore, #tpu.memory_space<semaphore_mem>>)
      } else {
      }
      %add3A_1355 = arith.constant 10 : i32
      %add3A_1356 = arith.addi %add3A_318, %add3A_1355 : i32
      %add3A_1357 = arith.constant 5 : i32
      %add3A_1358 = arith.addi %add3A_1356, %add3A_1357 : i32
      %lt3A_1359 = arith.constant 100 : i32
      %lt3A_1360 = arith.cmpi slt, %add3A_1358, %lt3A_1359 : i32
      %convert_element_type3A_1361 = arith.extui %lt3A_1360 : i1 to i32
      %cond3A_1362 = arith.constant 0 : i32
      %cond3A_1363 = arith.cmpi ne, %convert_element_type3A_1361, %cond3A_1362 : i32
      scf.if %cond3A_1363 {
        %add3A_1400 = arith.constant 5 : i32
        %add3A_1401 = arith.addi %add3A_318, %add3A_1400 : i32
        %jit3A_1402 = arith.constant 2 : i32
        %div3A_1403 = arith.divsi %add3A_1401, %jit3A_1402 : i32
        %sign3A_1404 = arith.constant 0 : i32
        %sign3A_1405 = arith.cmpi sgt, %add3A_1401, %sign3A_1404 : i32
        %sign3A_1406 = arith.extui %sign3A_1405 : i1 to i32
        %sign3A_1407 = arith.constant 0 : i32
        %sign3A_1408 = arith.cmpi slt, %add3A_1401, %sign3A_1407 : i32
        %sign3A_1409 = arith.extui %sign3A_1408 : i1 to i32
        %sign3A_1410 = arith.subi %sign3A_1406, %sign3A_1409 : i32
        %sign3A_1411 = arith.constant 0 : i32
        %sign3A_1412 = arith.cmpi sgt, %jit3A_1402, %sign3A_1411 : i32
        %sign3A_1413 = arith.extui %sign3A_1412 : i1 to i32
        %sign3A_1414 = arith.constant 0 : i32
        %sign3A_1415 = arith.cmpi slt, %jit3A_1402, %sign3A_1414 : i32
        %sign3A_1416 = arith.extui %sign3A_1415 : i1 to i32
        %sign3A_1417 = arith.subi %sign3A_1413, %sign3A_1416 : i32
        %ne3A_1418 = arith.cmpi ne, %sign3A_1410, %sign3A_1417 : i32
        %rem3A_1419 = arith.remsi %add3A_1401, %jit3A_1402 : i32
        %ne3A_1420 = arith.constant 0 : i32
        %ne3A_1421 = arith.cmpi ne, %rem3A_1419, %ne3A_1420 : i32
        %and3A_1422 = arith.andi %ne3A_1418, %ne3A_1421 : i1
        %sub3A_1423 = arith.constant 1 : i32
        %sub3A_1424 = arith.subi %div3A_1403, %sub3A_1423 : i32
        %select_n3A_1425 = arith.select %and3A_1422, %sub3A_1424, %div3A_1403 : i32
        %jit3A_1426 = arith.constant 2 : i32
        %eq3A_1427 = arith.constant 0 : i32
        %eq3A_1428 = arith.cmpi eq, %jit3A_1426, %eq3A_1427 : i32
        %jit3A_1429 = arith.constant 1 : i32
        %select_n3A_1430 = arith.select %eq3A_1428, %jit3A_1429, %jit3A_1426 : i32
        %rem3A_1431 = arith.remsi %add3A_1401, %select_n3A_1430 : i32
        %ne3A_1432 = arith.constant 0 : i32
        %ne3A_1433 = arith.cmpi ne, %rem3A_1431, %ne3A_1432 : i32
        %lt3A_1434 = arith.constant 0 : i32
        %lt3A_1435 = arith.cmpi slt, %rem3A_1431, %lt3A_1434 : i32
        %lt3A_1436 = arith.constant 0 : i32
        %lt3A_1437 = arith.cmpi slt, %select_n3A_1430, %lt3A_1436 : i32
        %ne3A_1438 = arith.xori %lt3A_1435, %lt3A_1437 : i1
        %and3A_1439 = arith.andi %ne3A_1438, %ne3A_1433 : i1
        %add3A_1440 = arith.addi %rem3A_1431, %select_n3A_1430 : i32
        %select_n3A_1441 = arith.select %and3A_1439, %add3A_1440, %rem3A_1431 : i32
        %mul3A_1442 = arith.constant 64 : i32
        %mul3A_1443 = arith.muli %select_n3A_1441, %mul3A_1442 : i32
        %add3A_1444 = arith.addi %mul3A_2, %mul3A_1443 : i32
        %dma_wait3A_1445 = arith.constant 0 : i32
        %dma_wait3A_1446 = tpu.memref_slice %arg4[%select_n3A_1425, %add3A_1444, %dma_wait3A_1445] : memref<50x4096x128xf32, #tpu.memory_space<hbm>> -> memref<1x64x128xf32, #tpu.memory_space<hbm>>
        %dma_wait3A_1447 = tpu.memref_squeeze %dma_wait3A_1446 : memref<1x64x128xf32, #tpu.memory_space<hbm>> -> memref<64x128xf32, #tpu.memory_space<hbm>>
        %dma_wait3A_1448 = arith.constant 0 : i32
        %dma_wait3A_1449 = tpu.memref_slice %arg4[%select_n3A_1425, %add3A_1444, %dma_wait3A_1448] : memref<50x4096x128xf32, #tpu.memory_space<hbm>> -> memref<1x64x128xf32, #tpu.memory_space<hbm>>
        %dma_wait3A_1450 = tpu.memref_squeeze %dma_wait3A_1449 : memref<1x64x128xf32, #tpu.memory_space<hbm>> -> memref<64x128xf32, #tpu.memory_space<hbm>>
        tpu.wait_dma2 semaphore(%arg32 : memref<!tpu.dma_semaphore, #tpu.memory_space<semaphore_mem>>) src(%arg12 : memref<64x128xf32, #tpu.memory_space<vmem>>) dst(%dma_wait3A_1450 : memref<64x128xf32, #tpu.memory_space<hbm>>)
        %add3A_1451 = arith.constant 10 : i32
        %add3A_1452 = arith.addi %add3A_318, %add3A_1451 : i32
        %add3A_1453 = arith.constant 5 : i32
        %add3A_1454 = arith.addi %add3A_1452, %add3A_1453 : i32
        %jit3A_1455 = arith.constant 2 : i32
        %div3A_1456 = arith.divsi %add3A_1454, %jit3A_1455 : i32
        %sign3A_1457 = arith.constant 0 : i32
        %sign3A_1458 = arith.cmpi sgt, %add3A_1454, %sign3A_1457 : i32
        %sign3A_1459 = arith.extui %sign3A_1458 : i1 to i32
        %sign3A_1460 = arith.constant 0 : i32
        %sign3A_1461 = arith.cmpi slt, %add3A_1454, %sign3A_1460 : i32
        %sign3A_1462 = arith.extui %sign3A_1461 : i1 to i32
        %sign3A_1463 = arith.subi %sign3A_1459, %sign3A_1462 : i32
        %sign3A_1464 = arith.constant 0 : i32
        %sign3A_1465 = arith.cmpi sgt, %jit3A_1455, %sign3A_1464 : i32
        %sign3A_1466 = arith.extui %sign3A_1465 : i1 to i32
        %sign3A_1467 = arith.constant 0 : i32
        %sign3A_1468 = arith.cmpi slt, %jit3A_1455, %sign3A_1467 : i32
        %sign3A_1469 = arith.extui %sign3A_1468 : i1 to i32
        %sign3A_1470 = arith.subi %sign3A_1466, %sign3A_1469 : i32
        %ne3A_1471 = arith.cmpi ne, %sign3A_1463, %sign3A_1470 : i32
        %rem3A_1472 = arith.remsi %add3A_1454, %jit3A_1455 : i32
        %ne3A_1473 = arith.constant 0 : i32
        %ne3A_1474 = arith.cmpi ne, %rem3A_1472, %ne3A_1473 : i32
        %and3A_1475 = arith.andi %ne3A_1471, %ne3A_1474 : i1
        %sub3A_1476 = arith.constant 1 : i32
        %sub3A_1477 = arith.subi %div3A_1456, %sub3A_1476 : i32
        %select_n3A_1478 = arith.select %and3A_1475, %sub3A_1477, %div3A_1456 : i32
        %jit3A_1479 = arith.constant 2 : i32
        %eq3A_1480 = arith.constant 0 : i32
        %eq3A_1481 = arith.cmpi eq, %jit3A_1479, %eq3A_1480 : i32
        %jit3A_1482 = arith.constant 1 : i32
        %select_n3A_1483 = arith.select %eq3A_1481, %jit3A_1482, %jit3A_1479 : i32
        %rem3A_1484 = arith.remsi %add3A_1454, %select_n3A_1483 : i32
        %ne3A_1485 = arith.constant 0 : i32
        %ne3A_1486 = arith.cmpi ne, %rem3A_1484, %ne3A_1485 : i32
        %lt3A_1487 = arith.constant 0 : i32
        %lt3A_1488 = arith.cmpi slt, %rem3A_1484, %lt3A_1487 : i32
        %lt3A_1489 = arith.constant 0 : i32
        %lt3A_1490 = arith.cmpi slt, %select_n3A_1483, %lt3A_1489 : i32
        %ne3A_1491 = arith.xori %lt3A_1488, %lt3A_1490 : i1
        %and3A_1492 = arith.andi %ne3A_1491, %ne3A_1486 : i1
        %add3A_1493 = arith.addi %rem3A_1484, %select_n3A_1483 : i32
        %select_n3A_1494 = arith.select %and3A_1492, %add3A_1493, %rem3A_1484 : i32
        %mul3A_1495 = arith.constant 64 : i32
        %mul3A_1496 = arith.muli %select_n3A_1494, %mul3A_1495 : i32
        %dma_start3A_1497 = tpu.memref_slice %arg6[%select_n3A_1478, %mul3A_1496] : memref<50x128xi32, #tpu.memory_space<vmem>> -> memref<1x64xi32, #tpu.memory_space<vmem>>
        %dma_start3A_1498 = tpu.memref_squeeze %dma_start3A_1497 : memref<1x64xi32, #tpu.memory_space<vmem>> -> memref<64xi32, #tpu.memory_space<vmem>>
        %dma_start3A_1499 = arith.constant 0 : i32
        %dma_start3A_1500 = arith.constant 0 : i32
        %dma_start3A_1501 = tpu.memref_slice %arg5[%dma_start3A_1499, %dma_start3A_1500] : memref<1000x128xf32, #tpu.memory_space<vmem_shared>> -> memref<1000x128xf32, #tpu.memory_space<vmem_shared>>
        tpu.enqueue_indirect_dma source(%dma_start3A_1501 : memref<1000x128xf32, #tpu.memory_space<vmem_shared>>) target(%arg12 : memref<64x128xf32, #tpu.memory_space<vmem>>) offsets(%dma_start3A_1498 : memref<64xi32, #tpu.memory_space<vmem>>) semaphore(%arg22 : memref<!tpu.dma_semaphore, #tpu.memory_space<semaphore_mem>>)
      } else {
      }
      %add3A_1364 = arith.constant 10 : i32
      %add3A_1365 = arith.addi %add3A_318, %add3A_1364 : i32
      %add3A_1366 = arith.constant 6 : i32
      %add3A_1367 = arith.addi %add3A_1365, %add3A_1366 : i32
      %lt3A_1368 = arith.constant 100 : i32
      %lt3A_1369 = arith.cmpi slt, %add3A_1367, %lt3A_1368 : i32
      %convert_element_type3A_1370 = arith.extui %lt3A_1369 : i1 to i32
      %cond3A_1371 = arith.constant 0 : i32
      %cond3A_1372 = arith.cmpi ne, %convert_element_type3A_1370, %cond3A_1371 : i32
      scf.if %cond3A_1372 {
        %add3A_1400 = arith.constant 6 : i32
        %add3A_1401 = arith.addi %add3A_318, %add3A_1400 : i32
        %jit3A_1402 = arith.constant 2 : i32
        %div3A_1403 = arith.divsi %add3A_1401, %jit3A_1402 : i32
        %sign3A_1404 = arith.constant 0 : i32
        %sign3A_1405 = arith.cmpi sgt, %add3A_1401, %sign3A_1404 : i32
        %sign3A_1406 = arith.extui %sign3A_1405 : i1 to i32
        %sign3A_1407 = arith.constant 0 : i32
        %sign3A_1408 = arith.cmpi slt, %add3A_1401, %sign3A_1407 : i32
        %sign3A_1409 = arith.extui %sign3A_1408 : i1 to i32
        %sign3A_1410 = arith.subi %sign3A_1406, %sign3A_1409 : i32
        %sign3A_1411 = arith.constant 0 : i32
        %sign3A_1412 = arith.cmpi sgt, %jit3A_1402, %sign3A_1411 : i32
        %sign3A_1413 = arith.extui %sign3A_1412 : i1 to i32
        %sign3A_1414 = arith.constant 0 : i32
        %sign3A_1415 = arith.cmpi slt, %jit3A_1402, %sign3A_1414 : i32
        %sign3A_1416 = arith.extui %sign3A_1415 : i1 to i32
        %sign3A_1417 = arith.subi %sign3A_1413, %sign3A_1416 : i32
        %ne3A_1418 = arith.cmpi ne, %sign3A_1410, %sign3A_1417 : i32
        %rem3A_1419 = arith.remsi %add3A_1401, %jit3A_1402 : i32
        %ne3A_1420 = arith.constant 0 : i32
        %ne3A_1421 = arith.cmpi ne, %rem3A_1419, %ne3A_1420 : i32
        %and3A_1422 = arith.andi %ne3A_1418, %ne3A_1421 : i1
        %sub3A_1423 = arith.constant 1 : i32
        %sub3A_1424 = arith.subi %div3A_1403, %sub3A_1423 : i32
        %select_n3A_1425 = arith.select %and3A_1422, %sub3A_1424, %div3A_1403 : i32
        %jit3A_1426 = arith.constant 2 : i32
        %eq3A_1427 = arith.constant 0 : i32
        %eq3A_1428 = arith.cmpi eq, %jit3A_1426, %eq3A_1427 : i32
        %jit3A_1429 = arith.constant 1 : i32
        %select_n3A_1430 = arith.select %eq3A_1428, %jit3A_1429, %jit3A_1426 : i32
        %rem3A_1431 = arith.remsi %add3A_1401, %select_n3A_1430 : i32
        %ne3A_1432 = arith.constant 0 : i32
        %ne3A_1433 = arith.cmpi ne, %rem3A_1431, %ne3A_1432 : i32
        %lt3A_1434 = arith.constant 0 : i32
        %lt3A_1435 = arith.cmpi slt, %rem3A_1431, %lt3A_1434 : i32
        %lt3A_1436 = arith.constant 0 : i32
        %lt3A_1437 = arith.cmpi slt, %select_n3A_1430, %lt3A_1436 : i32
        %ne3A_1438 = arith.xori %lt3A_1435, %lt3A_1437 : i1
        %and3A_1439 = arith.andi %ne3A_1438, %ne3A_1433 : i1
        %add3A_1440 = arith.addi %rem3A_1431, %select_n3A_1430 : i32
        %select_n3A_1441 = arith.select %and3A_1439, %add3A_1440, %rem3A_1431 : i32
        %mul3A_1442 = arith.constant 64 : i32
        %mul3A_1443 = arith.muli %select_n3A_1441, %mul3A_1442 : i32
        %add3A_1444 = arith.addi %mul3A_2, %mul3A_1443 : i32
        %dma_wait3A_1445 = arith.constant 0 : i32
        %dma_wait3A_1446 = tpu.memref_slice %arg4[%select_n3A_1425, %add3A_1444, %dma_wait3A_1445] : memref<50x4096x128xf32, #tpu.memory_space<hbm>> -> memref<1x64x128xf32, #tpu.memory_space<hbm>>
        %dma_wait3A_1447 = tpu.memref_squeeze %dma_wait3A_1446 : memref<1x64x128xf32, #tpu.memory_space<hbm>> -> memref<64x128xf32, #tpu.memory_space<hbm>>
        %dma_wait3A_1448 = arith.constant 0 : i32
        %dma_wait3A_1449 = tpu.memref_slice %arg4[%select_n3A_1425, %add3A_1444, %dma_wait3A_1448] : memref<50x4096x128xf32, #tpu.memory_space<hbm>> -> memref<1x64x128xf32, #tpu.memory_space<hbm>>
        %dma_wait3A_1450 = tpu.memref_squeeze %dma_wait3A_1449 : memref<1x64x128xf32, #tpu.memory_space<hbm>> -> memref<64x128xf32, #tpu.memory_space<hbm>>
        tpu.wait_dma2 semaphore(%arg33 : memref<!tpu.dma_semaphore, #tpu.memory_space<semaphore_mem>>) src(%arg13 : memref<64x128xf32, #tpu.memory_space<vmem>>) dst(%dma_wait3A_1450 : memref<64x128xf32, #tpu.memory_space<hbm>>)
        %add3A_1451 = arith.constant 10 : i32
        %add3A_1452 = arith.addi %add3A_318, %add3A_1451 : i32
        %add3A_1453 = arith.constant 6 : i32
        %add3A_1454 = arith.addi %add3A_1452, %add3A_1453 : i32
        %jit3A_1455 = arith.constant 2 : i32
        %div3A_1456 = arith.divsi %add3A_1454, %jit3A_1455 : i32
        %sign3A_1457 = arith.constant 0 : i32
        %sign3A_1458 = arith.cmpi sgt, %add3A_1454, %sign3A_1457 : i32
        %sign3A_1459 = arith.extui %sign3A_1458 : i1 to i32
        %sign3A_1460 = arith.constant 0 : i32
        %sign3A_1461 = arith.cmpi slt, %add3A_1454, %sign3A_1460 : i32
        %sign3A_1462 = arith.extui %sign3A_1461 : i1 to i32
        %sign3A_1463 = arith.subi %sign3A_1459, %sign3A_1462 : i32
        %sign3A_1464 = arith.constant 0 : i32
        %sign3A_1465 = arith.cmpi sgt, %jit3A_1455, %sign3A_1464 : i32
        %sign3A_1466 = arith.extui %sign3A_1465 : i1 to i32
        %sign3A_1467 = arith.constant 0 : i32
        %sign3A_1468 = arith.cmpi slt, %jit3A_1455, %sign3A_1467 : i32
        %sign3A_1469 = arith.extui %sign3A_1468 : i1 to i32
        %sign3A_1470 = arith.subi %sign3A_1466, %sign3A_1469 : i32
        %ne3A_1471 = arith.cmpi ne, %sign3A_1463, %sign3A_1470 : i32
        %rem3A_1472 = arith.remsi %add3A_1454, %jit3A_1455 : i32
        %ne3A_1473 = arith.constant 0 : i32
        %ne3A_1474 = arith.cmpi ne, %rem3A_1472, %ne3A_1473 : i32
        %and3A_1475 = arith.andi %ne3A_1471, %ne3A_1474 : i1
        %sub3A_1476 = arith.constant 1 : i32
        %sub3A_1477 = arith.subi %div3A_1456, %sub3A_1476 : i32
        %select_n3A_1478 = arith.select %and3A_1475, %sub3A_1477, %div3A_1456 : i32
        %jit3A_1479 = arith.constant 2 : i32
        %eq3A_1480 = arith.constant 0 : i32
        %eq3A_1481 = arith.cmpi eq, %jit3A_1479, %eq3A_1480 : i32
        %jit3A_1482 = arith.constant 1 : i32
        %select_n3A_1483 = arith.select %eq3A_1481, %jit3A_1482, %jit3A_1479 : i32
        %rem3A_1484 = arith.remsi %add3A_1454, %select_n3A_1483 : i32
        %ne3A_1485 = arith.constant 0 : i32
        %ne3A_1486 = arith.cmpi ne, %rem3A_1484, %ne3A_1485 : i32
        %lt3A_1487 = arith.constant 0 : i32
        %lt3A_1488 = arith.cmpi slt, %rem3A_1484, %lt3A_1487 : i32
        %lt3A_1489 = arith.constant 0 : i32
        %lt3A_1490 = arith.cmpi slt, %select_n3A_1483, %lt3A_1489 : i32
        %ne3A_1491 = arith.xori %lt3A_1488, %lt3A_1490 : i1
        %and3A_1492 = arith.andi %ne3A_1491, %ne3A_1486 : i1
        %add3A_1493 = arith.addi %rem3A_1484, %select_n3A_1483 : i32
        %select_n3A_1494 = arith.select %and3A_1492, %add3A_1493, %rem3A_1484 : i32
        %mul3A_1495 = arith.constant 64 : i32
        %mul3A_1496 = arith.muli %select_n3A_1494, %mul3A_1495 : i32
        %dma_start3A_1497 = tpu.memref_slice %arg6[%select_n3A_1478, %mul3A_1496] : memref<50x128xi32, #tpu.memory_space<vmem>> -> memref<1x64xi32, #tpu.memory_space<vmem>>
        %dma_start3A_1498 = tpu.memref_squeeze %dma_start3A_1497 : memref<1x64xi32, #tpu.memory_space<vmem>> -> memref<64xi32, #tpu.memory_space<vmem>>
        %dma_start3A_1499 = arith.constant 0 : i32
        %dma_start3A_1500 = arith.constant 0 : i32
        %dma_start3A_1501 = tpu.memref_slice %arg5[%dma_start3A_1499, %dma_start3A_1500] : memref<1000x128xf32, #tpu.memory_space<vmem_shared>> -> memref<1000x128xf32, #tpu.memory_space<vmem_shared>>
        tpu.enqueue_indirect_dma source(%dma_start3A_1501 : memref<1000x128xf32, #tpu.memory_space<vmem_shared>>) target(%arg13 : memref<64x128xf32, #tpu.memory_space<vmem>>) offsets(%dma_start3A_1498 : memref<64xi32, #tpu.memory_space<vmem>>) semaphore(%arg23 : memref<!tpu.dma_semaphore, #tpu.memory_space<semaphore_mem>>)
      } else {
      }
      %add3A_1373 = arith.constant 10 : i32
      %add3A_1374 = arith.addi %add3A_318, %add3A_1373 : i32
      %add3A_1375 = arith.constant 7 : i32
      %add3A_1376 = arith.addi %add3A_1374, %add3A_1375 : i32
      %lt3A_1377 = arith.constant 100 : i32
      %lt3A_1378 = arith.cmpi slt, %add3A_1376, %lt3A_1377 : i32
      %convert_element_type3A_1379 = arith.extui %lt3A_1378 : i1 to i32
      %cond3A_1380 = arith.constant 0 : i32
      %cond3A_1381 = arith.cmpi ne, %convert_element_type3A_1379, %cond3A_1380 : i32
      scf.if %cond3A_1381 {
        %add3A_1400 = arith.constant 7 : i32
        %add3A_1401 = arith.addi %add3A_318, %add3A_1400 : i32
        %jit3A_1402 = arith.constant 2 : i32
        %div3A_1403 = arith.divsi %add3A_1401, %jit3A_1402 : i32
        %sign3A_1404 = arith.constant 0 : i32
        %sign3A_1405 = arith.cmpi sgt, %add3A_1401, %sign3A_1404 : i32
        %sign3A_1406 = arith.extui %sign3A_1405 : i1 to i32
        %sign3A_1407 = arith.constant 0 : i32
        %sign3A_1408 = arith.cmpi slt, %add3A_1401, %sign3A_1407 : i32
        %sign3A_1409 = arith.extui %sign3A_1408 : i1 to i32
        %sign3A_1410 = arith.subi %sign3A_1406, %sign3A_1409 : i32
        %sign3A_1411 = arith.constant 0 : i32
        %sign3A_1412 = arith.cmpi sgt, %jit3A_1402, %sign3A_1411 : i32
        %sign3A_1413 = arith.extui %sign3A_1412 : i1 to i32
        %sign3A_1414 = arith.constant 0 : i32
        %sign3A_1415 = arith.cmpi slt, %jit3A_1402, %sign3A_1414 : i32
        %sign3A_1416 = arith.extui %sign3A_1415 : i1 to i32
        %sign3A_1417 = arith.subi %sign3A_1413, %sign3A_1416 : i32
        %ne3A_1418 = arith.cmpi ne, %sign3A_1410, %sign3A_1417 : i32
        %rem3A_1419 = arith.remsi %add3A_1401, %jit3A_1402 : i32
        %ne3A_1420 = arith.constant 0 : i32
        %ne3A_1421 = arith.cmpi ne, %rem3A_1419, %ne3A_1420 : i32
        %and3A_1422 = arith.andi %ne3A_1418, %ne3A_1421 : i1
        %sub3A_1423 = arith.constant 1 : i32
        %sub3A_1424 = arith.subi %div3A_1403, %sub3A_1423 : i32
        %select_n3A_1425 = arith.select %and3A_1422, %sub3A_1424, %div3A_1403 : i32
        %jit3A_1426 = arith.constant 2 : i32
        %eq3A_1427 = arith.constant 0 : i32
        %eq3A_1428 = arith.cmpi eq, %jit3A_1426, %eq3A_1427 : i32
        %jit3A_1429 = arith.constant 1 : i32
        %select_n3A_1430 = arith.select %eq3A_1428, %jit3A_1429, %jit3A_1426 : i32
        %rem3A_1431 = arith.remsi %add3A_1401, %select_n3A_1430 : i32
        %ne3A_1432 = arith.constant 0 : i32
        %ne3A_1433 = arith.cmpi ne, %rem3A_1431, %ne3A_1432 : i32
        %lt3A_1434 = arith.constant 0 : i32
        %lt3A_1435 = arith.cmpi slt, %rem3A_1431, %lt3A_1434 : i32
        %lt3A_1436 = arith.constant 0 : i32
        %lt3A_1437 = arith.cmpi slt, %select_n3A_1430, %lt3A_1436 : i32
        %ne3A_1438 = arith.xori %lt3A_1435, %lt3A_1437 : i1
        %and3A_1439 = arith.andi %ne3A_1438, %ne3A_1433 : i1
        %add3A_1440 = arith.addi %rem3A_1431, %select_n3A_1430 : i32
        %select_n3A_1441 = arith.select %and3A_1439, %add3A_1440, %rem3A_1431 : i32
        %mul3A_1442 = arith.constant 64 : i32
        %mul3A_1443 = arith.muli %select_n3A_1441, %mul3A_1442 : i32
        %add3A_1444 = arith.addi %mul3A_2, %mul3A_1443 : i32
        %dma_wait3A_1445 = arith.constant 0 : i32
        %dma_wait3A_1446 = tpu.memref_slice %arg4[%select_n3A_1425, %add3A_1444, %dma_wait3A_1445] : memref<50x4096x128xf32, #tpu.memory_space<hbm>> -> memref<1x64x128xf32, #tpu.memory_space<hbm>>
        %dma_wait3A_1447 = tpu.memref_squeeze %dma_wait3A_1446 : memref<1x64x128xf32, #tpu.memory_space<hbm>> -> memref<64x128xf32, #tpu.memory_space<hbm>>
        %dma_wait3A_1448 = arith.constant 0 : i32
        %dma_wait3A_1449 = tpu.memref_slice %arg4[%select_n3A_1425, %add3A_1444, %dma_wait3A_1448] : memref<50x4096x128xf32, #tpu.memory_space<hbm>> -> memref<1x64x128xf32, #tpu.memory_space<hbm>>
        %dma_wait3A_1450 = tpu.memref_squeeze %dma_wait3A_1449 : memref<1x64x128xf32, #tpu.memory_space<hbm>> -> memref<64x128xf32, #tpu.memory_space<hbm>>
        tpu.wait_dma2 semaphore(%arg34 : memref<!tpu.dma_semaphore, #tpu.memory_space<semaphore_mem>>) src(%arg14 : memref<64x128xf32, #tpu.memory_space<vmem>>) dst(%dma_wait3A_1450 : memref<64x128xf32, #tpu.memory_space<hbm>>)
        %add3A_1451 = arith.constant 10 : i32
        %add3A_1452 = arith.addi %add3A_318, %add3A_1451 : i32
        %add3A_1453 = arith.constant 7 : i32
        %add3A_1454 = arith.addi %add3A_1452, %add3A_1453 : i32
        %jit3A_1455 = arith.constant 2 : i32
        %div3A_1456 = arith.divsi %add3A_1454, %jit3A_1455 : i32
        %sign3A_1457 = arith.constant 0 : i32
        %sign3A_1458 = arith.cmpi sgt, %add3A_1454, %sign3A_1457 : i32
        %sign3A_1459 = arith.extui %sign3A_1458 : i1 to i32
        %sign3A_1460 = arith.constant 0 : i32
        %sign3A_1461 = arith.cmpi slt, %add3A_1454, %sign3A_1460 : i32
        %sign3A_1462 = arith.extui %sign3A_1461 : i1 to i32
        %sign3A_1463 = arith.subi %sign3A_1459, %sign3A_1462 : i32
        %sign3A_1464 = arith.constant 0 : i32
        %sign3A_1465 = arith.cmpi sgt, %jit3A_1455, %sign3A_1464 : i32
        %sign3A_1466 = arith.extui %sign3A_1465 : i1 to i32
        %sign3A_1467 = arith.constant 0 : i32
        %sign3A_1468 = arith.cmpi slt, %jit3A_1455, %sign3A_1467 : i32
        %sign3A_1469 = arith.extui %sign3A_1468 : i1 to i32
        %sign3A_1470 = arith.subi %sign3A_1466, %sign3A_1469 : i32
        %ne3A_1471 = arith.cmpi ne, %sign3A_1463, %sign3A_1470 : i32
        %rem3A_1472 = arith.remsi %add3A_1454, %jit3A_1455 : i32
        %ne3A_1473 = arith.constant 0 : i32
        %ne3A_1474 = arith.cmpi ne, %rem3A_1472, %ne3A_1473 : i32
        %and3A_1475 = arith.andi %ne3A_1471, %ne3A_1474 : i1
        %sub3A_1476 = arith.constant 1 : i32
        %sub3A_1477 = arith.subi %div3A_1456, %sub3A_1476 : i32
        %select_n3A_1478 = arith.select %and3A_1475, %sub3A_1477, %div3A_1456 : i32
        %jit3A_1479 = arith.constant 2 : i32
        %eq3A_1480 = arith.constant 0 : i32
        %eq3A_1481 = arith.cmpi eq, %jit3A_1479, %eq3A_1480 : i32
        %jit3A_1482 = arith.constant 1 : i32
        %select_n3A_1483 = arith.select %eq3A_1481, %jit3A_1482, %jit3A_1479 : i32
        %rem3A_1484 = arith.remsi %add3A_1454, %select_n3A_1483 : i32
        %ne3A_1485 = arith.constant 0 : i32
        %ne3A_1486 = arith.cmpi ne, %rem3A_1484, %ne3A_1485 : i32
        %lt3A_1487 = arith.constant 0 : i32
        %lt3A_1488 = arith.cmpi slt, %rem3A_1484, %lt3A_1487 : i32
        %lt3A_1489 = arith.constant 0 : i32
        %lt3A_1490 = arith.cmpi slt, %select_n3A_1483, %lt3A_1489 : i32
        %ne3A_1491 = arith.xori %lt3A_1488, %lt3A_1490 : i1
        %and3A_1492 = arith.andi %ne3A_1491, %ne3A_1486 : i1
        %add3A_1493 = arith.addi %rem3A_1484, %select_n3A_1483 : i32
        %select_n3A_1494 = arith.select %and3A_1492, %add3A_1493, %rem3A_1484 : i32
        %mul3A_1495 = arith.constant 64 : i32
        %mul3A_1496 = arith.muli %select_n3A_1494, %mul3A_1495 : i32
        %dma_start3A_1497 = tpu.memref_slice %arg6[%select_n3A_1478, %mul3A_1496] : memref<50x128xi32, #tpu.memory_space<vmem>> -> memref<1x64xi32, #tpu.memory_space<vmem>>
        %dma_start3A_1498 = tpu.memref_squeeze %dma_start3A_1497 : memref<1x64xi32, #tpu.memory_space<vmem>> -> memref<64xi32, #tpu.memory_space<vmem>>
        %dma_start3A_1499 = arith.constant 0 : i32
        %dma_start3A_1500 = arith.constant 0 : i32
        %dma_start3A_1501 = tpu.memref_slice %arg5[%dma_start3A_1499, %dma_start3A_1500] : memref<1000x128xf32, #tpu.memory_space<vmem_shared>> -> memref<1000x128xf32, #tpu.memory_space<vmem_shared>>
        tpu.enqueue_indirect_dma source(%dma_start3A_1501 : memref<1000x128xf32, #tpu.memory_space<vmem_shared>>) target(%arg14 : memref<64x128xf32, #tpu.memory_space<vmem>>) offsets(%dma_start3A_1498 : memref<64xi32, #tpu.memory_space<vmem>>) semaphore(%arg24 : memref<!tpu.dma_semaphore, #tpu.memory_space<semaphore_mem>>)
      } else {
      }
      %add3A_1382 = arith.constant 10 : i32
      %add3A_1383 = arith.addi %add3A_318, %add3A_1382 : i32
      %add3A_1384 = arith.constant 8 : i32
      %add3A_1385 = arith.addi %add3A_1383, %add3A_1384 : i32
      %lt3A_1386 = arith.constant 100 : i32
      %lt3A_1387 = arith.cmpi slt, %add3A_1385, %lt3A_1386 : i32
      %convert_element_type3A_1388 = arith.extui %lt3A_1387 : i1 to i32
      %cond3A_1389 = arith.constant 0 : i32
      %cond3A_1390 = arith.cmpi ne, %convert_element_type3A_1388, %cond3A_1389 : i32
      scf.if %cond3A_1390 {
        %add3A_1400 = arith.constant 8 : i32
        %add3A_1401 = arith.addi %add3A_318, %add3A_1400 : i32
        %jit3A_1402 = arith.constant 2 : i32
        %div3A_1403 = arith.divsi %add3A_1401, %jit3A_1402 : i32
        %sign3A_1404 = arith.constant 0 : i32
        %sign3A_1405 = arith.cmpi sgt, %add3A_1401, %sign3A_1404 : i32
        %sign3A_1406 = arith.extui %sign3A_1405 : i1 to i32
        %sign3A_1407 = arith.constant 0 : i32
        %sign3A_1408 = arith.cmpi slt, %add3A_1401, %sign3A_1407 : i32
        %sign3A_1409 = arith.extui %sign3A_1408 : i1 to i32
        %sign3A_1410 = arith.subi %sign3A_1406, %sign3A_1409 : i32
        %sign3A_1411 = arith.constant 0 : i32
        %sign3A_1412 = arith.cmpi sgt, %jit3A_1402, %sign3A_1411 : i32
        %sign3A_1413 = arith.extui %sign3A_1412 : i1 to i32
        %sign3A_1414 = arith.constant 0 : i32
        %sign3A_1415 = arith.cmpi slt, %jit3A_1402, %sign3A_1414 : i32
        %sign3A_1416 = arith.extui %sign3A_1415 : i1 to i32
        %sign3A_1417 = arith.subi %sign3A_1413, %sign3A_1416 : i32
        %ne3A_1418 = arith.cmpi ne, %sign3A_1410, %sign3A_1417 : i32
        %rem3A_1419 = arith.remsi %add3A_1401, %jit3A_1402 : i32
        %ne3A_1420 = arith.constant 0 : i32
        %ne3A_1421 = arith.cmpi ne, %rem3A_1419, %ne3A_1420 : i32
        %and3A_1422 = arith.andi %ne3A_1418, %ne3A_1421 : i1
        %sub3A_1423 = arith.constant 1 : i32
        %sub3A_1424 = arith.subi %div3A_1403, %sub3A_1423 : i32
        %select_n3A_1425 = arith.select %and3A_1422, %sub3A_1424, %div3A_1403 : i32
        %jit3A_1426 = arith.constant 2 : i32
        %eq3A_1427 = arith.constant 0 : i32
        %eq3A_1428 = arith.cmpi eq, %jit3A_1426, %eq3A_1427 : i32
        %jit3A_1429 = arith.constant 1 : i32
        %select_n3A_1430 = arith.select %eq3A_1428, %jit3A_1429, %jit3A_1426 : i32
        %rem3A_1431 = arith.remsi %add3A_1401, %select_n3A_1430 : i32
        %ne3A_1432 = arith.constant 0 : i32
        %ne3A_1433 = arith.cmpi ne, %rem3A_1431, %ne3A_1432 : i32
        %lt3A_1434 = arith.constant 0 : i32
        %lt3A_1435 = arith.cmpi slt, %rem3A_1431, %lt3A_1434 : i32
        %lt3A_1436 = arith.constant 0 : i32
        %lt3A_1437 = arith.cmpi slt, %select_n3A_1430, %lt3A_1436 : i32
        %ne3A_1438 = arith.xori %lt3A_1435, %lt3A_1437 : i1
        %and3A_1439 = arith.andi %ne3A_1438, %ne3A_1433 : i1
        %add3A_1440 = arith.addi %rem3A_1431, %select_n3A_1430 : i32
        %select_n3A_1441 = arith.select %and3A_1439, %add3A_1440, %rem3A_1431 : i32
        %mul3A_1442 = arith.constant 64 : i32
        %mul3A_1443 = arith.muli %select_n3A_1441, %mul3A_1442 : i32
        %add3A_1444 = arith.addi %mul3A_2, %mul3A_1443 : i32
        %dma_wait3A_1445 = arith.constant 0 : i32
        %dma_wait3A_1446 = tpu.memref_slice %arg4[%select_n3A_1425, %add3A_1444, %dma_wait3A_1445] : memref<50x4096x128xf32, #tpu.memory_space<hbm>> -> memref<1x64x128xf32, #tpu.memory_space<hbm>>
        %dma_wait3A_1447 = tpu.memref_squeeze %dma_wait3A_1446 : memref<1x64x128xf32, #tpu.memory_space<hbm>> -> memref<64x128xf32, #tpu.memory_space<hbm>>
        %dma_wait3A_1448 = arith.constant 0 : i32
        %dma_wait3A_1449 = tpu.memref_slice %arg4[%select_n3A_1425, %add3A_1444, %dma_wait3A_1448] : memref<50x4096x128xf32, #tpu.memory_space<hbm>> -> memref<1x64x128xf32, #tpu.memory_space<hbm>>
        %dma_wait3A_1450 = tpu.memref_squeeze %dma_wait3A_1449 : memref<1x64x128xf32, #tpu.memory_space<hbm>> -> memref<64x128xf32, #tpu.memory_space<hbm>>
        tpu.wait_dma2 semaphore(%arg35 : memref<!tpu.dma_semaphore, #tpu.memory_space<semaphore_mem>>) src(%arg15 : memref<64x128xf32, #tpu.memory_space<vmem>>) dst(%dma_wait3A_1450 : memref<64x128xf32, #tpu.memory_space<hbm>>)
        %add3A_1451 = arith.constant 10 : i32
        %add3A_1452 = arith.addi %add3A_318, %add3A_1451 : i32
        %add3A_1453 = arith.constant 8 : i32
        %add3A_1454 = arith.addi %add3A_1452, %add3A_1453 : i32
        %jit3A_1455 = arith.constant 2 : i32
        %div3A_1456 = arith.divsi %add3A_1454, %jit3A_1455 : i32
        %sign3A_1457 = arith.constant 0 : i32
        %sign3A_1458 = arith.cmpi sgt, %add3A_1454, %sign3A_1457 : i32
        %sign3A_1459 = arith.extui %sign3A_1458 : i1 to i32
        %sign3A_1460 = arith.constant 0 : i32
        %sign3A_1461 = arith.cmpi slt, %add3A_1454, %sign3A_1460 : i32
        %sign3A_1462 = arith.extui %sign3A_1461 : i1 to i32
        %sign3A_1463 = arith.subi %sign3A_1459, %sign3A_1462 : i32
        %sign3A_1464 = arith.constant 0 : i32
        %sign3A_1465 = arith.cmpi sgt, %jit3A_1455, %sign3A_1464 : i32
        %sign3A_1466 = arith.extui %sign3A_1465 : i1 to i32
        %sign3A_1467 = arith.constant 0 : i32
        %sign3A_1468 = arith.cmpi slt, %jit3A_1455, %sign3A_1467 : i32
        %sign3A_1469 = arith.extui %sign3A_1468 : i1 to i32
        %sign3A_1470 = arith.subi %sign3A_1466, %sign3A_1469 : i32
        %ne3A_1471 = arith.cmpi ne, %sign3A_1463, %sign3A_1470 : i32
        %rem3A_1472 = arith.remsi %add3A_1454, %jit3A_1455 : i32
        %ne3A_1473 = arith.constant 0 : i32
        %ne3A_1474 = arith.cmpi ne, %rem3A_1472, %ne3A_1473 : i32
        %and3A_1475 = arith.andi %ne3A_1471, %ne3A_1474 : i1
        %sub3A_1476 = arith.constant 1 : i32
        %sub3A_1477 = arith.subi %div3A_1456, %sub3A_1476 : i32
        %select_n3A_1478 = arith.select %and3A_1475, %sub3A_1477, %div3A_1456 : i32
        %jit3A_1479 = arith.constant 2 : i32
        %eq3A_1480 = arith.constant 0 : i32
        %eq3A_1481 = arith.cmpi eq, %jit3A_1479, %eq3A_1480 : i32
        %jit3A_1482 = arith.constant 1 : i32
        %select_n3A_1483 = arith.select %eq3A_1481, %jit3A_1482, %jit3A_1479 : i32
        %rem3A_1484 = arith.remsi %add3A_1454, %select_n3A_1483 : i32
        %ne3A_1485 = arith.constant 0 : i32
        %ne3A_1486 = arith.cmpi ne, %rem3A_1484, %ne3A_1485 : i32
        %lt3A_1487 = arith.constant 0 : i32
        %lt3A_1488 = arith.cmpi slt, %rem3A_1484, %lt3A_1487 : i32
        %lt3A_1489 = arith.constant 0 : i32
        %lt3A_1490 = arith.cmpi slt, %select_n3A_1483, %lt3A_1489 : i32
        %ne3A_1491 = arith.xori %lt3A_1488, %lt3A_1490 : i1
        %and3A_1492 = arith.andi %ne3A_1491, %ne3A_1486 : i1
        %add3A_1493 = arith.addi %rem3A_1484, %select_n3A_1483 : i32
        %select_n3A_1494 = arith.select %and3A_1492, %add3A_1493, %rem3A_1484 : i32
        %mul3A_1495 = arith.constant 64 : i32
        %mul3A_1496 = arith.muli %select_n3A_1494, %mul3A_1495 : i32
        %dma_start3A_1497 = tpu.memref_slice %arg6[%select_n3A_1478, %mul3A_1496] : memref<50x128xi32, #tpu.memory_space<vmem>> -> memref<1x64xi32, #tpu.memory_space<vmem>>
        %dma_start3A_1498 = tpu.memref_squeeze %dma_start3A_1497 : memref<1x64xi32, #tpu.memory_space<vmem>> -> memref<64xi32, #tpu.memory_space<vmem>>
        %dma_start3A_1499 = arith.constant 0 : i32
        %dma_start3A_1500 = arith.constant 0 : i32
        %dma_start3A_1501 = tpu.memref_slice %arg5[%dma_start3A_1499, %dma_start3A_1500] : memref<1000x128xf32, #tpu.memory_space<vmem_shared>> -> memref<1000x128xf32, #tpu.memory_space<vmem_shared>>
        tpu.enqueue_indirect_dma source(%dma_start3A_1501 : memref<1000x128xf32, #tpu.memory_space<vmem_shared>>) target(%arg15 : memref<64x128xf32, #tpu.memory_space<vmem>>) offsets(%dma_start3A_1498 : memref<64xi32, #tpu.memory_space<vmem>>) semaphore(%arg25 : memref<!tpu.dma_semaphore, #tpu.memory_space<semaphore_mem>>)
      } else {
      }
      %add3A_1391 = arith.constant 10 : i32
      %add3A_1392 = arith.addi %add3A_318, %add3A_1391 : i32
      %add3A_1393 = arith.constant 9 : i32
      %add3A_1394 = arith.addi %add3A_1392, %add3A_1393 : i32
      %lt3A_1395 = arith.constant 100 : i32
      %lt3A_1396 = arith.cmpi slt, %add3A_1394, %lt3A_1395 : i32
      %convert_element_type3A_1397 = arith.extui %lt3A_1396 : i1 to i32
      %cond3A_1398 = arith.constant 0 : i32
      %cond3A_1399 = arith.cmpi ne, %convert_element_type3A_1397, %cond3A_1398 : i32
      scf.if %cond3A_1399 {
        %add3A_1400 = arith.constant 9 : i32
        %add3A_1401 = arith.addi %add3A_318, %add3A_1400 : i32
        %jit3A_1402 = arith.constant 2 : i32
        %div3A_1403 = arith.divsi %add3A_1401, %jit3A_1402 : i32
        %sign3A_1404 = arith.constant 0 : i32
        %sign3A_1405 = arith.cmpi sgt, %add3A_1401, %sign3A_1404 : i32
        %sign3A_1406 = arith.extui %sign3A_1405 : i1 to i32
        %sign3A_1407 = arith.constant 0 : i32
        %sign3A_1408 = arith.cmpi slt, %add3A_1401, %sign3A_1407 : i32
        %sign3A_1409 = arith.extui %sign3A_1408 : i1 to i32
        %sign3A_1410 = arith.subi %sign3A_1406, %sign3A_1409 : i32
        %sign3A_1411 = arith.constant 0 : i32
        %sign3A_1412 = arith.cmpi sgt, %jit3A_1402, %sign3A_1411 : i32
        %sign3A_1413 = arith.extui %sign3A_1412 : i1 to i32
        %sign3A_1414 = arith.constant 0 : i32
        %sign3A_1415 = arith.cmpi slt, %jit3A_1402, %sign3A_1414 : i32
        %sign3A_1416 = arith.extui %sign3A_1415 : i1 to i32
        %sign3A_1417 = arith.subi %sign3A_1413, %sign3A_1416 : i32
        %ne3A_1418 = arith.cmpi ne, %sign3A_1410, %sign3A_1417 : i32
        %rem3A_1419 = arith.remsi %add3A_1401, %jit3A_1402 : i32
        %ne3A_1420 = arith.constant 0 : i32
        %ne3A_1421 = arith.cmpi ne, %rem3A_1419, %ne3A_1420 : i32
        %and3A_1422 = arith.andi %ne3A_1418, %ne3A_1421 : i1
        %sub3A_1423 = arith.constant 1 : i32
        %sub3A_1424 = arith.subi %div3A_1403, %sub3A_1423 : i32
        %select_n3A_1425 = arith.select %and3A_1422, %sub3A_1424, %div3A_1403 : i32
        %jit3A_1426 = arith.constant 2 : i32
        %eq3A_1427 = arith.constant 0 : i32
        %eq3A_1428 = arith.cmpi eq, %jit3A_1426, %eq3A_1427 : i32
        %jit3A_1429 = arith.constant 1 : i32
        %select_n3A_1430 = arith.select %eq3A_1428, %jit3A_1429, %jit3A_1426 : i32
        %rem3A_1431 = arith.remsi %add3A_1401, %select_n3A_1430 : i32
        %ne3A_1432 = arith.constant 0 : i32
        %ne3A_1433 = arith.cmpi ne, %rem3A_1431, %ne3A_1432 : i32
        %lt3A_1434 = arith.constant 0 : i32
        %lt3A_1435 = arith.cmpi slt, %rem3A_1431, %lt3A_1434 : i32
        %lt3A_1436 = arith.constant 0 : i32
        %lt3A_1437 = arith.cmpi slt, %select_n3A_1430, %lt3A_1436 : i32
        %ne3A_1438 = arith.xori %lt3A_1435, %lt3A_1437 : i1
        %and3A_1439 = arith.andi %ne3A_1438, %ne3A_1433 : i1
        %add3A_1440 = arith.addi %rem3A_1431, %select_n3A_1430 : i32
        %select_n3A_1441 = arith.select %and3A_1439, %add3A_1440, %rem3A_1431 : i32
        %mul3A_1442 = arith.constant 64 : i32
        %mul3A_1443 = arith.muli %select_n3A_1441, %mul3A_1442 : i32
        %add3A_1444 = arith.addi %mul3A_2, %mul3A_1443 : i32
        %dma_wait3A_1445 = arith.constant 0 : i32
        %dma_wait3A_1446 = tpu.memref_slice %arg4[%select_n3A_1425, %add3A_1444, %dma_wait3A_1445] : memref<50x4096x128xf32, #tpu.memory_space<hbm>> -> memref<1x64x128xf32, #tpu.memory_space<hbm>>
        %dma_wait3A_1447 = tpu.memref_squeeze %dma_wait3A_1446 : memref<1x64x128xf32, #tpu.memory_space<hbm>> -> memref<64x128xf32, #tpu.memory_space<hbm>>
        %dma_wait3A_1448 = arith.constant 0 : i32
        %dma_wait3A_1449 = tpu.memref_slice %arg4[%select_n3A_1425, %add3A_1444, %dma_wait3A_1448] : memref<50x4096x128xf32, #tpu.memory_space<hbm>> -> memref<1x64x128xf32, #tpu.memory_space<hbm>>
        %dma_wait3A_1450 = tpu.memref_squeeze %dma_wait3A_1449 : memref<1x64x128xf32, #tpu.memory_space<hbm>> -> memref<64x128xf32, #tpu.memory_space<hbm>>
        tpu.wait_dma2 semaphore(%arg36 : memref<!tpu.dma_semaphore, #tpu.memory_space<semaphore_mem>>) src(%arg16 : memref<64x128xf32, #tpu.memory_space<vmem>>) dst(%dma_wait3A_1450 : memref<64x128xf32, #tpu.memory_space<hbm>>)
        %add3A_1451 = arith.constant 10 : i32
        %add3A_1452 = arith.addi %add3A_318, %add3A_1451 : i32
        %add3A_1453 = arith.constant 9 : i32
        %add3A_1454 = arith.addi %add3A_1452, %add3A_1453 : i32
        %jit3A_1455 = arith.constant 2 : i32
        %div3A_1456 = arith.divsi %add3A_1454, %jit3A_1455 : i32
        %sign3A_1457 = arith.constant 0 : i32
        %sign3A_1458 = arith.cmpi sgt, %add3A_1454, %sign3A_1457 : i32
        %sign3A_1459 = arith.extui %sign3A_1458 : i1 to i32
        %sign3A_1460 = arith.constant 0 : i32
        %sign3A_1461 = arith.cmpi slt, %add3A_1454, %sign3A_1460 : i32
        %sign3A_1462 = arith.extui %sign3A_1461 : i1 to i32
        %sign3A_1463 = arith.subi %sign3A_1459, %sign3A_1462 : i32
        %sign3A_1464 = arith.constant 0 : i32
        %sign3A_1465 = arith.cmpi sgt, %jit3A_1455, %sign3A_1464 : i32
        %sign3A_1466 = arith.extui %sign3A_1465 : i1 to i32
        %sign3A_1467 = arith.constant 0 : i32
        %sign3A_1468 = arith.cmpi slt, %jit3A_1455, %sign3A_1467 : i32
        %sign3A_1469 = arith.extui %sign3A_1468 : i1 to i32
        %sign3A_1470 = arith.subi %sign3A_1466, %sign3A_1469 : i32
        %ne3A_1471 = arith.cmpi ne, %sign3A_1463, %sign3A_1470 : i32
        %rem3A_1472 = arith.remsi %add3A_1454, %jit3A_1455 : i32
        %ne3A_1473 = arith.constant 0 : i32
        %ne3A_1474 = arith.cmpi ne, %rem3A_1472, %ne3A_1473 : i32
        %and3A_1475 = arith.andi %ne3A_1471, %ne3A_1474 : i1
        %sub3A_1476 = arith.constant 1 : i32
        %sub3A_1477 = arith.subi %div3A_1456, %sub3A_1476 : i32
        %select_n3A_1478 = arith.select %and3A_1475, %sub3A_1477, %div3A_1456 : i32
        %jit3A_1479 = arith.constant 2 : i32
        %eq3A_1480 = arith.constant 0 : i32
        %eq3A_1481 = arith.cmpi eq, %jit3A_1479, %eq3A_1480 : i32
        %jit3A_1482 = arith.constant 1 : i32
        %select_n3A_1483 = arith.select %eq3A_1481, %jit3A_1482, %jit3A_1479 : i32
        %rem3A_1484 = arith.remsi %add3A_1454, %select_n3A_1483 : i32
        %ne3A_1485 = arith.constant 0 : i32
        %ne3A_1486 = arith.cmpi ne, %rem3A_1484, %ne3A_1485 : i32
        %lt3A_1487 = arith.constant 0 : i32
        %lt3A_1488 = arith.cmpi slt, %rem3A_1484, %lt3A_1487 : i32
        %lt3A_1489 = arith.constant 0 : i32
        %lt3A_1490 = arith.cmpi slt, %select_n3A_1483, %lt3A_1489 : i32
        %ne3A_1491 = arith.xori %lt3A_1488, %lt3A_1490 : i1
        %and3A_1492 = arith.andi %ne3A_1491, %ne3A_1486 : i1
        %add3A_1493 = arith.addi %rem3A_1484, %select_n3A_1483 : i32
        %select_n3A_1494 = arith.select %and3A_1492, %add3A_1493, %rem3A_1484 : i32
        %mul3A_1495 = arith.constant 64 : i32
        %mul3A_1496 = arith.muli %select_n3A_1494, %mul3A_1495 : i32
        %dma_start3A_1497 = tpu.memref_slice %arg6[%select_n3A_1478, %mul3A_1496] : memref<50x128xi32, #tpu.memory_space<vmem>> -> memref<1x64xi32, #tpu.memory_space<vmem>>
        %dma_start3A_1498 = tpu.memref_squeeze %dma_start3A_1497 : memref<1x64xi32, #tpu.memory_space<vmem>> -> memref<64xi32, #tpu.memory_space<vmem>>
        %dma_start3A_1499 = arith.constant 0 : i32
        %dma_start3A_1500 = arith.constant 0 : i32
        %dma_start3A_1501 = tpu.memref_slice %arg5[%dma_start3A_1499, %dma_start3A_1500] : memref<1000x128xf32, #tpu.memory_space<vmem_shared>> -> memref<1000x128xf32, #tpu.memory_space<vmem_shared>>
        tpu.enqueue_indirect_dma source(%dma_start3A_1501 : memref<1000x128xf32, #tpu.memory_space<vmem_shared>>) target(%arg16 : memref<64x128xf32, #tpu.memory_space<vmem>>) offsets(%dma_start3A_1498 : memref<64xi32, #tpu.memory_space<vmem>>) semaphore(%arg26 : memref<!tpu.dma_semaphore, #tpu.memory_space<semaphore_mem>>)
      } else {
      }
    }
    %scan3A_223 = arith.constant 10 : i32
    %add3A_224 = arith.constant 0 : i32
    %add3A_225 = arith.addi %mul3A_2, %add3A_224 : i32
    %dma_wait3A_226 = arith.constant 45 : i32
    %dma_wait3A_227 = arith.constant 0 : i32
    %dma_wait3A_228 = tpu.memref_slice %arg4[%dma_wait3A_226, %add3A_225, %dma_wait3A_227] : memref<50x4096x128xf32, #tpu.memory_space<hbm>> -> memref<1x64x128xf32, #tpu.memory_space<hbm>>
    %dma_wait3A_229 = tpu.memref_squeeze %dma_wait3A_228 : memref<1x64x128xf32, #tpu.memory_space<hbm>> -> memref<64x128xf32, #tpu.memory_space<hbm>>
    %dma_wait3A_230 = arith.constant 0 : i32
    %dma_wait3A_231 = tpu.memref_slice %arg4[%dma_wait3A_226, %add3A_225, %dma_wait3A_230] : memref<50x4096x128xf32, #tpu.memory_space<hbm>> -> memref<1x64x128xf32, #tpu.memory_space<hbm>>
    %dma_wait3A_232 = tpu.memref_squeeze %dma_wait3A_231 : memref<1x64x128xf32, #tpu.memory_space<hbm>> -> memref<64x128xf32, #tpu.memory_space<hbm>>
    tpu.wait_dma2 semaphore(%arg27 : memref<!tpu.dma_semaphore, #tpu.memory_space<semaphore_mem>>) src(%arg7 : memref<64x128xf32, #tpu.memory_space<vmem>>) dst(%dma_wait3A_232 : memref<64x128xf32, #tpu.memory_space<hbm>>)
    %add3A_233 = arith.constant 64 : i32
    %add3A_234 = arith.addi %mul3A_2, %add3A_233 : i32
    %dma_wait3A_235 = arith.constant 45 : i32
    %dma_wait3A_236 = arith.constant 0 : i32
    %dma_wait3A_237 = tpu.memref_slice %arg4[%dma_wait3A_235, %add3A_234, %dma_wait3A_236] : memref<50x4096x128xf32, #tpu.memory_space<hbm>> -> memref<1x64x128xf32, #tpu.memory_space<hbm>>
    %dma_wait3A_238 = tpu.memref_squeeze %dma_wait3A_237 : memref<1x64x128xf32, #tpu.memory_space<hbm>> -> memref<64x128xf32, #tpu.memory_space<hbm>>
    %dma_wait3A_239 = arith.constant 0 : i32
    %dma_wait3A_240 = tpu.memref_slice %arg4[%dma_wait3A_235, %add3A_234, %dma_wait3A_239] : memref<50x4096x128xf32, #tpu.memory_space<hbm>> -> memref<1x64x128xf32, #tpu.memory_space<hbm>>
    %dma_wait3A_241 = tpu.memref_squeeze %dma_wait3A_240 : memref<1x64x128xf32, #tpu.memory_space<hbm>> -> memref<64x128xf32, #tpu.memory_space<hbm>>
    tpu.wait_dma2 semaphore(%arg28 : memref<!tpu.dma_semaphore, #tpu.memory_space<semaphore_mem>>) src(%arg8 : memref<64x128xf32, #tpu.memory_space<vmem>>) dst(%dma_wait3A_241 : memref<64x128xf32, #tpu.memory_space<hbm>>)
    %add3A_242 = arith.constant 0 : i32
    %add3A_243 = arith.addi %mul3A_2, %add3A_242 : i32
    %dma_wait3A_244 = arith.constant 46 : i32
    %dma_wait3A_245 = arith.constant 0 : i32
    %dma_wait3A_246 = tpu.memref_slice %arg4[%dma_wait3A_244, %add3A_243, %dma_wait3A_245] : memref<50x4096x128xf32, #tpu.memory_space<hbm>> -> memref<1x64x128xf32, #tpu.memory_space<hbm>>
    %dma_wait3A_247 = tpu.memref_squeeze %dma_wait3A_246 : memref<1x64x128xf32, #tpu.memory_space<hbm>> -> memref<64x128xf32, #tpu.memory_space<hbm>>
    %dma_wait3A_248 = arith.constant 0 : i32
    %dma_wait3A_249 = tpu.memref_slice %arg4[%dma_wait3A_244, %add3A_243, %dma_wait3A_248] : memref<50x4096x128xf32, #tpu.memory_space<hbm>> -> memref<1x64x128xf32, #tpu.memory_space<hbm>>
    %dma_wait3A_250 = tpu.memref_squeeze %dma_wait3A_249 : memref<1x64x128xf32, #tpu.memory_space<hbm>> -> memref<64x128xf32, #tpu.memory_space<hbm>>
    tpu.wait_dma2 semaphore(%arg29 : memref<!tpu.dma_semaphore, #tpu.memory_space<semaphore_mem>>) src(%arg9 : memref<64x128xf32, #tpu.memory_space<vmem>>) dst(%dma_wait3A_250 : memref<64x128xf32, #tpu.memory_space<hbm>>)
    %add3A_251 = arith.constant 64 : i32
    %add3A_252 = arith.addi %mul3A_2, %add3A_251 : i32
    %dma_wait3A_253 = arith.constant 46 : i32
    %dma_wait3A_254 = arith.constant 0 : i32
    %dma_wait3A_255 = tpu.memref_slice %arg4[%dma_wait3A_253, %add3A_252, %dma_wait3A_254] : memref<50x4096x128xf32, #tpu.memory_space<hbm>> -> memref<1x64x128xf32, #tpu.memory_space<hbm>>
    %dma_wait3A_256 = tpu.memref_squeeze %dma_wait3A_255 : memref<1x64x128xf32, #tpu.memory_space<hbm>> -> memref<64x128xf32, #tpu.memory_space<hbm>>
    %dma_wait3A_257 = arith.constant 0 : i32
    %dma_wait3A_258 = tpu.memref_slice %arg4[%dma_wait3A_253, %add3A_252, %dma_wait3A_257] : memref<50x4096x128xf32, #tpu.memory_space<hbm>> -> memref<1x64x128xf32, #tpu.memory_space<hbm>>
    %dma_wait3A_259 = tpu.memref_squeeze %dma_wait3A_258 : memref<1x64x128xf32, #tpu.memory_space<hbm>> -> memref<64x128xf32, #tpu.memory_space<hbm>>
    tpu.wait_dma2 semaphore(%arg30 : memref<!tpu.dma_semaphore, #tpu.memory_space<semaphore_mem>>) src(%arg10 : memref<64x128xf32, #tpu.memory_space<vmem>>) dst(%dma_wait3A_259 : memref<64x128xf32, #tpu.memory_space<hbm>>)
    %add3A_260 = arith.constant 0 : i32
    %add3A_261 = arith.addi %mul3A_2, %add3A_260 : i32
    %dma_wait3A_262 = arith.constant 47 : i32
    %dma_wait3A_263 = arith.constant 0 : i32
    %dma_wait3A_264 = tpu.memref_slice %arg4[%dma_wait3A_262, %add3A_261, %dma_wait3A_263] : memref<50x4096x128xf32, #tpu.memory_space<hbm>> -> memref<1x64x128xf32, #tpu.memory_space<hbm>>
    %dma_wait3A_265 = tpu.memref_squeeze %dma_wait3A_264 : memref<1x64x128xf32, #tpu.memory_space<hbm>> -> memref<64x128xf32, #tpu.memory_space<hbm>>
    %dma_wait3A_266 = arith.constant 0 : i32
    %dma_wait3A_267 = tpu.memref_slice %arg4[%dma_wait3A_262, %add3A_261, %dma_wait3A_266] : memref<50x4096x128xf32, #tpu.memory_space<hbm>> -> memref<1x64x128xf32, #tpu.memory_space<hbm>>
    %dma_wait3A_268 = tpu.memref_squeeze %dma_wait3A_267 : memref<1x64x128xf32, #tpu.memory_space<hbm>> -> memref<64x128xf32, #tpu.memory_space<hbm>>
    tpu.wait_dma2 semaphore(%arg31 : memref<!tpu.dma_semaphore, #tpu.memory_space<semaphore_mem>>) src(%arg11 : memref<64x128xf32, #tpu.memory_space<vmem>>) dst(%dma_wait3A_268 : memref<64x128xf32, #tpu.memory_space<hbm>>)
    %add3A_269 = arith.constant 64 : i32
    %add3A_270 = arith.addi %mul3A_2, %add3A_269 : i32
    %dma_wait3A_271 = arith.constant 47 : i32
    %dma_wait3A_272 = arith.constant 0 : i32
    %dma_wait3A_273 = tpu.memref_slice %arg4[%dma_wait3A_271, %add3A_270, %dma_wait3A_272] : memref<50x4096x128xf32, #tpu.memory_space<hbm>> -> memref<1x64x128xf32, #tpu.memory_space<hbm>>
    %dma_wait3A_274 = tpu.memref_squeeze %dma_wait3A_273 : memref<1x64x128xf32, #tpu.memory_space<hbm>> -> memref<64x128xf32, #tpu.memory_space<hbm>>
    %dma_wait3A_275 = arith.constant 0 : i32
    %dma_wait3A_276 = tpu.memref_slice %arg4[%dma_wait3A_271, %add3A_270, %dma_wait3A_275] : memref<50x4096x128xf32, #tpu.memory_space<hbm>> -> memref<1x64x128xf32, #tpu.memory_space<hbm>>
    %dma_wait3A_277 = tpu.memref_squeeze %dma_wait3A_276 : memref<1x64x128xf32, #tpu.memory_space<hbm>> -> memref<64x128xf32, #tpu.memory_space<hbm>>
    tpu.wait_dma2 semaphore(%arg32 : memref<!tpu.dma_semaphore, #tpu.memory_space<semaphore_mem>>) src(%arg12 : memref<64x128xf32, #tpu.memory_space<vmem>>) dst(%dma_wait3A_277 : memref<64x128xf32, #tpu.memory_space<hbm>>)
    %add3A_278 = arith.constant 0 : i32
    %add3A_279 = arith.addi %mul3A_2, %add3A_278 : i32
    %dma_wait3A_280 = arith.constant 48 : i32
    %dma_wait3A_281 = arith.constant 0 : i32
    %dma_wait3A_282 = tpu.memref_slice %arg4[%dma_wait3A_280, %add3A_279, %dma_wait3A_281] : memref<50x4096x128xf32, #tpu.memory_space<hbm>> -> memref<1x64x128xf32, #tpu.memory_space<hbm>>
    %dma_wait3A_283 = tpu.memref_squeeze %dma_wait3A_282 : memref<1x64x128xf32, #tpu.memory_space<hbm>> -> memref<64x128xf32, #tpu.memory_space<hbm>>
    %dma_wait3A_284 = arith.constant 0 : i32
    %dma_wait3A_285 = tpu.memref_slice %arg4[%dma_wait3A_280, %add3A_279, %dma_wait3A_284] : memref<50x4096x128xf32, #tpu.memory_space<hbm>> -> memref<1x64x128xf32, #tpu.memory_space<hbm>>
    %dma_wait3A_286 = tpu.memref_squeeze %dma_wait3A_285 : memref<1x64x128xf32, #tpu.memory_space<hbm>> -> memref<64x128xf32, #tpu.memory_space<hbm>>
    tpu.wait_dma2 semaphore(%arg33 : memref<!tpu.dma_semaphore, #tpu.memory_space<semaphore_mem>>) src(%arg13 : memref<64x128xf32, #tpu.memory_space<vmem>>) dst(%dma_wait3A_286 : memref<64x128xf32, #tpu.memory_space<hbm>>)
    %add3A_287 = arith.constant 64 : i32
    %add3A_288 = arith.addi %mul3A_2, %add3A_287 : i32
    %dma_wait3A_289 = arith.constant 48 : i32
    %dma_wait3A_290 = arith.constant 0 : i32
    %dma_wait3A_291 = tpu.memref_slice %arg4[%dma_wait3A_289, %add3A_288, %dma_wait3A_290] : memref<50x4096x128xf32, #tpu.memory_space<hbm>> -> memref<1x64x128xf32, #tpu.memory_space<hbm>>
    %dma_wait3A_292 = tpu.memref_squeeze %dma_wait3A_291 : memref<1x64x128xf32, #tpu.memory_space<hbm>> -> memref<64x128xf32, #tpu.memory_space<hbm>>
    %dma_wait3A_293 = arith.constant 0 : i32
    %dma_wait3A_294 = tpu.memref_slice %arg4[%dma_wait3A_289, %add3A_288, %dma_wait3A_293] : memref<50x4096x128xf32, #tpu.memory_space<hbm>> -> memref<1x64x128xf32, #tpu.memory_space<hbm>>
    %dma_wait3A_295 = tpu.memref_squeeze %dma_wait3A_294 : memref<1x64x128xf32, #tpu.memory_space<hbm>> -> memref<64x128xf32, #tpu.memory_space<hbm>>
    tpu.wait_dma2 semaphore(%arg34 : memref<!tpu.dma_semaphore, #tpu.memory_space<semaphore_mem>>) src(%arg14 : memref<64x128xf32, #tpu.memory_space<vmem>>) dst(%dma_wait3A_295 : memref<64x128xf32, #tpu.memory_space<hbm>>)
    %add3A_296 = arith.constant 0 : i32
    %add3A_297 = arith.addi %mul3A_2, %add3A_296 : i32
    %dma_wait3A_298 = arith.constant 49 : i32
    %dma_wait3A_299 = arith.constant 0 : i32
    %dma_wait3A_300 = tpu.memref_slice %arg4[%dma_wait3A_298, %add3A_297, %dma_wait3A_299] : memref<50x4096x128xf32, #tpu.memory_space<hbm>> -> memref<1x64x128xf32, #tpu.memory_space<hbm>>
    %dma_wait3A_301 = tpu.memref_squeeze %dma_wait3A_300 : memref<1x64x128xf32, #tpu.memory_space<hbm>> -> memref<64x128xf32, #tpu.memory_space<hbm>>
    %dma_wait3A_302 = arith.constant 0 : i32
    %dma_wait3A_303 = tpu.memref_slice %arg4[%dma_wait3A_298, %add3A_297, %dma_wait3A_302] : memref<50x4096x128xf32, #tpu.memory_space<hbm>> -> memref<1x64x128xf32, #tpu.memory_space<hbm>>
    %dma_wait3A_304 = tpu.memref_squeeze %dma_wait3A_303 : memref<1x64x128xf32, #tpu.memory_space<hbm>> -> memref<64x128xf32, #tpu.memory_space<hbm>>
    tpu.wait_dma2 semaphore(%arg35 : memref<!tpu.dma_semaphore, #tpu.memory_space<semaphore_mem>>) src(%arg15 : memref<64x128xf32, #tpu.memory_space<vmem>>) dst(%dma_wait3A_304 : memref<64x128xf32, #tpu.memory_space<hbm>>)
    %add3A_305 = arith.constant 64 : i32
    %add3A_306 = arith.addi %mul3A_2, %add3A_305 : i32
    %dma_wait3A_307 = arith.constant 49 : i32
    %dma_wait3A_308 = arith.constant 0 : i32
    %dma_wait3A_309 = tpu.memref_slice %arg4[%dma_wait3A_307, %add3A_306, %dma_wait3A_308] : memref<50x4096x128xf32, #tpu.memory_space<hbm>> -> memref<1x64x128xf32, #tpu.memory_space<hbm>>
    %dma_wait3A_310 = tpu.memref_squeeze %dma_wait3A_309 : memref<1x64x128xf32, #tpu.memory_space<hbm>> -> memref<64x128xf32, #tpu.memory_space<hbm>>
    %dma_wait3A_311 = arith.constant 0 : i32
    %dma_wait3A_312 = tpu.memref_slice %arg4[%dma_wait3A_307, %add3A_306, %dma_wait3A_311] : memref<50x4096x128xf32, #tpu.memory_space<hbm>> -> memref<1x64x128xf32, #tpu.memory_space<hbm>>
    %dma_wait3A_313 = tpu.memref_squeeze %dma_wait3A_312 : memref<1x64x128xf32, #tpu.memory_space<hbm>> -> memref<64x128xf32, #tpu.memory_space<hbm>>
    tpu.wait_dma2 semaphore(%arg36 : memref<!tpu.dma_semaphore, #tpu.memory_space<semaphore_mem>>) src(%arg16 : memref<64x128xf32, #tpu.memory_space<vmem>>) dst(%dma_wait3A_313 : memref<64x128xf32, #tpu.memory_space<hbm>>)
    return
  }
}

</mosaic_0001>

<sc_bundles>
// kernel: _lookup.3.cloned.1.call-start
scs
__scs_entry_jumppad:
0x0: {  	(pc) =	sbr.rel $0x88, $3  }
0x1: {  	(tag) =	ssettag $0x0;
	lr =	simm.s32 $0x1  }
0x2: {  	[smem:$0x3F9F] =	sst lr;
	_ =	strace $0xD0000000  }
0x3: {  	_ = 	snop  }
0x4: {  	_ = 	snop  }
0x5: {  	_ = 	snop  }
0x6: {  	_ = 	snop  }
0x7: {  	_ = 	snop  }
__scs_overlays_trampoline_lowered:
0x8: {  	[smem:$0x3FAE] =	sst s0  }
0x9: {  	[smem:$0x3FAF] =	sst s1  }
0xa: {  	[smem:$0x3FB0] =	sst s2  }
0xb: {  	[smem:$0x3FB1] =	sst s3  }
0xc: {  	[smem:$0x3FB2] =	sst s4  }
0xd: {  	[smem:$0x3FB3] =	sst s5  }
0xe: {  	[smem:$0x3FB4] =	sst s6  }
0xf: {  	[smem:$0x3FB5] =	sst s7  }
0x10: {  	[smem:$0x3FB6] =	sst s8  }
0x11: {  	[smem:$0x3FB7] =	sst s9;
	s0 =	simm.s32 @!p0 $0x0  }
0x12: {  	s1 =	sld [smem:$0x3F9D];
	s0 =	simm.s32 @p0 $0x1  }
0x13: {  	[smem:$0x3FB8] =	sst s0;
	s0 =	simm.s32 @!p1 $0x0  }
0x14: {  	s2 =	sld [smem:$0x3F9C];
	s0 =	simm.s32 @p1 $0x1  }
0x15: {  	[smem:$0x3FB9] =	sst s0;
	s0 =	simm.s32 @!p2 $0x0  }
0x16: {  	s3 =	sld [smem:$0x3FDB];
	s0 =	simm.s32 @p2 $0x1  }
0x17: {  	s4 =	simm.s32 $0x1BF5;
	[smem:$0x3FBB] =	sst s0  }
0x18: {  	s0 =	sld [smem:$0x3F9E];
	_ =	swait.ge [sflag:s4], $0x0  }
0x19: {  	s7 =	sld [smem:$0x3F9F]  }
0x1a: {  	s8 =	sadd.s32 $0xFFFFE003, lr  }
0x1b: {  	s9 =	sadd.s32 $0xFFFFFEF7, lr;
	s5 =	simm.s32 $0xFFFFFFFF;
	p2 =	slt.u32 s8, $0xFFFFF086  }
0x1c: {  	p1 =	slt.u32 s9, $0xF7A;
	s5 =	simm.s32 @!p2 $0x0  }
0x1d: {  	s5 =	simm.s32 @p1 $0x1;
	p0 =	seq.s32 s7, s2  }
0x1e: {  	s7 =	smul.u32 @!p0 $0xF7A, s2;
	p2 =	seq.s32 @!p0 s5, $0x0  }
0x1f: {  	s9 =	smul.u32 $0xF7A, s1;
	s8 =	simm.s32 @!p0 $0x1BF5;
	p2 =	por !p2, p0  }
0x20: {  	[sflag:s8] =	ssyncset.s32 @!p0 $0xFFFFF086;
	s6 =	sadd.s32 @!p0 s3, s7;
	s7 =	simm.s32 @!p0 $0x108  }
0x21: {  	s3 =	sadd.s32 s3, s9;
	s6 =	sadd.s32 @!p0 $0x88, s6;
	s7 =	simm.s32 @p2 $0x1082  }
0x22: {  	[simem:s7], [sflag:s8] =	dma.local @!p0 [hbm:s6], $0xF7A  }
0x23: {  	s9 =	sor.u32 $0xD0000000, s2;
	s6 =	simm.s32 $0x108;
	_ =	swait.ge @!p0 [sflag:s8], $0x0  }
0x24: {  	s3 =	sadd.s32 $0x88, s3;
	s6 =	simm.s32 @!p1 $0x1082;
	[sflag:s4] =	ssyncset.s32 $0xFFFFF086  }
0x25: {  	[simem:s6], [sflag:s4] =	dma.local [hbm:s3], $0xF7A  }
0x26: {  	[smem:$0x3F9F] =	sst s1;
	(tag) =	ssettag s2;
	_ =	strace s9  }
0x27: {  	s1 =	sld [smem:$0x3FAF]  }
0x28: {  	s2 =	sld [smem:$0x3FB0]  }
0x29: {  	s4 =	sld [smem:$0x3FB2]  }
0x2a: {  	p0 =	seq.s32 s5, $0x0;
	s5 =	sld [smem:$0x3FB3]  }
0x2b: {  	s6 =	sld [smem:$0x3FB4]  }
0x2c: {  	s7 =	sld [smem:$0x3FB5]  }
0x2d: {  	s3 =	simm.s32 $0x108;
	s8 =	sld [smem:$0x3FB6]  }
0x2e: {  	s3 =	simm.s32 @!p0 $0x1082;
	s9 =	sld [smem:$0x3FB7]  }
0x2f: {  	lr =	sadd.s32 s0, s3;
	s0 =	sld [smem:$0x3FAE]  }
0x30: {  	s3 =	sld [smem:$0x3FB1]  }
0x31: {  	[smem:$0x3FBA] =	sst s10  }
0x32: {  	s10 =	sld [smem:$0x3FB8];
	_ =	sdelay $0x3  }
0x33: {  	p0 =	seq.s32 s10, $0x1;
	s10 =	sld [smem:$0x3FBA];
	_ =	sdelay $0x3  }
0x34: {  	[smem:$0x3FBA] =	sst s10  }
0x35: {  	s10 =	sld [smem:$0x3FB9];
	_ =	sdelay $0x3  }
0x36: {  	p1 =	seq.s32 s10, $0x1;
	s10 =	sld [smem:$0x3FBA];
	_ =	sdelay $0x3  }
0x37: {  	[smem:$0x3FBA] =	sst s10  }
0x38: {  	s10 =	sld [smem:$0x3FBB]  }
0x39: {  	_ = 	snop;
	(pc) =	sbr.ind lr, $3  }
0x3a: {  	_ = 	snop  }
0x3b: {  	_ = 	snop  }
0x3c: {  	p2 =	seq.s32 s10, $0x1;
	s10 =	sld [smem:$0x3FBA]  }
0x3d: {  	_ =	shalt  }
0x3e: {  	_ =	shalt  }
0x3f: {  	_ =	shalt  }
0x40: {  	_ =	shalt  }
0x41: {  	_ =	shalt  }
0x42: {  	_ =	shalt  }
0x43: {  	_ =	shalt  }
0x44: {  	_ =	shalt  }
0x45: {  	_ =	shalt  }
0x46: {  	_ =	shalt  }
0x47: {  	_ =	shalt  }
0x48: {  	_ =	shalt  }
0x49: {  	_ =	shalt  }
0x4a: {  	_ =	shalt  }
0x4b: {  	_ =	shalt  }
0x4c: {  	_ =	shalt  }
0x4d: {  	_ =	shalt  }
0x4e: {  	_ =	shalt  }
0x4f: {  	_ =	shalt  }
0x50: {  	_ =	shalt  }
0x51: {  	_ =	shalt  }
0x52: {  	_ =	shalt  }
0x53: {  	_ =	shalt  }
0x54: {  	_ =	shalt  }
0x55: {  	_ =	shalt  }
0x56: {  	_ =	shalt  }
0x57: {  	_ =	shalt  }
0x58: {  	_ =	shalt  }
0x59: {  	_ =	shalt  }
0x5a: {  	_ =	shalt  }
0x5b: {  	_ =	shalt  }
0x5c: {  	_ =	shalt  }
0x5d: {  	_ =	shalt  }
0x5e: {  	_ =	shalt  }
0x5f: {  	_ =	shalt  }
0x60: {  	_ =	shalt  }
0x61: {  	_ =	shalt  }
0x62: {  	_ =	shalt  }
0x63: {  	_ =	shalt  }
0x64: {  	_ =	shalt  }
0x65: {  	_ =	shalt  }
0x66: {  	_ =	shalt  }
0x67: {  	_ =	shalt  }
0x68: {  	_ =	shalt  }
0x69: {  	_ =	shalt  }
0x6a: {  	_ =	shalt  }
0x6b: {  	_ =	shalt  }
0x6c: {  	_ =	shalt  }
0x6d: {  	_ =	shalt  }
0x6e: {  	_ =	shalt  }
0x6f: {  	_ =	shalt  }
0x70: {  	_ =	shalt  }
0x71: {  	_ =	shalt  }
0x72: {  	_ =	shalt  }
0x73: {  	_ =	shalt  }
0x74: {  	_ =	shalt  }
0x75: {  	_ =	shalt  }
0x76: {  	_ =	shalt  }
0x77: {  	_ =	shalt  }
0x78: {  	_ =	shalt  }
0x79: {  	_ =	shalt  }
0x7a: {  	_ =	shalt  }
0x7b: {  	_ =	shalt  }
0x7c: {  	_ =	shalt  }
0x7d: {  	_ =	shalt  }
0x7e: {  	_ =	shalt  }
0x7f: {  	_ =	shalt  }
0x80: {  	_ =	shalt  }
0x81: {  	_ =	shalt  }
0x82: {  	_ =	shalt  }
0x83: {  	_ =	shalt  }
0x84: {  	_ =	shalt  }
0x85: {  	_ =	shalt  }
0x86: {  	_ =	shalt  }
0x87: {  	_ =	shalt  }
.Lfunc_end0:
.L_simem_size_0:
called_computation_lowered:
.L_overlay_start_0:
0x88: {  	s2 =	sld [smem:$0x3FD9]  }
0x89: {  	s3 =	sld [smem:$0x3FFE];
	_ =	sdelay $0x1  }
0x8a: {  	s1 =	srdreg.scid  }
0x8b: {  	s0 =	sand.u32 $0x1, s1  }
0x8c: {  	s18 =	sshll.u32 s0, $0xA;
	s2 =	sadd.s32 s3, s2  }
0x8d: {  	s2 =	sadd.s32 s2, s18  }
0x8e: {  	[smem:$0x3FC6] =	sst s2  }
0x8f: {  	_ = 	snop  }
0x90: {  	s2 =	sld [smem:$0x3FC9]  }
0x91: {  	s19 =	sld [smem:$0x3FC8]  }
0x92: {  	s4 =	sld [smem:$0x3FD0];
	(tm) =	ssettm $0x1  }
0x93: {  	s5 =	sld [smem:$0x3FFB];
	_ =	sdelay $0x3  }
0x94: {  	_ =	strace s5  }
0x95: {  	s5 =	sld [smem:$0x3FFC];
	_ =	sdelay $0x3  }
0x96: {  	_ =	strace s5  }
0x97: {  	s5 =	sld [smem:$0x3FFD];
	_ =	sdelay $0x3  }
0x98: {  	_ =	strace s5  }
0x99: {  	_ =	strace $0x8FFFFFFF  }
0x9a: {  	s20 =	sld [smem:$0x3FDB];
	_ =	sdelay $0x1  }
0x9b: {  	s6 =	simm.s32 $_scs_section_size  }
0x9c: {  	s7 =	simm.s32 $_size__tile_overlayer_lowered;
	s8 =	simm.s32 $_tile_overlayer_lowered  }
0x9d: {  	s23 =	simm.s32 $0x1BFF;
	s22 =	sshll.u32 s8, $0x1;
	s5 =	sadd.s32 s6, s20  }
0x9e: {  	s9 =	simm.s32 $0x0;
	s21 =	sshll.u32 s7, $0x1;
	s7 =	sadd.s32 s22, s5  }
0x9f: {  	[timem:s9], [sflag:s23] =	dma.local [hbm:s7], s21  }
0xa0: {  	_ =	swait.ge [sflag:s23], s21  }
0xa1: {  	s6 =	ssub.s32 $0x0, s21;
	[sflag:s23] =	ssyncset.done $0x0  }
0xa2: {  	[sflag:s23] =	ssyncadd.s32 s6;
	_ =	sdelay $0x1  }
0xa3: {  	s24 =	simm.s32 $0x1B8B  }
0xa4: {  	_ =	swait.ge [sflag:s24], $0x1  }
0xa5: {  	[sflag:s24] =	ssyncset.done $0x0  }
0xa6: {  	s25 =	simm.s32 $0x1B8E;
	[sflag:s24] =	ssyncadd.s32 $0xFFFFFFFF  }
0xa7: {  	s26 =	simm.s32 $execute0_lowered;
	[smem:$0x3FD2] =	sst s25  }
0xa8: {  	s6 =	sshll.u32 s26, $0x1;
	_ =	strace $0x80000046;
	[dreg:$0x1] =	wrdreg $0xFFFFFFFF  }
0xa9: {  	s28 =	simm.s32 $_size_execute0_lowered;
	s5 =	sadd.s32 s5, s6;
	[dreg:$0x0] =	wrdreg $0x0  }
0xaa: {  	s6 =	sshll.u32 s28, $0x1;
	[dreg:$0x2] =	wrdreg s5  }
0xab: {  	[dreg:$0x3] =	wrdreg s6  }
0xac: {  	[dreg:$0x4] =	wrdreg $0xC0  }
0xad: {  	_ =	task [dreg:s9], $0x5FFFF  }
0xae: {  	[dreg:$0x1] =	wrdreg $0xFFFFFFFF  }
0xaf: {  	[dreg:$0x0] =	wrdreg $0x60  }
0xb0: {  	[dreg:$0x2] =	wrdreg s2  }
0xb1: {  	[dreg:$0x3] =	wrdreg s19  }
0xb2: {  	[dreg:$0x4] =	wrdreg s4  }
0xb3: {  	[dreg:$0x5] =	wrdreg $0x0  }
0xb4: {  	[dreg:$0x6] =	wrdreg $0x9  }
0xb5: {  	_ =	task.clear_ibuf [dreg:s9], $0x7FFFF;
	_ =	strace $0x90000046  }
0xb6: {  	s29 =	simm.s32 $0x9;
	_ =	strace $0x80000048  }
0xb7: {  	_ =	swait.ge [sflag:s29], $0x1  }
0xb8: {  	[sflag:s29] =	ssyncadd.s32 $0xFFFFFFFF  }
0xb9: {  	_ =	strace $0x90000048  }
0xba: {  	_ =	sfence  }
0xbb: {  	s30 =	sld [smem:$0x0];
	_ =	sdelay $0x2  }
0xbc: {  	s31 =	sshll.u32 s1, $0xD;
	s1 =	sshrl.u32 s1, $0x2  }
0xbd: {  	s3 =	sand.u32 $0x4000, s31;
	s1 =	sadd.s32 s1, s30  }
0xbe: {  	s0 =	sor.u32 s3, s0;
	s1 =	sshll.u32 s1, $0x11  }
0xbf: {  	s0 =	sor.u32 s1, s0  }
0xc0: {  	s0 =	sadd.s32 $0x8F2B, s0  }
0xc1: {  	[sflag:s0] =	ssyncadd.remote.s32 $0x1  }
0xc2: {  	_ =	sfence.sel $0xFFFF  }
0xc3: {  	[dreg:$0x0] =	wrdreg $0xFFFFFFFF;
	(pc) =	sbr.abs _section_cstart, $3  }
0xc4: {  	[dreg:$0x1] =	wrdreg $0xFFFFFFFF  }
0xc5: {  	_ =	task.clear_ibuf [dreg:s9], $0x2FFFF;
	_ =	strace $0x9FFFFFFF  }
0xc6: {  	(tm) =	ssettm $0x7FFFFFFF  }
0xc7: {  	_ =	shalt  }
tec
execute0_lowered:
.L_overlay_start_1:
0x0: {  	(tag) =	ssettag $0x1  }
0x1: {  	s0 =	rddreg [dreg:$0x0]  }
0x2: {  	s1 =	rddreg [dreg:$0x1]  }
0x3: {  	s2 =	rddreg [dreg:$0x3];
	s4 =	simm.s32 $0x0;
	s3 =	srdreg.scid  }
0x4: {  	s16 =	stileid.u32;
	s28 =	simm.s32 $0x5B40;
	s29 =	simm.s32 $0x7B40  }
0x5: {  	s30 =	simm.s32 $0x9B40;
	s31 =	simm.s32 $0xBB40;
	[smem:$0x7FF] =	sst s4  }
0x6: {  	s3 =	sand.u32 $0x1, s3;
	s6 =	sshll.u32 s16, $0x8;
	s18 =	sshll.u32 s16, $0xA  }
0x7: {  	p2 =	seq.s32 s16, $0xF;
	s5 =	ssub.s32 $0x2, s3;
	s7 =	sshll.u32 s3, $0x7  }
0x8: {  	s3 =	sshll.u32 s3, $0xE;
	s8 =	sshrl.u32 s5, $0x1;
	s6 =	sor.u32 s7, s6  }
0x9: {  	s7 =	sshll.u32 s16, $0x6;
	s5 =	ssub.s32 s5, s8;
	s17 =	sadd.s32 s0, s6  }
0xa: {  	s0 =	sor.u32 $0x8, s7;
	s6 =	sshll.u32 s16, $0xF;
	s8 =	sadd.s32 s1, s18  }
0xb: {  	s20 =	sor.u32 $0x10, s7;
	s10 =	sor.u32 $0x18, s7;
	s11 =	sor.u32 $0x20, s7  }
0xc: {  	s24 =	sor.u32 $0x28, s7;
	s13 =	sor.u32 $0x30, s7;
	s14 =	sor.u32 $0x38, s7  }
0xd: {  	s7 =	sor.u32 $0x1C01, s7;
	s16 =	simm.s32 $0x8;
	s9 =	sshll.u32 s0, $0x4  }
0xe: {  	[dreg:$0x6] =	wrdreg s8;
	s21 =	sshll.u32 s20, $0x4;
	s22 =	sshll.u32 s10, $0x4  }
0xf: {  	s12 =	sshll.u32 s11, $0x4;
	s25 =	sshll.u32 s24, $0x4;
	s26 =	sshll.u32 s13, $0x4  }
0x10: {  	s15 =	sshll.u32 s14, $0x4;
	s18 =	sshrl.u32 s6, $0x2;
	s0 =	sshll.u32 s0, $0x7  }
0x11: {  	s3 =	sor.u32 s3, s6;
	p0 =	sgt.u32 s13, $0x3E7;
	s5 =	smax.u32 s5, $0x1  }
0x12: {  	p1 =	sgt.u32 s14, $0x3E7;
	s19 =	sadd.s32 s1, s9;
	s9 =	sadd.s32 s1, s21  }
0x13: {  	s23 =	sadd.s32 s1, s12;
	s12 =	sadd.s32 s1, s25;
	[dreg:$0x7] =	wrdreg s19  }
0x14: {  	s0 =	sadd.s32 s0, s2;
	s21 =	sshll.u32 s11, $0x7;
	[dreg:$0x8] =	wrdreg s9  }
0x15: {  	s25 =	sor.u32 $0x200000, s3;
	s9 =	sadd.s32 s1, s22;
	[dreg:$0xa] =	wrdreg s23  }
0x16: {  	[dreg:$0xb] =	wrdreg s12;
	s12 =	sadd.s32 s1, s26;
	s1 =	sadd.s32 s1, s15  }
0x17: {  	s19 =	sshll.u32 s20, $0x7;
	s20 =	sshll.u32 s10, $0x7;
	s10 =	sadd.s32 s21, s2  }
0x18: {  	s22 =	sshll.u32 s13, $0x7;
	s23 =	sshll.u32 s14, $0x7;
	[dreg:$0x9] =	wrdreg s9  }
0x19: {  	s26 =	sshrl.u32 s25, $0x3;
	s13 =	sor.u32 $0x180000, s3;
	[dreg:$0xc] =	wrdreg s12  }
0x1a: {  	s14 =	sor.u32 $0x102000, s3;
	s0 =	sshrl.u32 s0, $0x3;
	[dreg:$0xd] =	wrdreg s1  }
0x1b: {  	s1 =	sadd.s32 s18, s2;
	s8 =	sadd.s32 s20, s2;
	s9 =	sshll.u32 s24, $0x7  }
0x1c: {  	s6 =	sadd.s32 s22, s2;
	_ =	strace $0x80000047;
	[dreg:$0xe] =	wrdreg s7  }
0x1d: {  	s11 =	sadd.s32 s23, s2;
	s24 =	sor.u32 $0x202000, s3;
	[dreg:$0xf] =	wrdreg s5  }
0x1e: {  	s12 =	sor.u32 $0x182000, s3;
	s15 =	sshrl.u32 s14, $0x3;
	[dreg:$0x11] =	wrdreg s26  }
0x1f: {  	s18 =	sor.u32 $0x100000, s3;
	s20 =	sor.u32 $0x80000, s3;
	[dreg:$0x14] =	wrdreg s15  }
0x20: {  	s22 =	sor.u32 $0x2000, s3;
	s25 =	sshrl.u32 s10, $0x3;
	[dreg:$0x1b] =	wrdreg s0  }
0x21: {  	s14 =	simm.s32 $0x7;
	s10 =	simm.s32 $0x13;
	[dreg:$0x1e] =	wrdreg s25  }
0x22: {  	s7 =	sadd.s32 s19, s2;
	s5 =	sshrl.u32 s24, $0x3;
	[dreg:$0x5] =	wrdreg s17  }
0x23: {  	s9 =	sadd.s32 s9, s2;
	s21 =	sshrl.u32 s20, $0x3;
	[dreg:$0x10] =	wrdreg s5  }
0x24: {  	s19 =	sor.u32 $0x82000, s3;
	s3 =	sshrl.u32 s3, $0x3;
	[dreg:$0x17] =	wrdreg s21  }
0x25: {  	s1 =	sshrl.u32 s1, $0x3;
	s24 =	sshrl.u32 s8, $0x3;
	[dreg:$0x19] =	wrdreg s3  }
0x26: {  	s26 =	sadd.s32 $0x6000, s17;
	s17 =	simm.s32 $0x9;
	[dreg:$0x1a] =	wrdreg s1  }
0x27: {  	s20 =	simm.s32 $0xD;
	s25 =	simm.s32 $0x12;
	[dreg:$0x1d] =	wrdreg s24  }
0x28: {  	s5 =	sshrl.u32 s12, $0x3;
	s23 =	sshrl.u32 s7, $0x3;
	[smem:$0x7FD] =	sst s26  }
0x29: {  	s0 =	sshrl.u32 @!p2 s9, $0x3;
	s9 =	simm.s32 $0x40;
	[dreg:$0x12] =	wrdreg s5  }
0x2a: {  	s21 =	simm.s32 $0xE;
	s24 =	simm.s32 $0x11;
	[dreg:$0x1c] =	wrdreg s23  }
0x2b: {  	s5 =	sshrl.u32 s13, $0x3;
	[dreg:$0x1f] =	wrdreg s0;
	s0 =	sshrl.u32 @!p0 s6, $0x3  }
0x2c: {  	s23 =	simm.s32 $0x10;
	[dreg:$0x13] =	wrdreg s5;
	s5 =	sshrl.u32 s18, $0x3  }
.Ltmp0:
0x2d: {  	[smem:$0x7FB] =	sst s0;
	s0 =	sshrl.u32 @!p1 s11, $0x3;
	(pc) =	sbr.rel .LBB2_1-.Ltmp0, $4  }
0x2e: {  	s18 =	simm.s32 $0xA;
	s11 =	simm.s32 $0x14;
	[dreg:$0x15] =	wrdreg s5  }
0x2f: {  	s5 =	sshrl.u32 s19, $0x3;
	[smem:$0x7FC] =	sst s0;
	s19 =	simm.s32 $0xC  }
0x30: {  	s0 =	simm.s32 $0x0;
	[dreg:$0x16] =	wrdreg s5;
	s5 =	sshrl.u32 s22, $0x3  }
0x31: {  	s22 =	simm.s32 $0xF;
	[dreg:$0x18] =	wrdreg s5;
	s5 =	simm.s32 $0x1  }
.LBB2_4:
0x32: {  	_ =	swait.ge [sflag:s19], $0x2000  }
0x33: {  	[sflag:s19] =	ssyncset.done $0x0  }
0x34: {  	[sflag:s19] =	ssyncadd.s32 $0xFFFFE000  }
0x35: {  	_ =	swait.ge [sflag:s20], $0x2000  }
0x36: {  	[sflag:s20] =	ssyncset.done $0x0  }
0x37: {  	[sflag:s20] =	ssyncadd.s32 $0xFFFFE000  }
0x38: {  	_ =	swait.ge [sflag:s21], $0x2000  }
0x39: {  	[sflag:s21] =	ssyncset.done $0x0  }
0x3a: {  	[sflag:s21] =	ssyncadd.s32 $0xFFFFE000  }
0x3b: {  	_ =	swait.ge [sflag:s22], $0x2000  }
0x3c: {  	[sflag:s22] =	ssyncset.done $0x0  }
0x3d: {  	[sflag:s22] =	ssyncadd.s32 $0xFFFFE000  }
0x3e: {  	_ =	swait.ge [sflag:s23], $0x2000  }
0x3f: {  	[sflag:s23] =	ssyncset.done $0x0  }
0x40: {  	[sflag:s23] =	ssyncadd.s32 $0xFFFFE000  }
0x41: {  	_ =	swait.ge [sflag:s24], $0x2000  }
0x42: {  	[sflag:s24] =	ssyncset.done $0x0  }
0x43: {  	[sflag:s24] =	ssyncadd.s32 $0xFFFFE000  }
0x44: {  	_ =	swait.ge [sflag:s25], $0x2000  }
0x45: {  	[sflag:s25] =	ssyncset.done $0x0  }
0x46: {  	[sflag:s25] =	ssyncadd.s32 $0xFFFFE000  }
0x47: {  	_ =	swait.ge [sflag:s10], $0x2000  }
0x48: {  	[sflag:s10] =	ssyncset.done $0x0  }
0x49: {  	[sflag:s10] =	ssyncadd.s32 $0xFFFFE000  }
0x4a: {  	_ =	swait.ge [sflag:s11], $0x2000  }
0x4b: {  	s0 =	sld [smem:$0x7FA];
	_ =	sdelay $0x2  }
0x4c: {  	s12 =	rddreg [dreg:$0xf];
	s0 =	sadd.s32 $0x1, s0  }
0x4d: {  	p3 =	sne.s32 s0, s12  }
.Ltmp1:
0x4e: {  	_ = 	snop;
	(pc) =	sbr.rel @!p3 .LBB2_5-.Ltmp1, $3  }
0x4f: {  	_ =	sdelay $0x1  }
0x50: {  	s28 =	simm.s32 $0x5B40;
	s29 =	simm.s32 $0x7B40;
	[sflag:s11] =	ssyncset.done $0x0  }
0x51: {  	s30 =	simm.s32 $0x9B40;
	s31 =	simm.s32 $0xBB40;
	[sflag:s11] =	ssyncadd.s32 $0xFFFFE000  }
.LBB2_1:
0x52: {  	[smem:$0x7FA] =	sst s0  }
0x53: {  	s12 =	rddreg [dreg:$0x5]  }
0x54: {  	s1 =	sld [smem:$0x7FD]  }
0x55: {  	s13 =	simm.s32 $0x400;
	s6 =	rddreg [dreg:$0x6]  }
0x56: {  	s15 =	simm.s32 $0x8000;
	s26 =	simm.s32 $0x1F40;
	s7 =	rddreg [dreg:$0x1a]  }
0x57: {  	[tilespmem:s26], [sflag:$0xB] =	stream.strided.gather [hbm4b:s12+s13], $0x1800, s15, s13, $0x38;
	[tilespmem:$0x17B40] =	vst v63  }
0x58: {  	s3 =	simm.s32 $0x3740;
	s13 =	rddreg [dreg:$0xe]  }
0x59: {  	[tilespmem:s3], [sflag:$0xB] =	stream.linear.gather [hbm4b:s1+s4], $0x100, $0x38;
	[tilespmem:$0x17B40] =	vst v63  }
0x5a: {  	[spmem:s7], [sflag:s13] =	dma.local [hbm:s6], $0x80  }
0x5b: {  	s12 =	rddreg [dreg:$0x7]  }
0x5c: {  	s15 =	rddreg [dreg:$0x1b]  }
0x5d: {  	[spmem:s15], [sflag:s13] =	dma.local [hbm:s12], $0x80  }
0x5e: {  	s12 =	rddreg [dreg:$0x8]  }
0x5f: {  	s15 =	rddreg [dreg:$0x1c]  }
0x60: {  	[spmem:s15], [sflag:s13] =	dma.local [hbm:s12], $0x80  }
0x61: {  	s12 =	rddreg [dreg:$0x9]  }
0x62: {  	s15 =	rddreg [dreg:$0x1d]  }
0x63: {  	[spmem:s15], [sflag:s13] =	dma.local [hbm:s12], $0x80  }
0x64: {  	s12 =	rddreg [dreg:$0xa]  }
0x65: {  	s15 =	rddreg [dreg:$0x1e]  }
0x66: {  	[spmem:s15], [sflag:s13] =	dma.local [hbm:s12], $0x80  }
0x67: {  	s12 =	rddreg [dreg:$0xb]  }
0x68: {  	s15 =	rddreg [dreg:$0x1f]  }
0x69: {  	[spmem:s15], [sflag:s13] =	dma.local @!p2 [hbm:s12], $0x80  }
0x6a: {  	s15 =	sld [smem:$0x7FB];
	_ =	sdelay $0x1  }
0x6b: {  	s12 =	rddreg [dreg:$0xc]  }
0x6c: {  	[spmem:s15], [sflag:s13] =	dma.local @!p0 [hbm:s12], $0x80  }
0x6d: {  	s15 =	sld [smem:$0x7FC];
	_ =	sdelay $0x1  }
0x6e: {  	s12 =	rddreg [dreg:$0xd]  }
0x6f: {  	[spmem:s15], [sflag:s13] =	dma.local @!p1 [hbm:s12], $0x80  }
0x70: {  	_ =	swait.ge [sflag:s5], $0x80  }
0x71: {  	[sflag:s5] =	ssyncset.done $0x0  }
0x72: {  	[sflag:s5] =	ssyncadd.s32 $0xFFFFFF80  }
0x73: {  	_ =	swait.ge [sflag:s5], $0x80  }
0x74: {  	[sflag:s5] =	ssyncset.done $0x0  }
0x75: {  	[sflag:s5] =	ssyncadd.s32 $0xFFFFFF80  }
0x76: {  	_ =	swait.ge [sflag:s5], $0x80  }
0x77: {  	[sflag:s5] =	ssyncset.done $0x0  }
0x78: {  	[sflag:s5] =	ssyncadd.s32 $0xFFFFFF80  }
0x79: {  	_ =	swait.ge [sflag:s5], $0x80  }
0x7a: {  	[sflag:s5] =	ssyncset.done $0x0  }
0x7b: {  	[sflag:s5] =	ssyncadd.s32 $0xFFFFFF80  }
0x7c: {  	_ =	swait.ge [sflag:s5], $0x80  }
0x7d: {  	[sflag:s5] =	ssyncset.done $0x0  }
0x7e: {  	s12 =	simm.s32 @!p2 $0x1;
	[sflag:s5] =	ssyncadd.s32 $0xFFFFFF80  }
0x7f: {  	_ =	swait.ge @!p2 [sflag:s12], $0x80  }
0x80: {  	[sflag:s12] =	ssyncset.done @!p2 $0x0  }
0x81: {  	[sflag:s12] =	ssyncadd.s32 @!p2 $0xFFFFFF80;
	s12 =	simm.s32 @!p0 $0x1  }
0x82: {  	_ =	swait.ge @!p0 [sflag:s12], $0x80  }
0x83: {  	[sflag:s12] =	ssyncset.done @!p0 $0x0  }
0x84: {  	[sflag:s12] =	ssyncadd.s32 @!p0 $0xFFFFFF80;
	s12 =	simm.s32 @!p1 $0x1  }
0x85: {  	_ =	swait.ge @!p1 [sflag:s12], $0x80  }
0x86: {  	[sflag:s12] =	ssyncset.done @!p1 $0x0  }
0x87: {  	s8 =	simm.s32 $0xB;
	[sflag:s12] =	ssyncadd.s32 @!p1 $0xFFFFFF80  }
0x88: {  	_ =	swait.ge [sflag:s8], $0x1900  }
0x89: {  	[sflag:s8] =	ssyncset.done $0x0  }
0x8a: {  	[sflag:s8] =	ssyncadd.s32 $0xFFFFE700  }
0x8b: {  	s8 =	simm.s32 $0x3B40;
	[bflag:$0x0] =	sbarrier.arrive $0xFFFF  }
0x8c: {  	[tilespmem:s8], [sflag:$0x1] =	stream.indirect.gather [spmem:s2], $0x80, s26, s9, $0xb8;
	[tilespmem:$0x17B40] =	vst v63  }
0x8d: {  	s13 =	simm.s32 $0x1F80  }
0x8e: {  	[tilespmem:s28], [sflag:$0x2] =	stream.indirect.gather [spmem:s2], $0x80, s13, s9, $0xb8;
	[tilespmem:$0x17B40] =	vst v63  }
0x8f: {  	s15 =	simm.s32 $0x1FC0  }
0x90: {  	[tilespmem:s29], [sflag:$0x3] =	stream.indirect.gather [spmem:s2], $0x80, s15, s9, $0xb8;
	[tilespmem:$0x17B40] =	vst v63  }
0x91: {  	s0 =	simm.s32 $0x2000  }
0x92: {  	[tilespmem:s30], [sflag:$0x4] =	stream.indirect.gather [spmem:s2], $0x80, s0, s9, $0xb8;
	[tilespmem:$0x17B40] =	vst v63  }
0x93: {  	s1 =	simm.s32 $0x2040  }
0x94: {  	[tilespmem:s31], [sflag:$0x5] =	stream.indirect.gather [spmem:s2], $0x80, s1, s9, $0xb8;
	[tilespmem:$0x17B40] =	vst v63  }
0x95: {  	s3 =	simm.s32 $0x2080;
	s6 =	simm.s32 $0xDB40;
	s7 =	simm.s32 $0x20C0  }
0x96: {  	[tilespmem:s6], [sflag:$0x6] =	stream.indirect.gather [spmem:s2], $0x80, s3, s9, $0xb8;
	[tilespmem:$0x17B40] =	vst v63  }
0x97: {  	s12 =	simm.s32 $0x2100;
	s26 =	simm.s32 $0x3B40;
	s3 =	simm.s32 $0xFB40  }
0x98: {  	[tilespmem:s3], [sflag:$0x7] =	stream.indirect.gather [spmem:s2], $0x80, s7, s9, $0xb8;
	[tilespmem:$0x17B40] =	vst v63  }
0x99: {  	s8 =	simm.s32 $0xDB40;
	s13 =	simm.s32 $0x2140;
	s7 =	simm.s32 $0x11B40  }
0x9a: {  	[tilespmem:s7], [sflag:$0x8] =	stream.indirect.gather [spmem:s2], $0x80, s12, s9, $0xb8;
	[tilespmem:$0x17B40] =	vst v63  }
0x9b: {  	s15 =	simm.s32 $0x2180;
	s0 =	simm.s32 $0xFB40;
	s1 =	simm.s32 $0x13B40  }
0x9c: {  	[tilespmem:s1], [sflag:$0x9] =	stream.indirect.gather [spmem:s2], $0x80, s13, s9, $0xb8;
	[tilespmem:$0x17B40] =	vst v63  }
0x9d: {  	s6 =	simm.s32 $0x15B40;
	s3 =	simm.s32 $0x11B40;
	s12 =	rddreg [dreg:$0x2]  }
0x9e: {  	[tilespmem:s6], [sflag:$0xA] =	stream.indirect.gather [spmem:s2], $0x80, s15, s9, $0xb8;
	[tilespmem:$0x17B40] =	vst v63  }
0x9f: {  	s1 =	simm.s32 $0x13B40;
	s13 =	simm.s32 $0x0;
	s6 =	simm.s32 $0x15B40  }
.LBB2_2:
0xa0: {  	_ =	swait.ge [sflag:s5], $0x2000  }
0xa1: {  	[sflag:s5] =	ssyncset.done $0x0;
	s15 =	rddreg [dreg:$0x19]  }
0xa2: {  	s7 =	simm.s32 $0x2;
	[sflag:s5] =	ssyncadd.s32 $0xFFFFE000;
	s15 =	sadd.s32 s12, s15  }
0xa3: {  	[hbm4b:s15+s4] =	stream.linear.scatter [tilespmem:s26], [sflag:$0xB], $0x2000, $0x38;
	[tilespmem:$0x17B40] =	vst v63  }
0xa4: {  	_ =	swait.ge [sflag:s7], $0x2000  }
0xa5: {  	[sflag:s7] =	ssyncset.done $0x0  }
0xa6: {  	[sflag:s7] =	ssyncadd.s32 $0xFFFFE000;
	s7 =	rddreg [dreg:$0x18]  }
0xa7: {  	s26 =	simm.s32 $0x3;
	s15 =	sadd.s32 s12, s7  }
0xa8: {  	[hbm4b:s15+s4] =	stream.linear.scatter [tilespmem:s28], [sflag:$0xC], $0x2000, $0x38;
	[tilespmem:$0x17B40] =	vst v63  }
0xa9: {  	_ =	swait.ge [sflag:s26], $0x2000  }
0xaa: {  	[sflag:s26] =	ssyncset.done $0x0;
	s7 =	rddreg [dreg:$0x17]  }
0xab: {  	[sflag:s26] =	ssyncadd.s32 $0xFFFFE000;
	s15 =	sadd.s32 s12, s7;
	s26 =	simm.s32 $0x4  }
0xac: {  	[hbm4b:s15+s4] =	stream.linear.scatter [tilespmem:s29], [sflag:$0xD], $0x2000, $0x38;
	[tilespmem:$0x17B40] =	vst v63  }
0xad: {  	_ =	swait.ge [sflag:s26], $0x2000  }
0xae: {  	[sflag:s26] =	ssyncset.done $0x0;
	s7 =	rddreg [dreg:$0x16]  }
0xaf: {  	[sflag:s26] =	ssyncadd.s32 $0xFFFFE000;
	s15 =	sadd.s32 s12, s7;
	s26 =	simm.s32 $0x5  }
0xb0: {  	[hbm4b:s15+s4] =	stream.linear.scatter [tilespmem:s30], [sflag:$0xE], $0x2000, $0x38;
	[tilespmem:$0x17B40] =	vst v63  }
0xb1: {  	_ =	swait.ge [sflag:s26], $0x2000  }
0xb2: {  	[sflag:s26] =	ssyncset.done $0x0;
	s7 =	rddreg [dreg:$0x15]  }
0xb3: {  	[sflag:s26] =	ssyncadd.s32 $0xFFFFE000;
	s15 =	sadd.s32 s12, s7;
	s26 =	simm.s32 $0x6  }
0xb4: {  	[hbm4b:s15+s4] =	stream.linear.scatter [tilespmem:s31], [sflag:$0xF], $0x2000, $0x38;
	[tilespmem:$0x17B40] =	vst v63  }
0xb5: {  	_ =	swait.ge [sflag:s26], $0x2000  }
0xb6: {  	[sflag:s26] =	ssyncset.done $0x0;
	s7 =	rddreg [dreg:$0x14]  }
0xb7: {  	[sflag:s26] =	ssyncadd.s32 $0xFFFFE000;
	s15 =	sadd.s32 s12, s7  }
0xb8: {  	[hbm4b:s15+s4] =	stream.linear.scatter [tilespmem:s8], [sflag:$0x10], $0x2000, $0x38;
	[tilespmem:$0x17B40] =	vst v63  }
0xb9: {  	_ =	swait.ge [sflag:s14], $0x2000  }
0xba: {  	[sflag:s14] =	ssyncset.done $0x0;
	s26 =	rddreg [dreg:$0x13]  }
0xbb: {  	[sflag:s14] =	ssyncadd.s32 $0xFFFFE000;
	s15 =	sadd.s32 s12, s26  }
0xbc: {  	[hbm4b:s15+s4] =	stream.linear.scatter [tilespmem:s0], [sflag:$0x11], $0x2000, $0x38;
	[tilespmem:$0x17B40] =	vst v63  }
0xbd: {  	_ =	swait.ge [sflag:s16], $0x2000  }
0xbe: {  	[sflag:s16] =	ssyncset.done $0x0;
	s0 =	rddreg [dreg:$0x12]  }
0xbf: {  	[sflag:s16] =	ssyncadd.s32 $0xFFFFE000;
	s15 =	sadd.s32 s12, s0  }
0xc0: {  	[hbm4b:s15+s4] =	stream.linear.scatter [tilespmem:s3], [sflag:$0x12], $0x2000, $0x38;
	[tilespmem:$0x17B40] =	vst v63  }
0xc1: {  	p3 =	seq.s32 s13, $0x5A00;
	_ =	swait.ge [sflag:s17], $0x2000  }
0xc2: {  	s28 =	simm.s32 $0x3B40;
	[sflag:s17] =	ssyncset.done $0x0;
	s7 =	rddreg [dreg:$0x11]  }
0xc3: {  	s29 =	simm.s32 $0x5B40;
	[sflag:s17] =	ssyncadd.s32 $0xFFFFE000;
	s15 =	sadd.s32 s12, s7  }
0xc4: {  	[hbm4b:s15+s4] =	stream.linear.scatter [tilespmem:s1], [sflag:$0x13], $0x2000, $0x38;
	[tilespmem:$0x17B40] =	vst v63  }
0xc5: {  	s30 =	simm.s32 $0x7B40;
	s31 =	simm.s32 $0x9B40;
	_ =	swait.ge [sflag:s18], $0x2000  }
0xc6: {  	s26 =	simm.s32 $0xB;
	[sflag:s18] =	ssyncset.done $0x0;
	s8 =	rddreg [dreg:$0x10]  }
.Ltmp2:
0xc7: {  	[sflag:s18] =	ssyncadd.s32 $0xFFFFE000;
	s15 =	sadd.s32 s12, s8;
	(pc) =	sbr.rel @p3 .LBB2_4-.Ltmp2, $4  }
0xc8: {  	[hbm4b:s15+s4] =	stream.linear.scatter [tilespmem:s6], [sflag:$0x14], $0x2000, $0x38;
	[tilespmem:$0x17B40] =	vst v63  }
0xc9: {  	s0 =	simm.s32 $0xDB40;
	s3 =	simm.s32 $0xFB40;
	_ =	swait.ge [sflag:s26], $0x2000  }
0xca: {  	s7 =	simm.s32 $0x11B40;
	s1 =	simm.s32 $0x13B40;
	[sflag:s26] =	ssyncset.done $0x0  }
0xcb: {  	s8 =	simm.s32 $0xBB40;
	s6 =	simm.s32 $0x15B40;
	[sflag:s26] =	ssyncadd.s32 $0xFFFFE000  }
0xcc: {  	s15 =	sshra.s32 s13, $0x2  }
0xcd: {  	s26 =	sadd.s32 $0x21C0, s15  }
0xce: {  	[tilespmem:s28], [sflag:$0x1] =	stream.indirect.gather [spmem:s2], $0x80, s26, s9, $0xb8;
	[tilespmem:$0x17B40] =	vst v63  }
0xcf: {  	_ =	swait.ge [sflag:s19], $0x2000  }
0xd0: {  	[sflag:s19] =	ssyncset.done $0x0  }
0xd1: {  	s26 =	sadd.s32 $0x2200, s15;
	[sflag:s19] =	ssyncadd.s32 $0xFFFFE000  }
0xd2: {  	[tilespmem:s29], [sflag:$0x2] =	stream.indirect.gather [spmem:s2], $0x80, s26, s9, $0xb8;
	[tilespmem:$0x17B40] =	vst v63  }
0xd3: {  	_ =	swait.ge [sflag:s20], $0x2000  }
0xd4: {  	[sflag:s20] =	ssyncset.done $0x0  }
0xd5: {  	s26 =	sadd.s32 $0x2240, s15;
	[sflag:s20] =	ssyncadd.s32 $0xFFFFE000  }
0xd6: {  	[tilespmem:s30], [sflag:$0x3] =	stream.indirect.gather [spmem:s2], $0x80, s26, s9, $0xb8;
	[tilespmem:$0x17B40] =	vst v63  }
0xd7: {  	_ =	swait.ge [sflag:s21], $0x2000  }
0xd8: {  	[sflag:s21] =	ssyncset.done $0x0  }
0xd9: {  	s26 =	sadd.s32 $0x2280, s15;
	[sflag:s21] =	ssyncadd.s32 $0xFFFFE000  }
0xda: {  	[tilespmem:s31], [sflag:$0x4] =	stream.indirect.gather [spmem:s2], $0x80, s26, s9, $0xb8;
	[tilespmem:$0x17B40] =	vst v63  }
0xdb: {  	_ =	swait.ge [sflag:s22], $0x2000  }
0xdc: {  	[sflag:s22] =	ssyncset.done $0x0  }
0xdd: {  	s26 =	sadd.s32 $0x22C0, s15;
	[sflag:s22] =	ssyncadd.s32 $0xFFFFE000  }
0xde: {  	[tilespmem:s8], [sflag:$0x5] =	stream.indirect.gather [spmem:s2], $0x80, s26, s9, $0xb8;
	[tilespmem:$0x17B40] =	vst v63  }
0xdf: {  	_ =	swait.ge [sflag:s23], $0x2000  }
0xe0: {  	[sflag:s23] =	ssyncset.done $0x0  }
0xe1: {  	s8 =	sadd.s32 $0x2300, s15;
	[sflag:s23] =	ssyncadd.s32 $0xFFFFE000  }
0xe2: {  	[tilespmem:s0], [sflag:$0x6] =	stream.indirect.gather [spmem:s2], $0x80, s8, s9, $0xb8;
	[tilespmem:$0x17B40] =	vst v63  }
0xe3: {  	_ =	swait.ge [sflag:s24], $0x2000  }
0xe4: {  	[sflag:s24] =	ssyncset.done $0x0  }
0xe5: {  	s0 =	sadd.s32 $0x2340, s15;
	[sflag:s24] =	ssyncadd.s32 $0xFFFFE000  }
0xe6: {  	[tilespmem:s3], [sflag:$0x7] =	stream.indirect.gather [spmem:s2], $0x80, s0, s9, $0xb8;
	[tilespmem:$0x17B40] =	vst v63  }
0xe7: {  	_ =	swait.ge [sflag:s25], $0x2000  }
0xe8: {  	[sflag:s25] =	ssyncset.done $0x0  }
0xe9: {  	s3 =	sadd.s32 $0x2380, s15;
	[sflag:s25] =	ssyncadd.s32 $0xFFFFE000  }
0xea: {  	[tilespmem:s7], [sflag:$0x8] =	stream.indirect.gather [spmem:s2], $0x80, s3, s9, $0xb8;
	[tilespmem:$0x17B40] =	vst v63  }
0xeb: {  	s13 =	sadd.s32 $0xA00, s13;
	s12 =	sadd.s32 $0x50000, s12;
	_ =	swait.ge [sflag:s10], $0x2000  }
0xec: {  	s28 =	simm.s32 $0x5B40;
	s29 =	simm.s32 $0x7B40;
	[sflag:s10] =	ssyncset.done $0x0  }
0xed: {  	s30 =	simm.s32 $0x9B40;
	s8 =	sadd.s32 $0x23C0, s15;
	[sflag:s10] =	ssyncadd.s32 $0xFFFFE000  }
0xee: {  	[tilespmem:s1], [sflag:$0x9] =	stream.indirect.gather [spmem:s2], $0x80, s8, s9, $0xb8;
	[tilespmem:$0x17B40] =	vst v63  }
.Ltmp3:
0xef: {  	s31 =	simm.s32 $0xBB40;
	_ =	swait.ge [sflag:s11], $0x2000;
	(pc) =	sbr.rel .LBB2_2-.Ltmp3, $4  }
0xf0: {  	s26 =	simm.s32 $0x3B40;
	s15 =	sadd.s32 $0x2400, s15;
	[sflag:s11] =	ssyncset.done $0x0  }
0xf1: {  	s0 =	simm.s32 $0xFB40;
	s3 =	simm.s32 $0x11B40;
	[sflag:s11] =	ssyncadd.s32 $0xFFFFE000  }
0xf2: {  	[tilespmem:s6], [sflag:$0xA] =	stream.indirect.gather [spmem:s2], $0x80, s15, s9, $0xb8;
	[tilespmem:$0x17B40] =	vst v63  }
0xf3: {  	s8 =	simm.s32 $0xDB40;
	s1 =	simm.s32 $0x13B40;
	s6 =	simm.s32 $0x15B40  }
.LBB2_5:
0xf4: {  	_ =	sfence.sel $0x180000  }
0xf5: {  	[bflag:$0x0] =	sbarrier.arrive $0xFFFF  }
0xf6: {  	_ =	strace $0x90000047  }
0xf7: {  	s0 =	stileid.u32;
	[bflag:$0x2] =	sbarrier.arrive $0xFFFF  }
0xf8: {  	p0 =	sne.s32 s0, $0x0;
	s0 =	rddreg [dreg:$0x4]  }
0xf9: {  	s0 =	sadd.s32 @!p0 $0x100000, s0  }
0xfa: {  	[sflag:s0] =	ssyncadd.tile.s32 @!p0 $0x1;
	_ =	shalt  }
.Lfunc_end2:
_tile_overlayer_lowered:
.L_overlay_start_2:
0xfb: {  	(tag) =	ssettag $0x2  }
0xfc: {  	s0 =	rddreg [dreg:$0x0];
	s2 =	stileid.u32  }
0xfd: {  	s1 =	rddreg [dreg:$0x1];
	p0 =	sne.s32 s2, $0x0  }
0xfe: {  	s3 =	rddreg [dreg:$0x2];
	[bflag:$0x3] =	sbarrier.arrive $0xFFFF;
	s2 =	simm.s32 @!p0 $0x1C15  }
0xff: {  	[timem:s3], [sflag:s2] =	dma.local @!p0 [hbm:s0], s1  }
0x100: {  	s0 =	simm.s32 @!p0 $0x15  }
0x101: {  	_ =	swait.ge @!p0 [sflag:s0], s1  }
0x102: {  	s1 =	ssub.s32 @!p0 $0x0, s1;
	[sflag:s0] =	ssyncset.done @!p0 $0x0  }
0x103: {  	[sflag:s0] =	ssyncadd.s32 @!p0 s1  }
0x104: {  	[bflag:$0x3] =	sbarrier.arrive $0xFFFF  }
0x105: {  	_ =	shalt  }

</sc_bundles>
